<compile_context>
chip_gen: v7x
topology: tpu7x:2x2x1
jax: 0.10.2.dev20260603
libtpu: 0.0.44.dev20260713+nightly
codegen_flags: <defaults>
</compile_context>

<pallas_src>
import functools

import jax
import jax.numpy as jnp
from jax import lax
from jax.experimental import pallas as pl
from jax.experimental.pallas import tpu as pltpu
from jax.experimental.pallas import tpu_sc as plsc

_PAD = 1
_B, _S, _D = 4, 2048, 1024
_NC, _NS, _L = 2, 16, 16
_NW = _NC * _NS
_TPW = (_B * _S) // _NW
_WPR = _NW // _B
_G = 16
_NCH = _TPW // _G
_DT = 2
_DP = 4

_mesh = plsc.VectorSubcoreMesh(core_axis_name="c", subcore_axis_name="s")


@functools.partial(
    pl.kernel,
    out_type=(
        jax.ShapeDtypeStruct((_B, _S, _D), jnp.float32),
        jax.ShapeDtypeStruct((_B, _S), jnp.int32),
    ),
    mesh=_mesh,
    scratch_types=[
        pltpu.VMEM((_S,), jnp.int32),
        pltpu.VMEM((_TPW,), jnp.int32),
        pltpu.VMEM((_TPW,), jnp.int32),
        pltpu.VMEM((_DT, _G, _D), jnp.float32),
        pltpu.VMEM((_DP, _G, _D), jnp.float32),
        pltpu.SemaphoreType.DMA((_DT,)),
        pltpu.SemaphoreType.DMA((_DP,)),
        pltpu.SemaphoreType.DMA((_DP,)),
    ],
    compiler_params=pltpu.CompilerParams(needs_layout_passes=False),
)
def _embed_kernel(ids_hbm, tok_hbm, pos_hbm, out_hbm, attn_hbm,
                  row_v, pid_v, attn_v, tokb, posb, semt, semp, semo):
    wid = lax.axis_index("s") * _NC + lax.axis_index("c")
    brow = wid // _WPR
    o = (wid % _WPR) * _TPW

    pltpu.sync_copy(ids_hbm.at[brow], row_v)

    def _tok_copy(ch, bt):
        return pltpu.make_async_copy(
            tok_hbm.at[row_v.at[pl.ds(o + ch * _G, _G)]], tokb.at[bt],
            semt.at[bt])

    def _pos_copy(ch, bp):
        return pltpu.make_async_copy(
            pos_hbm.at[pid_v.at[pl.ds(ch * _G, _G)]], posb.at[bp],
            semp.at[bp])

    def _out_copy(ch, bp):
        return pltpu.make_async_copy(
            posb.at[bp],
            out_hbm.at[brow, pl.ds(o + ch * _G, _G), :],
            semo.at[bp])

    _tok_copy(0, 0).start()
    _tok_copy(1, 1).start()

    def _pc_body(i, acc):
        ids16 = row_v[pl.ds(i * _L, _L)]
        take = (ids16 != _PAD) & (i * _L < o)
        return acc + jnp.where(take, 1, 0)

    acc = lax.fori_loop(0, _S // _L, _pc_body, jnp.zeros((_L,), jnp.int32))
    carry0 = jnp.sum(acc)

    def _pos_body(k, carry):
        ids16 = row_v[pl.ds(o + k * _L, _L)]
        attn16 = jnp.where(ids16 != _PAD, 1, 0)
        cum = plsc.cumsum(attn16)
        pos16 = jnp.maximum(carry + cum - 1, 0)
        pid_v[pl.ds(k * _L, _L)] = pos16
        attn_v[pl.ds(k * _L, _L)] = attn16
        return carry + jnp.sum(attn16)

    lax.fori_loop(0, _TPW // _L, _pos_body, carry0)

    _pos_copy(0, 0).start()
    _pos_copy(1, 1).start()
    pltpu.sync_copy(attn_v, attn_hbm.at[brow, pl.ds(o, _TPW)])

    def _accum_out(ch, bt, bp):
        tr, pr = tokb.at[bt], posb.at[bp]

        @plsc.parallel_loop(0, _D // _L)
        def _(j):
            for r in range(_G):
                x = tr[r, pl.ds(j * _L, _L)]
                plsc.addupdate(pr.at[r, pl.ds(j * _L, _L)], x)

        _out_copy(ch, bp).start()

    def _core(g, _):
        for b in range(_DP):
            ch = g * _DP + b
            bt, bp = b % _DT, b % _DP
            nbp = (b + 2) % _DP
            if b < 2:
                @pl.when(ch >= 2)
                def _():
                    _out_copy(ch - 2, nbp).wait()
                _pos_copy(ch + 2, nbp).start()
                _tok_copy(ch, bt).wait()
                _pos_copy(ch, bp).wait()
                _accum_out(ch, bt, bp)
                _tok_copy(ch + 2, (b + 2) % _DT).start()
            else:
                _out_copy(ch - 2, nbp).wait()

                @pl.when(ch + 2 < _NCH)
                def _():
                    _pos_copy(ch + 2, nbp).start()
                _tok_copy(ch, bt).wait()
                _pos_copy(ch, bp).wait()
                _accum_out(ch, bt, bp)

                @pl.when(ch + 2 < _NCH)
                def _():
                    _tok_copy(ch + 2, (b + 2) % _DT).start()
        return 0

    lax.fori_loop(0, _NCH // _DP, _core, 0)

    for ch in range(_NCH - 2, _NCH):
        _out_copy(ch, ch % _DP).wait()


def kernel(input_ids, embed_tokens, embed_positions):
    return _embed_kernel(input_ids, embed_tokens, embed_positions)

# --- scband reference (transcript-rebuilt; emitter-appended) ---
"""Pipeline reference for scband-embedding-pipe-22703197127220 (READ-ONLY COPY).

The authoritative reference and input builder live on the scoring server;
editing this copy changes nothing except your own understanding.
"""

import jax, jax.numpy as jnp
import numpy as np

VOCAB = 50272
D = 1024
B = 4
S = 2048
PAD = 1


def setup_inputs(seed: int = 0) -> dict:
    key = jax.random.key(seed)
    k1, k2, k3 = jax.random.split(key, 3)
    input_ids = jax.random.randint(k1, (B, S), 0, VOCAB, dtype=jnp.int32)
    embed_tokens = jax.random.normal(k2, (VOCAB, D), dtype=jnp.float32) * 0.02
    embed_positions = jax.random.normal(k3, (S, D), dtype=jnp.float32) * 0.02
    return {"input_ids": input_ids, "embed_tokens": embed_tokens, "embed_positions": embed_positions}


def reference(input_ids, embed_tokens, embed_positions):
    # attn mask derived from padding_idx when not provided
    attn = (input_ids != PAD).astype(jnp.int32)
    # position ids = cumsum(attn) - 1, clamped at 0
    position_ids = jnp.clip(jnp.cumsum(attn, axis=1) - 1, 0, None)
    pos_emb = jnp.take(embed_positions, position_ids, axis=0)
    tok_emb = jnp.take(embed_tokens, input_ids, axis=0)
    hidden = tok_emb + pos_emb  # project_in is None
    return (hidden, attn)

if __name__ == "__main__":
    import jax
    _d = setup_inputs()
    print(jax.jit(kernel)(*tuple(_d.values())))

</pallas_src>

<mosaic_0001>
#map = affine_map<(d0, d1) -> (0, 0)>
#map1 = affine_map<(d0, d1) -> (0, 0, 0)>
module attributes {stable_mosaic.version = 14 : i64} {
  func.func @_embed_kernel(%arg0: i32, %arg1: i32, %arg2: memref<4x2048xi32, #tpu.memory_space<hbm>>, %arg3: memref<50272x1024xf32, #tpu.memory_space<hbm>>, %arg4: memref<2048x1024xf32, #tpu.memory_space<hbm>>, %arg5: memref<4x2048x1024xf32, #tpu.memory_space<hbm>>, %arg6: memref<4x2048xi32, #tpu.memory_space<hbm>>, %arg7: memref<2048xi32, #tpu.memory_space<vmem>>, %arg8: memref<256xi32, #tpu.memory_space<vmem>>, %arg9: memref<256xi32, #tpu.memory_space<vmem>>, %arg10: memref<2x16x1024xf32, #tpu.memory_space<vmem>>, %arg11: memref<4x16x1024xf32, #tpu.memory_space<vmem>>, %arg12: memref<2x!tpu.dma_semaphore, #tpu.memory_space<semaphore_mem>>, %arg13: memref<4x!tpu.dma_semaphore, #tpu.memory_space<semaphore_mem>>, %arg14: memref<4x!tpu.dma_semaphore, #tpu.memory_space<semaphore_mem>>) attributes {dimension_semantics = [#tpu.dimension_semantics<core_parallel>, #tpu.dimension_semantics<subcore_parallel>], iteration_bounds = array<i64: 2, 16>, scalar_prefetch = 0 : i64, scratch_operands = 8 : i64, tpu.core_type = #tpu.core_type<sc_vector_subcore>, window_params = [{transform_indices = #map}, {transform_indices = #map}, {transform_indices = #map}, {transform_indices = #map1}, {transform_indices = #map}]} {
    %mul3A = arith.constant 2 : i32
    %mul3A_0 = arith.muli %arg1, %mul3A : i32
    %add3A = arith.addi %mul3A_0, %arg0 : i32
    %jit3A = arith.constant 8 : i32
    %div3A = arith.divsi %add3A, %jit3A : i32
    %sign3A = arith.constant 0 : i32
    %sign3A_1 = arith.cmpi sgt, %add3A, %sign3A : i32
    %sign3A_2 = arith.extui %sign3A_1 : i1 to i32
    %sign3A_3 = arith.constant 0 : i32
    %sign3A_4 = arith.cmpi slt, %add3A, %sign3A_3 : i32
    %sign3A_5 = arith.extui %sign3A_4 : i1 to i32
    %sign3A_6 = arith.subi %sign3A_2, %sign3A_5 : i32
    %sign3A_7 = arith.constant 0 : i32
    %sign3A_8 = arith.cmpi sgt, %jit3A, %sign3A_7 : i32
    %sign3A_9 = arith.extui %sign3A_8 : i1 to i32
    %sign3A_10 = arith.constant 0 : i32
    %sign3A_11 = arith.cmpi slt, %jit3A, %sign3A_10 : i32
    %sign3A_12 = arith.extui %sign3A_11 : i1 to i32
    %sign3A_13 = arith.subi %sign3A_9, %sign3A_12 : i32
    %ne3A = arith.cmpi ne, %sign3A_6, %sign3A_13 : i32
    %rem3A = arith.remsi %add3A, %jit3A : i32
    %ne3A_14 = arith.constant 0 : i32
    %ne3A_15 = arith.cmpi ne, %rem3A, %ne3A_14 : i32
    %and3A = arith.andi %ne3A, %ne3A_15 : i1
    %sub3A = arith.constant 1 : i32
    %sub3A_16 = arith.subi %div3A, %sub3A : i32
    %select_n3A = arith.select %and3A, %sub3A_16, %div3A : i32
    %jit3A_17 = arith.constant 8 : i32
    %eq3A = arith.constant 0 : i32
    %eq3A_18 = arith.cmpi eq, %jit3A_17, %eq3A : i32
    %jit3A_19 = arith.constant 1 : i32
    %select_n3A_20 = arith.select %eq3A_18, %jit3A_19, %jit3A_17 : i32
    %rem3A_21 = arith.remsi %add3A, %select_n3A_20 : i32
    %ne3A_22 = arith.constant 0 : i32
    %ne3A_23 = arith.cmpi ne, %rem3A_21, %ne3A_22 : i32
    %lt3A = arith.constant 0 : i32
    %lt3A_24 = arith.cmpi slt, %rem3A_21, %lt3A : i32
    %lt3A_25 = arith.constant 0 : i32
    %lt3A_26 = arith.cmpi slt, %select_n3A_20, %lt3A_25 : i32
    %ne3A_27 = arith.xori %lt3A_24, %lt3A_26 : i1
    %and3A_28 = arith.andi %ne3A_27, %ne3A_23 : i1
    %add3A_29 = arith.addi %rem3A_21, %select_n3A_20 : i32
    %select_n3A_30 = arith.select %and3A_28, %add3A_29, %rem3A_21 : i32
    %mul3A_31 = arith.constant 256 : i32
    %mul3A_32 = arith.muli %select_n3A_30, %mul3A_31 : i32
    "tpu.region"() ({
      %run_scoped3A = tpu.sem_alloc : memref<!tpu.dma_semaphore, #tpu.memory_space<semaphore_mem>>
      %dma_start3A_147 = arith.constant 0 : i32
      %dma_start3A_148 = tpu.memref_slice %arg2[%select_n3A, %dma_start3A_147] : memref<4x2048xi32, #tpu.memory_space<hbm>> -> memref<1x2048xi32, #tpu.memory_space<hbm>>
      %dma_start3A_149 = tpu.memref_squeeze %dma_start3A_148 : memref<1x2048xi32, #tpu.memory_space<hbm>> -> memref<2048xi32, #tpu.memory_space<hbm>>
      %dma_start3A_150 = arith.constant 0 : i32
      %dma_start3A_151 = tpu.memref_slice %arg2[%select_n3A, %dma_start3A_150] : memref<4x2048xi32, #tpu.memory_space<hbm>> -> memref<1x2048xi32, #tpu.memory_space<hbm>>
      %dma_start3A_152 = tpu.memref_squeeze %dma_start3A_151 : memref<1x2048xi32, #tpu.memory_space<hbm>> -> memref<2048xi32, #tpu.memory_space<hbm>>
      tpu.enqueue_dma source(%dma_start3A_152 : memref<2048xi32, #tpu.memory_space<hbm>>) target(%arg7 : memref<2048xi32, #tpu.memory_space<vmem>>) target_semaphore(%run_scoped3A : memref<!tpu.dma_semaphore, #tpu.memory_space<semaphore_mem>>)
      %dma_wait3A_153 = arith.constant 0 : i32
      %dma_wait3A_154 = tpu.memref_slice %arg2[%select_n3A, %dma_wait3A_153] : memref<4x2048xi32, #tpu.memory_space<hbm>> -> memref<1x2048xi32, #tpu.memory_space<hbm>>
      %dma_wait3A_155 = tpu.memref_squeeze %dma_wait3A_154 : memref<1x2048xi32, #tpu.memory_space<hbm>> -> memref<2048xi32, #tpu.memory_space<hbm>>
      %dma_wait3A_156 = arith.constant 0 : i32
      %dma_wait3A_157 = tpu.memref_slice %arg2[%select_n3A, %dma_wait3A_156] : memref<4x2048xi32, #tpu.memory_space<hbm>> -> memref<1x2048xi32, #tpu.memory_space<hbm>>
      %dma_wait3A_158 = tpu.memref_squeeze %dma_wait3A_157 : memref<1x2048xi32, #tpu.memory_space<hbm>> -> memref<2048xi32, #tpu.memory_space<hbm>>
      tpu.wait_dma2 semaphore(%run_scoped3A : memref<!tpu.dma_semaphore, #tpu.memory_space<semaphore_mem>>) src(%dma_wait3A_158 : memref<2048xi32, #tpu.memory_space<hbm>>) dst(%arg7 : memref<2048xi32, #tpu.memory_space<vmem>>)
      tpu.yield
    }) : () -> ()
    %add3A_33 = arith.constant 0 : i32
    %add3A_34 = arith.addi %mul3A_32, %add3A_33 : i32
    %dma_start3A = arith.constant 0 : i32
    %dma_start3A_35 = arith.constant 0 : i32
    %dma_start3A_36 = arith.constant 0 : i32
    %dma_start3A_37 = arith.constant 0 : i32
    %dma_start3A_38 = tpu.memref_slice %arg10[%dma_start3A, %dma_start3A_36, %dma_start3A_37] : memref<2x16x1024xf32, #tpu.memory_space<vmem>> -> memref<1x16x1024xf32, #tpu.memory_space<vmem>>
    %dma_start3A_39 = tpu.memref_squeeze %dma_start3A_38 : memref<1x16x1024xf32, #tpu.memory_space<vmem>> -> memref<16x1024xf32, #tpu.memory_space<vmem>>
    %dma_start3A_40 = tpu.memref_slice %arg7[%add3A_34] : memref<2048xi32, #tpu.memory_space<vmem>> -> memref<16xi32, #tpu.memory_space<vmem>>
    %dma_start3A_41 = arith.constant 0 : i32
    %dma_start3A_42 = arith.constant 0 : i32
    %dma_start3A_43 = tpu.memref_slice %arg3[%dma_start3A_41, %dma_start3A_42] : memref<50272x1024xf32, #tpu.memory_space<hbm>> -> memref<50272x1024xf32, #tpu.memory_space<hbm>>
    %dma_start3A_44 = tpu.memref_slice %arg12[%dma_start3A_35] : memref<2x!tpu.dma_semaphore, #tpu.memory_space<semaphore_mem>> -> memref<1x!tpu.dma_semaphore, #tpu.memory_space<semaphore_mem>>
    %dma_start3A_45 = tpu.memref_squeeze %dma_start3A_44 : memref<1x!tpu.dma_semaphore, #tpu.memory_space<semaphore_mem>> -> memref<!tpu.dma_semaphore, #tpu.memory_space<semaphore_mem>>
    tpu.enqueue_indirect_dma source(%dma_start3A_43 : memref<50272x1024xf32, #tpu.memory_space<hbm>>) target(%dma_start3A_39 : memref<16x1024xf32, #tpu.memory_space<vmem>>) offsets(%dma_start3A_40 : memref<16xi32, #tpu.memory_space<vmem>>) semaphore(%dma_start3A_45 : memref<!tpu.dma_semaphore, #tpu.memory_space<semaphore_mem>>)
    %add3A_46 = arith.constant 16 : i32
    %add3A_47 = arith.addi %mul3A_32, %add3A_46 : i32
    %dma_start3A_48 = arith.constant 1 : i32
    %dma_start3A_49 = arith.constant 1 : i32
    %dma_start3A_50 = arith.constant 0 : i32
    %dma_start3A_51 = arith.constant 0 : i32
    %dma_start3A_52 = tpu.memref_slice %arg10[%dma_start3A_48, %dma_start3A_50, %dma_start3A_51] : memref<2x16x1024xf32, #tpu.memory_space<vmem>> -> memref<1x16x1024xf32, #tpu.memory_space<vmem>>
    %dma_start3A_53 = tpu.memref_squeeze %dma_start3A_52 : memref<1x16x1024xf32, #tpu.memory_space<vmem>> -> memref<16x1024xf32, #tpu.memory_space<vmem>>
    %dma_start3A_54 = tpu.memref_slice %arg7[%add3A_47] : memref<2048xi32, #tpu.memory_space<vmem>> -> memref<16xi32, #tpu.memory_space<vmem>>
    %dma_start3A_55 = arith.constant 0 : i32
    %dma_start3A_56 = arith.constant 0 : i32
    %dma_start3A_57 = tpu.memref_slice %arg3[%dma_start3A_55, %dma_start3A_56] : memref<50272x1024xf32, #tpu.memory_space<hbm>> -> memref<50272x1024xf32, #tpu.memory_space<hbm>>
    %dma_start3A_58 = tpu.memref_slice %arg12[%dma_start3A_49] : memref<2x!tpu.dma_semaphore, #tpu.memory_space<semaphore_mem>> -> memref<1x!tpu.dma_semaphore, #tpu.memory_space<semaphore_mem>>
    %dma_start3A_59 = tpu.memref_squeeze %dma_start3A_58 : memref<1x!tpu.dma_semaphore, #tpu.memory_space<semaphore_mem>> -> memref<!tpu.dma_semaphore, #tpu.memory_space<semaphore_mem>>
    tpu.enqueue_indirect_dma source(%dma_start3A_57 : memref<50272x1024xf32, #tpu.memory_space<hbm>>) target(%dma_start3A_53 : memref<16x1024xf32, #tpu.memory_space<vmem>>) offsets(%dma_start3A_54 : memref<16xi32, #tpu.memory_space<vmem>>) semaphore(%dma_start3A_59 : memref<!tpu.dma_semaphore, #tpu.memory_space<semaphore_mem>>)
    %broadcast_in_dim3A = arith.constant 0 : i32
    %broadcast_in_dim3A_60 = vector.broadcast %broadcast_in_dim3A : i32 to vector<16xi32>
    %scan3A = arith.constant 0 : i32
    %scan3A_61 = arith.constant 128 : i32
    %scan3A_62 = arith.addi %scan3A, %scan3A_61 : i32
    %scan3A_63 = arith.constant 1 : i32
    %scan3A_64 = scf.for %scan3A_147 = %scan3A to %scan3A_62 step %scan3A_63 iter_args(%scan3A_148 = %broadcast_in_dim3A_60) -> (vector<16xi32>)  : i32 {
      %mul3A_149 = arith.constant 16 : i32
      %mul3A_150 = arith.muli %scan3A_147, %mul3A_149 : i32
      %get3A = arith.index_cast %mul3A_150 : i32 to index
      %get3A_151 = tpu.vector_load %arg7[%get3A] {strides = array<i32>} : memref<2048xi32, #tpu.memory_space<vmem>>, vector<16xi32>,
      %ne3A_152 = arith.constant 1 : i32
      %ne3A_153 = vector.broadcast %ne3A_152 : i32 to vector<16xi32>
      %ne3A_154 = arith.cmpi ne, %get3A_151, %ne3A_153 : vector<16xi32>
      %mul3A_155 = arith.constant 16 : i32
      %mul3A_156 = arith.muli %scan3A_147, %mul3A_155 : i32
      %lt3A_157 = arith.cmpi slt, %mul3A_156, %mul3A_32 : i32
      %and3A_158 = vector.broadcast %lt3A_157 : i1 to vector<16xi1>
      %and3A_159 = arith.andi %ne3A_154, %and3A_158 : vector<16xi1>
      %jit3A_160 = arith.constant 1 : i32
      %jit3A_161 = arith.constant 0 : i32
      %broadcast_in_dim3A_162 = vector.broadcast %jit3A_160 : i32 to vector<16xi32>
      %broadcast_in_dim3A_163 = vector.broadcast %jit3A_161 : i32 to vector<16xi32>
      %select_n3A_164 = arith.select %and3A_159, %broadcast_in_dim3A_162, %broadcast_in_dim3A_163 : vector<16xi1>, vector<16xi32>
      %add3A_165 = arith.addi %scan3A_148, %select_n3A_164 : vector<16xi32>
      scf.yield %add3A_165 : vector<16xi32>
    }
    %scan3A_65 = arith.constant 128 : i32
    %reduce_sum3A = arith.constant true
    %reduce_sum3A_66 = vector.broadcast %reduce_sum3A : i1 to vector<16xi1>
    %reduce_sum3A_67 = tpu.scan <sum>, %scan3A_64 masked %reduce_sum3A_66 : vector<16xi32>, vector<16xi1> -> vector<16xi32>
    %reduce_sum3A_68 = vector.extract %reduce_sum3A_67[15] : i32 from vector<16xi32>
    %scan3A_69 = arith.constant 0 : i32
    %scan3A_70 = arith.constant 16 : i32
    %scan3A_71 = arith.addi %scan3A_69, %scan3A_70 : i32
    %scan3A_72 = arith.constant 1 : i32
    %scan3A_73 = scf.for %scan3A_147 = %scan3A_69 to %scan3A_71 step %scan3A_72 iter_args(%scan3A_148 = %reduce_sum3A_68) -> (i32)  : i32 {
      %mul3A_149 = arith.constant 16 : i32
      %mul3A_150 = arith.muli %scan3A_147, %mul3A_149 : i32
      %add3A_151 = arith.addi %mul3A_32, %mul3A_150 : i32
      %get3A = arith.index_cast %add3A_151 : i32 to index
      %get3A_152 = tpu.vector_load %arg7[%get3A] {strides = array<i32>} : memref<2048xi32, #tpu.memory_space<vmem>>, vector<16xi32>,
      %ne3A_153 = arith.constant 1 : i32
      %ne3A_154 = vector.broadcast %ne3A_153 : i32 to vector<16xi32>
      %ne3A_155 = arith.cmpi ne, %get3A_152, %ne3A_154 : vector<16xi32>
      %jit3A_156 = arith.constant 1 : i32
      %jit3A_157 = arith.constant 0 : i32
      %broadcast_in_dim3A_158 = vector.broadcast %jit3A_156 : i32 to vector<16xi32>
      %broadcast_in_dim3A_159 = vector.broadcast %jit3A_157 : i32 to vector<16xi32>
      %select_n3A_160 = arith.select %ne3A_155, %broadcast_in_dim3A_158, %broadcast_in_dim3A_159 : vector<16xi1>, vector<16xi32>
      %broadcast_in_dim3A_161 = arith.constant true
      %broadcast_in_dim3A_162 = vector.broadcast %broadcast_in_dim3A_161 : i1 to vector<16xi1>
      %masked_cumsum3A = tpu.scan <sum>, %select_n3A_160 masked %broadcast_in_dim3A_162 : vector<16xi32>, vector<16xi1> -> vector<16xi32>
      %add3A_163 = vector.broadcast %scan3A_148 : i32 to vector<16xi32>
      %add3A_164 = arith.addi %add3A_163, %masked_cumsum3A : vector<16xi32>
      %sub3A_165 = arith.constant 1 : i32
      %sub3A_166 = vector.broadcast %sub3A_165 : i32 to vector<16xi32>
      %sub3A_167 = arith.subi %add3A_164, %sub3A_166 : vector<16xi32>
      %max3A = arith.constant 0 : i32
      %max3A_168 = vector.broadcast %max3A : i32 to vector<16xi32>
      %max3A_169 = arith.maxsi %sub3A_167, %max3A_168 : vector<16xi32>
      %mul3A_170 = arith.constant 16 : i32
      %mul3A_171 = arith.muli %scan3A_147, %mul3A_170 : i32
      %swap3A = arith.index_cast %mul3A_171 : i32 to index
      %swap3A_172 = tpu.vector_load %arg8[%swap3A] {strides = array<i32>} : memref<256xi32, #tpu.memory_space<vmem>>, vector<16xi32>,
      tpu.vector_store %arg8[%swap3A], %max3A_169 {strides = array<i32>} : memref<256xi32, #tpu.memory_space<vmem>>, vector<16xi32>,
      %mul3A_173 = arith.constant 16 : i32
      %mul3A_174 = arith.muli %scan3A_147, %mul3A_173 : i32
      %swap3A_175 = arith.index_cast %mul3A_174 : i32 to index
      %swap3A_176 = tpu.vector_load %arg9[%swap3A_175] {strides = array<i32>} : memref<256xi32, #tpu.memory_space<vmem>>, vector<16xi32>,
      tpu.vector_store %arg9[%swap3A_175], %select_n3A_160 {strides = array<i32>} : memref<256xi32, #tpu.memory_space<vmem>>, vector<16xi32>,
      %reduce_sum3A_177 = arith.constant true
      %reduce_sum3A_178 = vector.broadcast %reduce_sum3A_177 : i1 to vector<16xi1>
      %reduce_sum3A_179 = tpu.scan <sum>, %select_n3A_160 masked %reduce_sum3A_178 : vector<16xi32>, vector<16xi1> -> vector<16xi32>
      %reduce_sum3A_180 = vector.extract %reduce_sum3A_179[15] : i32 from vector<16xi32>
      %add3A_181 = arith.addi %scan3A_148, %reduce_sum3A_180 : i32
      scf.yield %add3A_181 : i32
    }
    %scan3A_74 = arith.constant 16 : i32
    %dma_start3A_75 = arith.constant 0 : i32
    %dma_start3A_76 = arith.constant 0 : i32
    %dma_start3A_77 = arith.constant 0 : i32
    %dma_start3A_78 = arith.constant 0 : i32
    %dma_start3A_79 = tpu.memref_slice %arg11[%dma_start3A_75, %dma_start3A_77, %dma_start3A_78] : memref<4x16x1024xf32, #tpu.memory_space<vmem>> -> memref<1x16x1024xf32, #tpu.memory_space<vmem>>
    %dma_start3A_80 = tpu.memref_squeeze %dma_start3A_79 : memref<1x16x1024xf32, #tpu.memory_space<vmem>> -> memref<16x1024xf32, #tpu.memory_space<vmem>>
    %dma_start3A_81 = arith.constant 0 : i32
    %dma_start3A_82 = tpu.memref_slice %arg8[%dma_start3A_81] : memref<256xi32, #tpu.memory_space<vmem>> -> memref<16xi32, #tpu.memory_space<vmem>>
    %dma_start3A_83 = arith.constant 0 : i32
    %dma_start3A_84 = arith.constant 0 : i32
    %dma_start3A_85 = tpu.memref_slice %arg4[%dma_start3A_83, %dma_start3A_84] : memref<2048x1024xf32, #tpu.memory_space<hbm>> -> memref<2048x1024xf32, #tpu.memory_space<hbm>>
    %dma_start3A_86 = tpu.memref_slice %arg13[%dma_start3A_76] : memref<4x!tpu.dma_semaphore, #tpu.memory_space<semaphore_mem>> -> memref<1x!tpu.dma_semaphore, #tpu.memory_space<semaphore_mem>>
    %dma_start3A_87 = tpu.memref_squeeze %dma_start3A_86 : memref<1x!tpu.dma_semaphore, #tpu.memory_space<semaphore_mem>> -> memref<!tpu.dma_semaphore, #tpu.memory_space<semaphore_mem>>
    tpu.enqueue_indirect_dma source(%dma_start3A_85 : memref<2048x1024xf32, #tpu.memory_space<hbm>>) target(%dma_start3A_80 : memref<16x1024xf32, #tpu.memory_space<vmem>>) offsets(%dma_start3A_82 : memref<16xi32, #tpu.memory_space<vmem>>) semaphore(%dma_start3A_87 : memref<!tpu.dma_semaphore, #tpu.memory_space<semaphore_mem>>)
    %dma_start3A_88 = arith.constant 1 : i32
    %dma_start3A_89 = arith.constant 1 : i32
    %dma_start3A_90 = arith.constant 0 : i32
    %dma_start3A_91 = arith.constant 0 : i32
    %dma_start3A_92 = tpu.memref_slice %arg11[%dma_start3A_88, %dma_start3A_90, %dma_start3A_91] : memref<4x16x1024xf32, #tpu.memory_space<vmem>> -> memref<1x16x1024xf32, #tpu.memory_space<vmem>>
    %dma_start3A_93 = tpu.memref_squeeze %dma_start3A_92 : memref<1x16x1024xf32, #tpu.memory_space<vmem>> -> memref<16x1024xf32, #tpu.memory_space<vmem>>
    %dma_start3A_94 = arith.constant 16 : i32
    %dma_start3A_95 = tpu.memref_slice %arg8[%dma_start3A_94] : memref<256xi32, #tpu.memory_space<vmem>> -> memref<16xi32, #tpu.memory_space<vmem>>
    %dma_start3A_96 = arith.constant 0 : i32
    %dma_start3A_97 = arith.constant 0 : i32
    %dma_start3A_98 = tpu.memref_slice %arg4[%dma_start3A_96, %dma_start3A_97] : memref<2048x1024xf32, #tpu.memory_space<hbm>> -> memref<2048x1024xf32, #tpu.memory_space<hbm>>
    %dma_start3A_99 = tpu.memref_slice %arg13[%dma_start3A_89] : memref<4x!tpu.dma_semaphore, #tpu.memory_space<semaphore_mem>> -> memref<1x!tpu.dma_semaphore, #tpu.memory_space<semaphore_mem>>
    %dma_start3A_100 = tpu.memref_squeeze %dma_start3A_99 : memref<1x!tpu.dma_semaphore, #tpu.memory_space<semaphore_mem>> -> memref<!tpu.dma_semaphore, #tpu.memory_space<semaphore_mem>>
    tpu.enqueue_indirect_dma source(%dma_start3A_98 : memref<2048x1024xf32, #tpu.memory_space<hbm>>) target(%dma_start3A_93 : memref<16x1024xf32, #tpu.memory_space<vmem>>) offsets(%dma_start3A_95 : memref<16xi32, #tpu.memory_space<vmem>>) semaphore(%dma_start3A_100 : memref<!tpu.dma_semaphore, #tpu.memory_space<semaphore_mem>>)
    "tpu.region"() ({
      %run_scoped3A = tpu.sem_alloc : memref<!tpu.dma_semaphore, #tpu.memory_space<semaphore_mem>>
      %dma_start3A_147 = tpu.memref_slice %arg6[%select_n3A, %mul3A_32] : memref<4x2048xi32, #tpu.memory_space<hbm>> -> memref<1x256xi32, #tpu.memory_space<hbm>>
      %dma_start3A_148 = tpu.memref_squeeze %dma_start3A_147 : memref<1x256xi32, #tpu.memory_space<hbm>> -> memref<256xi32, #tpu.memory_space<hbm>>
      %dma_start3A_149 = tpu.memref_slice %arg6[%select_n3A, %mul3A_32] : memref<4x2048xi32, #tpu.memory_space<hbm>> -> memref<1x256xi32, #tpu.memory_space<hbm>>
      %dma_start3A_150 = tpu.memref_squeeze %dma_start3A_149 : memref<1x256xi32, #tpu.memory_space<hbm>> -> memref<256xi32, #tpu.memory_space<hbm>>
      tpu.enqueue_dma source(%arg9 : memref<256xi32, #tpu.memory_space<vmem>>) target(%dma_start3A_150 : memref<256xi32, #tpu.memory_space<hbm>>) target_semaphore(%run_scoped3A : memref<!tpu.dma_semaphore, #tpu.memory_space<semaphore_mem>>)
      %dma_wait3A_151 = tpu.memref_slice %arg6[%select_n3A, %mul3A_32] : memref<4x2048xi32, #tpu.memory_space<hbm>> -> memref<1x256xi32, #tpu.memory_space<hbm>>
      %dma_wait3A_152 = tpu.memref_squeeze %dma_wait3A_151 : memref<1x256xi32, #tpu.memory_space<hbm>> -> memref<256xi32, #tpu.memory_space<hbm>>
      %dma_wait3A_153 = tpu.memref_slice %arg6[%select_n3A, %mul3A_32] : memref<4x2048xi32, #tpu.memory_space<hbm>> -> memref<1x256xi32, #tpu.memory_space<hbm>>
      %dma_wait3A_154 = tpu.memref_squeeze %dma_wait3A_153 : memref<1x256xi32, #tpu.memory_space<hbm>> -> memref<256xi32, #tpu.memory_space<hbm>>
      tpu.wait_dma2 semaphore(%run_scoped3A : memref<!tpu.dma_semaphore, #tpu.memory_space<semaphore_mem>>) src(%arg9 : memref<256xi32, #tpu.memory_space<vmem>>) dst(%dma_wait3A_154 : memref<256xi32, #tpu.memory_space<hbm>>)
      tpu.yield
    }) : () -> ()
    %scan3A_101 = arith.constant 0 : i32
    %scan3A_102 = arith.constant 0 : i32
    %scan3A_103 = arith.constant 4 : i32
    %scan3A_104 = arith.addi %scan3A_102, %scan3A_103 : i32
    %scan3A_105 = arith.constant 1 : i32
    %scan3A_106 = scf.for %scan3A_147 = %scan3A_102 to %scan3A_104 step %scan3A_105 iter_args(%scan3A_148 = %scan3A_101) -> (i32)  : i32 {
      %mul3A_149 = arith.constant 4 : i32
      %mul3A_150 = arith.muli %scan3A_147, %mul3A_149 : i32
      %add3A_151 = arith.constant 0 : i32
      %add3A_152 = arith.addi %mul3A_150, %add3A_151 : i32
      %ge3A = arith.constant 2 : i32
      %ge3A_153 = arith.cmpi sge, %add3A_152, %ge3A : i32
      %convert_element_type3A = arith.extui %ge3A_153 : i1 to i32
      %cond3A = arith.constant 0 : i32
      %cond3A_154 = arith.cmpi ne, %convert_element_type3A, %cond3A : i32
      scf.if %cond3A_154 {
        %sub3A_532 = arith.constant 2 : i32
        %sub3A_533 = arith.subi %add3A_152, %sub3A_532 : i32
        %mul3A_534 = arith.constant 16 : i32
        %mul3A_535 = arith.muli %sub3A_533, %mul3A_534 : i32
        %add3A_536 = arith.addi %mul3A_32, %mul3A_535 : i32
        %dma_wait3A_537 = arith.constant 2 : i32
        %dma_wait3A_538 = arith.constant 2 : i32
        %dma_wait3A_539 = arith.constant 0 : i32
        %dma_wait3A_540 = arith.constant 0 : i32
        %dma_wait3A_541 = tpu.memref_slice %arg11[%dma_wait3A_537, %dma_wait3A_539, %dma_wait3A_540] : memref<4x16x1024xf32, #tpu.memory_space<vmem>> -> memref<1x16x1024xf32, #tpu.memory_space<vmem>>
        %dma_wait3A_542 = tpu.memref_squeeze %dma_wait3A_541 : memref<1x16x1024xf32, #tpu.memory_space<vmem>> -> memref<16x1024xf32, #tpu.memory_space<vmem>>
        %dma_wait3A_543 = arith.constant 0 : i32
        %dma_wait3A_544 = tpu.memref_slice %arg5[%select_n3A, %add3A_536, %dma_wait3A_543] : memref<4x2048x1024xf32, #tpu.memory_space<hbm>> -> memref<1x16x1024xf32, #tpu.memory_space<hbm>>
        %dma_wait3A_545 = tpu.memref_squeeze %dma_wait3A_544 : memref<1x16x1024xf32, #tpu.memory_space<hbm>> -> memref<16x1024xf32, #tpu.memory_space<hbm>>
        %dma_wait3A_546 = tpu.memref_slice %arg14[%dma_wait3A_538] : memref<4x!tpu.dma_semaphore, #tpu.memory_space<semaphore_mem>> -> memref<1x!tpu.dma_semaphore, #tpu.memory_space<semaphore_mem>>
        %dma_wait3A_547 = tpu.memref_squeeze %dma_wait3A_546 : memref<1x!tpu.dma_semaphore, #tpu.memory_space<semaphore_mem>> -> memref<!tpu.dma_semaphore, #tpu.memory_space<semaphore_mem>>
        %dma_wait3A_548 = arith.constant 0 : i32
        %dma_wait3A_549 = tpu.memref_slice %arg5[%select_n3A, %add3A_536, %dma_wait3A_548] : memref<4x2048x1024xf32, #tpu.memory_space<hbm>> -> memref<1x16x1024xf32, #tpu.memory_space<hbm>>
        %dma_wait3A_550 = tpu.memref_squeeze %dma_wait3A_549 : memref<1x16x1024xf32, #tpu.memory_space<hbm>> -> memref<16x1024xf32, #tpu.memory_space<hbm>>
        %dma_wait3A_551 = arith.constant 0 : i32
        %dma_wait3A_552 = arith.constant 0 : i32
        %dma_wait3A_553 = tpu.memref_slice %arg11[%dma_wait3A_537, %dma_wait3A_551, %dma_wait3A_552] : memref<4x16x1024xf32, #tpu.memory_space<vmem>> -> memref<1x16x1024xf32, #tpu.memory_space<vmem>>
        %dma_wait3A_554 = tpu.memref_squeeze %dma_wait3A_553 : memref<1x16x1024xf32, #tpu.memory_space<vmem>> -> memref<16x1024xf32, #tpu.memory_space<vmem>>
        tpu.wait_dma2 semaphore(%dma_wait3A_547 : memref<!tpu.dma_semaphore, #tpu.memory_space<semaphore_mem>>) src(%dma_wait3A_554 : memref<16x1024xf32, #tpu.memory_space<vmem>>) dst(%dma_wait3A_550 : memref<16x1024xf32, #tpu.memory_space<hbm>>)
      } else {
      }
      %add3A_155 = arith.constant 2 : i32
      %add3A_156 = arith.addi %add3A_152, %add3A_155 : i32
      %mul3A_157 = arith.constant 16 : i32
      %mul3A_158 = arith.muli %add3A_156, %mul3A_157 : i32
      %dma_start3A_159 = arith.constant 2 : i32
      %dma_start3A_160 = arith.constant 2 : i32
      %dma_start3A_161 = arith.constant 0 : i32
      %dma_start3A_162 = arith.constant 0 : i32
      %dma_start3A_163 = tpu.memref_slice %arg11[%dma_start3A_159, %dma_start3A_161, %dma_start3A_162] : memref<4x16x1024xf32, #tpu.memory_space<vmem>> -> memref<1x16x1024xf32, #tpu.memory_space<vmem>>
      %dma_start3A_164 = tpu.memref_squeeze %dma_start3A_163 : memref<1x16x1024xf32, #tpu.memory_space<vmem>> -> memref<16x1024xf32, #tpu.memory_space<vmem>>
      %dma_start3A_165 = tpu.memref_slice %arg8[%mul3A_158] : memref<256xi32, #tpu.memory_space<vmem>> -> memref<16xi32, #tpu.memory_space<vmem>>
      %dma_start3A_166 = arith.constant 0 : i32
      %dma_start3A_167 = arith.constant 0 : i32
      %dma_start3A_168 = tpu.memref_slice %arg4[%dma_start3A_166, %dma_start3A_167] : memref<2048x1024xf32, #tpu.memory_space<hbm>> -> memref<2048x1024xf32, #tpu.memory_space<hbm>>
      %dma_start3A_169 = tpu.memref_slice %arg13[%dma_start3A_160] : memref<4x!tpu.dma_semaphore, #tpu.memory_space<semaphore_mem>> -> memref<1x!tpu.dma_semaphore, #tpu.memory_space<semaphore_mem>>
      %dma_start3A_170 = tpu.memref_squeeze %dma_start3A_169 : memref<1x!tpu.dma_semaphore, #tpu.memory_space<semaphore_mem>> -> memref<!tpu.dma_semaphore, #tpu.memory_space<semaphore_mem>>
      tpu.enqueue_indirect_dma source(%dma_start3A_168 : memref<2048x1024xf32, #tpu.memory_space<hbm>>) target(%dma_start3A_164 : memref<16x1024xf32, #tpu.memory_space<vmem>>) offsets(%dma_start3A_165 : memref<16xi32, #tpu.memory_space<vmem>>) semaphore(%dma_start3A_170 : memref<!tpu.dma_semaphore, #tpu.memory_space<semaphore_mem>>)
      %mul3A_171 = arith.constant 16 : i32
      %mul3A_172 = arith.muli %add3A_152, %mul3A_171 : i32
      %add3A_173 = arith.addi %mul3A_32, %mul3A_172 : i32
      %dma_wait3A_174 = arith.constant 0 : i32
      %dma_wait3A_175 = arith.constant 0 : i32
      %dma_wait3A_176 = arith.constant 0 : i32
      %dma_wait3A_177 = arith.constant 0 : i32
      %dma_wait3A_178 = tpu.memref_slice %arg10[%dma_wait3A_174, %dma_wait3A_176, %dma_wait3A_177] : memref<2x16x1024xf32, #tpu.memory_space<vmem>> -> memref<1x16x1024xf32, #tpu.memory_space<vmem>>
      %dma_wait3A_179 = tpu.memref_squeeze %dma_wait3A_178 : memref<1x16x1024xf32, #tpu.memory_space<vmem>> -> memref<16x1024xf32, #tpu.memory_space<vmem>>
      %dma_wait3A_180 = tpu.memref_slice %arg7[%add3A_173] : memref<2048xi32, #tpu.memory_space<vmem>> -> memref<16xi32, #tpu.memory_space<vmem>>
      %dma_wait3A_181 = arith.constant 0 : i32
      %dma_wait3A_182 = arith.constant 0 : i32
      %dma_wait3A_183 = tpu.memref_slice %arg3[%dma_wait3A_181, %dma_wait3A_182] : memref<50272x1024xf32, #tpu.memory_space<hbm>> -> memref<50272x1024xf32, #tpu.memory_space<hbm>>
      %dma_wait3A_184 = tpu.memref_slice %arg12[%dma_wait3A_175] : memref<2x!tpu.dma_semaphore, #tpu.memory_space<semaphore_mem>> -> memref<1x!tpu.dma_semaphore, #tpu.memory_space<semaphore_mem>>
      %dma_wait3A_185 = tpu.memref_squeeze %dma_wait3A_184 : memref<1x!tpu.dma_semaphore, #tpu.memory_space<semaphore_mem>> -> memref<!tpu.dma_semaphore, #tpu.memory_space<semaphore_mem>>
      tpu.wait_indirect_dma semaphore(%dma_wait3A_185 : memref<!tpu.dma_semaphore, #tpu.memory_space<semaphore_mem>>) src(%dma_wait3A_183 : memref<50272x1024xf32, #tpu.memory_space<hbm>>) dst(%dma_wait3A_179 : memref<16x1024xf32, #tpu.memory_space<vmem>>)
      %mul3A_186 = arith.constant 16 : i32
      %mul3A_187 = arith.muli %add3A_152, %mul3A_186 : i32
      %dma_wait3A_188 = arith.constant 0 : i32
      %dma_wait3A_189 = arith.constant 0 : i32
      %dma_wait3A_190 = arith.constant 0 : i32
      %dma_wait3A_191 = arith.constant 0 : i32
      %dma_wait3A_192 = tpu.memref_slice %arg11[%dma_wait3A_188, %dma_wait3A_190, %dma_wait3A_191] : memref<4x16x1024xf32, #tpu.memory_space<vmem>> -> memref<1x16x1024xf32, #tpu.memory_space<vmem>>
      %dma_wait3A_193 = tpu.memref_squeeze %dma_wait3A_192 : memref<1x16x1024xf32, #tpu.memory_space<vmem>> -> memref<16x1024xf32, #tpu.memory_space<vmem>>
      %dma_wait3A_194 = tpu.memref_slice %arg8[%mul3A_187] : memref<256xi32, #tpu.memory_space<vmem>> -> memref<16xi32, #tpu.memory_space<vmem>>
      %dma_wait3A_195 = arith.constant 0 : i32
      %dma_wait3A_196 = arith.constant 0 : i32
      %dma_wait3A_197 = tpu.memref_slice %arg4[%dma_wait3A_195, %dma_wait3A_196] : memref<2048x1024xf32, #tpu.memory_space<hbm>> -> memref<2048x1024xf32, #tpu.memory_space<hbm>>
      %dma_wait3A_198 = tpu.memref_slice %arg13[%dma_wait3A_189] : memref<4x!tpu.dma_semaphore, #tpu.memory_space<semaphore_mem>> -> memref<1x!tpu.dma_semaphore, #tpu.memory_space<semaphore_mem>>
      %dma_wait3A_199 = tpu.memref_squeeze %dma_wait3A_198 : memref<1x!tpu.dma_semaphore, #tpu.memory_space<semaphore_mem>> -> memref<!tpu.dma_semaphore, #tpu.memory_space<semaphore_mem>>
      tpu.wait_indirect_dma semaphore(%dma_wait3A_199 : memref<!tpu.dma_semaphore, #tpu.memory_space<semaphore_mem>>) src(%dma_wait3A_197 : memref<2048x1024xf32, #tpu.memory_space<hbm>>) dst(%dma_wait3A_193 : memref<16x1024xf32, #tpu.memory_space<vmem>>)
      %parallel_loop3A = arith.constant 0 : i32
      %parallel_loop3A_200 = arith.constant 64 : i32
      %parallel_loop3A_201 = arith.constant 1 : i32
      %parallel_loop3A_202 = arith.constant 0 : i32
      %parallel_loop3A_203 = arith.constant 0 : i32
      scf.for %parallel_loop3A_532 = %parallel_loop3A to %parallel_loop3A_200 step %parallel_loop3A_201  : i32 {
        %parallel_loop3A_533 = arith.constant 16 : i32
        %parallel_loop3A_534 = arith.muli %parallel_loop3A_532, %parallel_loop3A_533 : i32
        %parallel_loop3A_535 = arith.constant 0 : i32
        %parallel_loop3A_536 = arith.constant 0 : i32
        %parallel_loop3A_537 = arith.constant 0 : i32
        %parallel_loop3A_538 = tpu.memref_slice %arg10[%parallel_loop3A_202, %parallel_loop3A_536, %parallel_loop3A_537] : memref<2x16x1024xf32, #tpu.memory_space<vmem>> -> memref<1x16x1024xf32, #tpu.memory_space<vmem>>
        %parallel_loop3A_539 = tpu.memref_squeeze %parallel_loop3A_538 : memref<1x16x1024xf32, #tpu.memory_space<vmem>> -> memref<16x1024xf32, #tpu.memory_space<vmem>>
        %parallel_loop3A_540 = arith.index_cast %parallel_loop3A_535 : i32 to index
        %parallel_loop3A_541 = arith.index_cast %parallel_loop3A_534 : i32 to index
        %parallel_loop3A_542 = tpu.vector_load %parallel_loop3A_539[%parallel_loop3A_540, %parallel_loop3A_541] {strides = array<i32>} : memref<16x1024xf32, #tpu.memory_space<vmem>>, vector<16xf32>,
        %parallel_loop3A_543 = arith.constant 16 : i32
        %parallel_loop3A_544 = arith.muli %parallel_loop3A_532, %parallel_loop3A_543 : i32
        %parallel_loop3A_545 = arith.constant 0 : i32
        %parallel_loop3A_546 = arith.constant 0 : i32
        %parallel_loop3A_547 = arith.constant 0 : i32
        %parallel_loop3A_548 = tpu.memref_slice %arg11[%parallel_loop3A_203, %parallel_loop3A_546, %parallel_loop3A_547] : memref<4x16x1024xf32, #tpu.memory_space<vmem>> -> memref<1x16x1024xf32, #tpu.memory_space<vmem>>
        %parallel_loop3A_549 = tpu.memref_squeeze %parallel_loop3A_548 : memref<1x16x1024xf32, #tpu.memory_space<vmem>> -> memref<16x1024xf32, #tpu.memory_space<vmem>>
        %parallel_loop3A_550 = arith.index_cast %parallel_loop3A_545 : i32 to index
        %parallel_loop3A_551 = arith.index_cast %parallel_loop3A_544 : i32 to index
        %parallel_loop3A_552 = tpu.vector_load %parallel_loop3A_549[%parallel_loop3A_550, %parallel_loop3A_551] {strides = array<i32>} : memref<16x1024xf32, #tpu.memory_space<vmem>>, vector<16xf32>,
        tpu.vector_store %parallel_loop3A_549[%parallel_loop3A_550, %parallel_loop3A_551], %parallel_loop3A_542 {add = true, strides = array<i32>} : memref<16x1024xf32, #tpu.memory_space<vmem>>, vector<16xf32>,
        %parallel_loop3A_553 = arith.constant 16 : i32
        %parallel_loop3A_554 = arith.muli %parallel_loop3A_532, %parallel_loop3A_553 : i32
        %parallel_loop3A_555 = arith.constant 1 : i32
        %parallel_loop3A_556 = arith.constant 0 : i32
        %parallel_loop3A_557 = arith.constant 0 : i32
        %parallel_loop3A_558 = tpu.memref_slice %arg10[%parallel_loop3A_202, %parallel_loop3A_556, %parallel_loop3A_557] : memref<2x16x1024xf32, #tpu.memory_space<vmem>> -> memref<1x16x1024xf32, #tpu.memory_space<vmem>>
        %parallel_loop3A_559 = tpu.memref_squeeze %parallel_loop3A_558 : memref<1x16x1024xf32, #tpu.memory_space<vmem>> -> memref<16x1024xf32, #tpu.memory_space<vmem>>
        %parallel_loop3A_560 = arith.index_cast %parallel_loop3A_555 : i32 to index
        %parallel_loop3A_561 = arith.index_cast %parallel_loop3A_554 : i32 to index
        %parallel_loop3A_562 = tpu.vector_load %parallel_loop3A_559[%parallel_loop3A_560, %parallel_loop3A_561] {strides = array<i32>} : memref<16x1024xf32, #tpu.memory_space<vmem>>, vector<16xf32>,
        %parallel_loop3A_563 = arith.constant 16 : i32
        %parallel_loop3A_564 = arith.muli %parallel_loop3A_532, %parallel_loop3A_563 : i32
        %parallel_loop3A_565 = arith.constant 1 : i32
        %parallel_loop3A_566 = arith.constant 0 : i32
        %parallel_loop3A_567 = arith.constant 0 : i32
        %parallel_loop3A_568 = tpu.memref_slice %arg11[%parallel_loop3A_203, %parallel_loop3A_566, %parallel_loop3A_567] : memref<4x16x1024xf32, #tpu.memory_space<vmem>> -> memref<1x16x1024xf32, #tpu.memory_space<vmem>>
        %parallel_loop3A_569 = tpu.memref_squeeze %parallel_loop3A_568 : memref<1x16x1024xf32, #tpu.memory_space<vmem>> -> memref<16x1024xf32, #tpu.memory_space<vmem>>
        %parallel_loop3A_570 = arith.index_cast %parallel_loop3A_565 : i32 to index
        %parallel_loop3A_571 = arith.index_cast %parallel_loop3A_564 : i32 to index
        %parallel_loop3A_572 = tpu.vector_load %parallel_loop3A_569[%parallel_loop3A_570, %parallel_loop3A_571] {strides = array<i32>} : memref<16x1024xf32, #tpu.memory_space<vmem>>, vector<16xf32>,
        tpu.vector_store %parallel_loop3A_569[%parallel_loop3A_570, %parallel_loop3A_571], %parallel_loop3A_562 {add = true, strides = array<i32>} : memref<16x1024xf32, #tpu.memory_space<vmem>>, vector<16xf32>,
        %parallel_loop3A_573 = arith.constant 16 : i32
        %parallel_loop3A_574 = arith.muli %parallel_loop3A_532, %parallel_loop3A_573 : i32
        %parallel_loop3A_575 = arith.constant 2 : i32
        %parallel_loop3A_576 = arith.constant 0 : i32
        %parallel_loop3A_577 = arith.constant 0 : i32
        %parallel_loop3A_578 = tpu.memref_slice %arg10[%parallel_loop3A_202, %parallel_loop3A_576, %parallel_loop3A_577] : memref<2x16x1024xf32, #tpu.memory_space<vmem>> -> memref<1x16x1024xf32, #tpu.memory_space<vmem>>
        %parallel_loop3A_579 = tpu.memref_squeeze %parallel_loop3A_578 : memref<1x16x1024xf32, #tpu.memory_space<vmem>> -> memref<16x1024xf32, #tpu.memory_space<vmem>>
        %parallel_loop3A_580 = arith.index_cast %parallel_loop3A_575 : i32 to index
        %parallel_loop3A_581 = arith.index_cast %parallel_loop3A_574 : i32 to index
        %parallel_loop3A_582 = tpu.vector_load %parallel_loop3A_579[%parallel_loop3A_580, %parallel_loop3A_581] {strides = array<i32>} : memref<16x1024xf32, #tpu.memory_space<vmem>>, vector<16xf32>,
        %parallel_loop3A_583 = arith.constant 16 : i32
        %parallel_loop3A_584 = arith.muli %parallel_loop3A_532, %parallel_loop3A_583 : i32
        %parallel_loop3A_585 = arith.constant 2 : i32
        %parallel_loop3A_586 = arith.constant 0 : i32
        %parallel_loop3A_587 = arith.constant 0 : i32
        %parallel_loop3A_588 = tpu.memref_slice %arg11[%parallel_loop3A_203, %parallel_loop3A_586, %parallel_loop3A_587] : memref<4x16x1024xf32, #tpu.memory_space<vmem>> -> memref<1x16x1024xf32, #tpu.memory_space<vmem>>
        %parallel_loop3A_589 = tpu.memref_squeeze %parallel_loop3A_588 : memref<1x16x1024xf32, #tpu.memory_space<vmem>> -> memref<16x1024xf32, #tpu.memory_space<vmem>>
        %parallel_loop3A_590 = arith.index_cast %parallel_loop3A_585 : i32 to index
        %parallel_loop3A_591 = arith.index_cast %parallel_loop3A_584 : i32 to index
        %parallel_loop3A_592 = tpu.vector_load %parallel_loop3A_589[%parallel_loop3A_590, %parallel_loop3A_591] {strides = array<i32>} : memref<16x1024xf32, #tpu.memory_space<vmem>>, vector<16xf32>,
        tpu.vector_store %parallel_loop3A_589[%parallel_loop3A_590, %parallel_loop3A_591], %parallel_loop3A_582 {add = true, strides = array<i32>} : memref<16x1024xf32, #tpu.memory_space<vmem>>, vector<16xf32>,
        %parallel_loop3A_593 = arith.constant 16 : i32
        %parallel_loop3A_594 = arith.muli %parallel_loop3A_532, %parallel_loop3A_593 : i32
        %parallel_loop3A_595 = arith.constant 3 : i32
        %parallel_loop3A_596 = arith.constant 0 : i32
        %parallel_loop3A_597 = arith.constant 0 : i32
        %parallel_loop3A_598 = tpu.memref_slice %arg10[%parallel_loop3A_202, %parallel_loop3A_596, %parallel_loop3A_597] : memref<2x16x1024xf32, #tpu.memory_space<vmem>> -> memref<1x16x1024xf32, #tpu.memory_space<vmem>>
        %parallel_loop3A_599 = tpu.memref_squeeze %parallel_loop3A_598 : memref<1x16x1024xf32, #tpu.memory_space<vmem>> -> memref<16x1024xf32, #tpu.memory_space<vmem>>
        %parallel_loop3A_600 = arith.index_cast %parallel_loop3A_595 : i32 to index
        %parallel_loop3A_601 = arith.index_cast %parallel_loop3A_594 : i32 to index
        %parallel_loop3A_602 = tpu.vector_load %parallel_loop3A_599[%parallel_loop3A_600, %parallel_loop3A_601] {strides = array<i32>} : memref<16x1024xf32, #tpu.memory_space<vmem>>, vector<16xf32>,
        %parallel_loop3A_603 = arith.constant 16 : i32
        %parallel_loop3A_604 = arith.muli %parallel_loop3A_532, %parallel_loop3A_603 : i32
        %parallel_loop3A_605 = arith.constant 3 : i32
        %parallel_loop3A_606 = arith.constant 0 : i32
        %parallel_loop3A_607 = arith.constant 0 : i32
        %parallel_loop3A_608 = tpu.memref_slice %arg11[%parallel_loop3A_203, %parallel_loop3A_606, %parallel_loop3A_607] : memref<4x16x1024xf32, #tpu.memory_space<vmem>> -> memref<1x16x1024xf32, #tpu.memory_space<vmem>>
        %parallel_loop3A_609 = tpu.memref_squeeze %parallel_loop3A_608 : memref<1x16x1024xf32, #tpu.memory_space<vmem>> -> memref<16x1024xf32, #tpu.memory_space<vmem>>
        %parallel_loop3A_610 = arith.index_cast %parallel_loop3A_605 : i32 to index
        %parallel_loop3A_611 = arith.index_cast %parallel_loop3A_604 : i32 to index
        %parallel_loop3A_612 = tpu.vector_load %parallel_loop3A_609[%parallel_loop3A_610, %parallel_loop3A_611] {strides = array<i32>} : memref<16x1024xf32, #tpu.memory_space<vmem>>, vector<16xf32>,
        tpu.vector_store %parallel_loop3A_609[%parallel_loop3A_610, %parallel_loop3A_611], %parallel_loop3A_602 {add = true, strides = array<i32>} : memref<16x1024xf32, #tpu.memory_space<vmem>>, vector<16xf32>,
        %parallel_loop3A_613 = arith.constant 16 : i32
        %parallel_loop3A_614 = arith.muli %parallel_loop3A_532, %parallel_loop3A_613 : i32
        %parallel_loop3A_615 = arith.constant 4 : i32
        %parallel_loop3A_616 = arith.constant 0 : i32
        %parallel_loop3A_617 = arith.constant 0 : i32
        %parallel_loop3A_618 = tpu.memref_slice %arg10[%parallel_loop3A_202, %parallel_loop3A_616, %parallel_loop3A_617] : memref<2x16x1024xf32, #tpu.memory_space<vmem>> -> memref<1x16x1024xf32, #tpu.memory_space<vmem>>
        %parallel_loop3A_619 = tpu.memref_squeeze %parallel_loop3A_618 : memref<1x16x1024xf32, #tpu.memory_space<vmem>> -> memref<16x1024xf32, #tpu.memory_space<vmem>>
        %parallel_loop3A_620 = arith.index_cast %parallel_loop3A_615 : i32 to index
        %parallel_loop3A_621 = arith.index_cast %parallel_loop3A_614 : i32 to index
        %parallel_loop3A_622 = tpu.vector_load %parallel_loop3A_619[%parallel_loop3A_620, %parallel_loop3A_621] {strides = array<i32>} : memref<16x1024xf32, #tpu.memory_space<vmem>>, vector<16xf32>,
        %parallel_loop3A_623 = arith.constant 16 : i32
        %parallel_loop3A_624 = arith.muli %parallel_loop3A_532, %parallel_loop3A_623 : i32
        %parallel_loop3A_625 = arith.constant 4 : i32
        %parallel_loop3A_626 = arith.constant 0 : i32
        %parallel_loop3A_627 = arith.constant 0 : i32
        %parallel_loop3A_628 = tpu.memref_slice %arg11[%parallel_loop3A_203, %parallel_loop3A_626, %parallel_loop3A_627] : memref<4x16x1024xf32, #tpu.memory_space<vmem>> -> memref<1x16x1024xf32, #tpu.memory_space<vmem>>
        %parallel_loop3A_629 = tpu.memref_squeeze %parallel_loop3A_628 : memref<1x16x1024xf32, #tpu.memory_space<vmem>> -> memref<16x1024xf32, #tpu.memory_space<vmem>>
        %parallel_loop3A_630 = arith.index_cast %parallel_loop3A_625 : i32 to index
        %parallel_loop3A_631 = arith.index_cast %parallel_loop3A_624 : i32 to index
        %parallel_loop3A_632 = tpu.vector_load %parallel_loop3A_629[%parallel_loop3A_630, %parallel_loop3A_631] {strides = array<i32>} : memref<16x1024xf32, #tpu.memory_space<vmem>>, vector<16xf32>,
        tpu.vector_store %parallel_loop3A_629[%parallel_loop3A_630, %parallel_loop3A_631], %parallel_loop3A_622 {add = true, strides = array<i32>} : memref<16x1024xf32, #tpu.memory_space<vmem>>, vector<16xf32>,
        %parallel_loop3A_633 = arith.constant 16 : i32
        %parallel_loop3A_634 = arith.muli %parallel_loop3A_532, %parallel_loop3A_633 : i32
        %parallel_loop3A_635 = arith.constant 5 : i32
        %parallel_loop3A_636 = arith.constant 0 : i32
        %parallel_loop3A_637 = arith.constant 0 : i32
        %parallel_loop3A_638 = tpu.memref_slice %arg10[%parallel_loop3A_202, %parallel_loop3A_636, %parallel_loop3A_637] : memref<2x16x1024xf32, #tpu.memory_space<vmem>> -> memref<1x16x1024xf32, #tpu.memory_space<vmem>>
        %parallel_loop3A_639 = tpu.memref_squeeze %parallel_loop3A_638 : memref<1x16x1024xf32, #tpu.memory_space<vmem>> -> memref<16x1024xf32, #tpu.memory_space<vmem>>
        %parallel_loop3A_640 = arith.index_cast %parallel_loop3A_635 : i32 to index
        %parallel_loop3A_641 = arith.index_cast %parallel_loop3A_634 : i32 to index
        %parallel_loop3A_642 = tpu.vector_load %parallel_loop3A_639[%parallel_loop3A_640, %parallel_loop3A_641] {strides = array<i32>} : memref<16x1024xf32, #tpu.memory_space<vmem>>, vector<16xf32>,
        %parallel_loop3A_643 = arith.constant 16 : i32
        %parallel_loop3A_644 = arith.muli %parallel_loop3A_532, %parallel_loop3A_643 : i32
        %parallel_loop3A_645 = arith.constant 5 : i32
        %parallel_loop3A_646 = arith.constant 0 : i32
        %parallel_loop3A_647 = arith.constant 0 : i32
        %parallel_loop3A_648 = tpu.memref_slice %arg11[%parallel_loop3A_203, %parallel_loop3A_646, %parallel_loop3A_647] : memref<4x16x1024xf32, #tpu.memory_space<vmem>> -> memref<1x16x1024xf32, #tpu.memory_space<vmem>>
        %parallel_loop3A_649 = tpu.memref_squeeze %parallel_loop3A_648 : memref<1x16x1024xf32, #tpu.memory_space<vmem>> -> memref<16x1024xf32, #tpu.memory_space<vmem>>
        %parallel_loop3A_650 = arith.index_cast %parallel_loop3A_645 : i32 to index
        %parallel_loop3A_651 = arith.index_cast %parallel_loop3A_644 : i32 to index
        %parallel_loop3A_652 = tpu.vector_load %parallel_loop3A_649[%parallel_loop3A_650, %parallel_loop3A_651] {strides = array<i32>} : memref<16x1024xf32, #tpu.memory_space<vmem>>, vector<16xf32>,
        tpu.vector_store %parallel_loop3A_649[%parallel_loop3A_650, %parallel_loop3A_651], %parallel_loop3A_642 {add = true, strides = array<i32>} : memref<16x1024xf32, #tpu.memory_space<vmem>>, vector<16xf32>,
        %parallel_loop3A_653 = arith.constant 16 : i32
        %parallel_loop3A_654 = arith.muli %parallel_loop3A_532, %parallel_loop3A_653 : i32
        %parallel_loop3A_655 = arith.constant 6 : i32
        %parallel_loop3A_656 = arith.constant 0 : i32
        %parallel_loop3A_657 = arith.constant 0 : i32
        %parallel_loop3A_658 = tpu.memref_slice %arg10[%parallel_loop3A_202, %parallel_loop3A_656, %parallel_loop3A_657] : memref<2x16x1024xf32, #tpu.memory_space<vmem>> -> memref<1x16x1024xf32, #tpu.memory_space<vmem>>
        %parallel_loop3A_659 = tpu.memref_squeeze %parallel_loop3A_658 : memref<1x16x1024xf32, #tpu.memory_space<vmem>> -> memref<16x1024xf32, #tpu.memory_space<vmem>>
        %parallel_loop3A_660 = arith.index_cast %parallel_loop3A_655 : i32 to index
        %parallel_loop3A_661 = arith.index_cast %parallel_loop3A_654 : i32 to index
        %parallel_loop3A_662 = tpu.vector_load %parallel_loop3A_659[%parallel_loop3A_660, %parallel_loop3A_661] {strides = array<i32>} : memref<16x1024xf32, #tpu.memory_space<vmem>>, vector<16xf32>,
        %parallel_loop3A_663 = arith.constant 16 : i32
        %parallel_loop3A_664 = arith.muli %parallel_loop3A_532, %parallel_loop3A_663 : i32
        %parallel_loop3A_665 = arith.constant 6 : i32
        %parallel_loop3A_666 = arith.constant 0 : i32
        %parallel_loop3A_667 = arith.constant 0 : i32
        %parallel_loop3A_668 = tpu.memref_slice %arg11[%parallel_loop3A_203, %parallel_loop3A_666, %parallel_loop3A_667] : memref<4x16x1024xf32, #tpu.memory_space<vmem>> -> memref<1x16x1024xf32, #tpu.memory_space<vmem>>
        %parallel_loop3A_669 = tpu.memref_squeeze %parallel_loop3A_668 : memref<1x16x1024xf32, #tpu.memory_space<vmem>> -> memref<16x1024xf32, #tpu.memory_space<vmem>>
        %parallel_loop3A_670 = arith.index_cast %parallel_loop3A_665 : i32 to index
        %parallel_loop3A_671 = arith.index_cast %parallel_loop3A_664 : i32 to index
        %parallel_loop3A_672 = tpu.vector_load %parallel_loop3A_669[%parallel_loop3A_670, %parallel_loop3A_671] {strides = array<i32>} : memref<16x1024xf32, #tpu.memory_space<vmem>>, vector<16xf32>,
        tpu.vector_store %parallel_loop3A_669[%parallel_loop3A_670, %parallel_loop3A_671], %parallel_loop3A_662 {add = true, strides = array<i32>} : memref<16x1024xf32, #tpu.memory_space<vmem>>, vector<16xf32>,
        %parallel_loop3A_673 = arith.constant 16 : i32
        %parallel_loop3A_674 = arith.muli %parallel_loop3A_532, %parallel_loop3A_673 : i32
        %parallel_loop3A_675 = arith.constant 7 : i32
        %parallel_loop3A_676 = arith.constant 0 : i32
        %parallel_loop3A_677 = arith.constant 0 : i32
        %parallel_loop3A_678 = tpu.memref_slice %arg10[%parallel_loop3A_202, %parallel_loop3A_676, %parallel_loop3A_677] : memref<2x16x1024xf32, #tpu.memory_space<vmem>> -> memref<1x16x1024xf32, #tpu.memory_space<vmem>>
        %parallel_loop3A_679 = tpu.memref_squeeze %parallel_loop3A_678 : memref<1x16x1024xf32, #tpu.memory_space<vmem>> -> memref<16x1024xf32, #tpu.memory_space<vmem>>
        %parallel_loop3A_680 = arith.index_cast %parallel_loop3A_675 : i32 to index
        %parallel_loop3A_681 = arith.index_cast %parallel_loop3A_674 : i32 to index
        %parallel_loop3A_682 = tpu.vector_load %parallel_loop3A_679[%parallel_loop3A_680, %parallel_loop3A_681] {strides = array<i32>} : memref<16x1024xf32, #tpu.memory_space<vmem>>, vector<16xf32>,
        %parallel_loop3A_683 = arith.constant 16 : i32
        %parallel_loop3A_684 = arith.muli %parallel_loop3A_532, %parallel_loop3A_683 : i32
        %parallel_loop3A_685 = arith.constant 7 : i32
        %parallel_loop3A_686 = arith.constant 0 : i32
        %parallel_loop3A_687 = arith.constant 0 : i32
        %parallel_loop3A_688 = tpu.memref_slice %arg11[%parallel_loop3A_203, %parallel_loop3A_686, %parallel_loop3A_687] : memref<4x16x1024xf32, #tpu.memory_space<vmem>> -> memref<1x16x1024xf32, #tpu.memory_space<vmem>>
        %parallel_loop3A_689 = tpu.memref_squeeze %parallel_loop3A_688 : memref<1x16x1024xf32, #tpu.memory_space<vmem>> -> memref<16x1024xf32, #tpu.memory_space<vmem>>
        %parallel_loop3A_690 = arith.index_cast %parallel_loop3A_685 : i32 to index
        %parallel_loop3A_691 = arith.index_cast %parallel_loop3A_684 : i32 to index
        %parallel_loop3A_692 = tpu.vector_load %parallel_loop3A_689[%parallel_loop3A_690, %parallel_loop3A_691] {strides = array<i32>} : memref<16x1024xf32, #tpu.memory_space<vmem>>, vector<16xf32>,
        tpu.vector_store %parallel_loop3A_689[%parallel_loop3A_690, %parallel_loop3A_691], %parallel_loop3A_682 {add = true, strides = array<i32>} : memref<16x1024xf32, #tpu.memory_space<vmem>>, vector<16xf32>,
        %parallel_loop3A_693 = arith.constant 16 : i32
        %parallel_loop3A_694 = arith.muli %parallel_loop3A_532, %parallel_loop3A_693 : i32
        %parallel_loop3A_695 = arith.constant 8 : i32
        %parallel_loop3A_696 = arith.constant 0 : i32
        %parallel_loop3A_697 = arith.constant 0 : i32
        %parallel_loop3A_698 = tpu.memref_slice %arg10[%parallel_loop3A_202, %parallel_loop3A_696, %parallel_loop3A_697] : memref<2x16x1024xf32, #tpu.memory_space<vmem>> -> memref<1x16x1024xf32, #tpu.memory_space<vmem>>
        %parallel_loop3A_699 = tpu.memref_squeeze %parallel_loop3A_698 : memref<1x16x1024xf32, #tpu.memory_space<vmem>> -> memref<16x1024xf32, #tpu.memory_space<vmem>>
        %parallel_loop3A_700 = arith.index_cast %parallel_loop3A_695 : i32 to index
        %parallel_loop3A_701 = arith.index_cast %parallel_loop3A_694 : i32 to index
        %parallel_loop3A_702 = tpu.vector_load %parallel_loop3A_699[%parallel_loop3A_700, %parallel_loop3A_701] {strides = array<i32>} : memref<16x1024xf32, #tpu.memory_space<vmem>>, vector<16xf32>,
        %parallel_loop3A_703 = arith.constant 16 : i32
        %parallel_loop3A_704 = arith.muli %parallel_loop3A_532, %parallel_loop3A_703 : i32
        %parallel_loop3A_705 = arith.constant 8 : i32
        %parallel_loop3A_706 = arith.constant 0 : i32
        %parallel_loop3A_707 = arith.constant 0 : i32
        %parallel_loop3A_708 = tpu.memref_slice %arg11[%parallel_loop3A_203, %parallel_loop3A_706, %parallel_loop3A_707] : memref<4x16x1024xf32, #tpu.memory_space<vmem>> -> memref<1x16x1024xf32, #tpu.memory_space<vmem>>
        %parallel_loop3A_709 = tpu.memref_squeeze %parallel_loop3A_708 : memref<1x16x1024xf32, #tpu.memory_space<vmem>> -> memref<16x1024xf32, #tpu.memory_space<vmem>>
        %parallel_loop3A_710 = arith.index_cast %parallel_loop3A_705 : i32 to index
        %parallel_loop3A_711 = arith.index_cast %parallel_loop3A_704 : i32 to index
        %parallel_loop3A_712 = tpu.vector_load %parallel_loop3A_709[%parallel_loop3A_710, %parallel_loop3A_711] {strides = array<i32>} : memref<16x1024xf32, #tpu.memory_space<vmem>>, vector<16xf32>,
        tpu.vector_store %parallel_loop3A_709[%parallel_loop3A_710, %parallel_loop3A_711], %parallel_loop3A_702 {add = true, strides = array<i32>} : memref<16x1024xf32, #tpu.memory_space<vmem>>, vector<16xf32>,
        %parallel_loop3A_713 = arith.constant 16 : i32
        %parallel_loop3A_714 = arith.muli %parallel_loop3A_532, %parallel_loop3A_713 : i32
        %parallel_loop3A_715 = arith.constant 9 : i32
        %parallel_loop3A_716 = arith.constant 0 : i32
        %parallel_loop3A_717 = arith.constant 0 : i32
        %parallel_loop3A_718 = tpu.memref_slice %arg10[%parallel_loop3A_202, %parallel_loop3A_716, %parallel_loop3A_717] : memref<2x16x1024xf32, #tpu.memory_space<vmem>> -> memref<1x16x1024xf32, #tpu.memory_space<vmem>>
        %parallel_loop3A_719 = tpu.memref_squeeze %parallel_loop3A_718 : memref<1x16x1024xf32, #tpu.memory_space<vmem>> -> memref<16x1024xf32, #tpu.memory_space<vmem>>
        %parallel_loop3A_720 = arith.index_cast %parallel_loop3A_715 : i32 to index
        %parallel_loop3A_721 = arith.index_cast %parallel_loop3A_714 : i32 to index
        %parallel_loop3A_722 = tpu.vector_load %parallel_loop3A_719[%parallel_loop3A_720, %parallel_loop3A_721] {strides = array<i32>} : memref<16x1024xf32, #tpu.memory_space<vmem>>, vector<16xf32>,
        %parallel_loop3A_723 = arith.constant 16 : i32
        %parallel_loop3A_724 = arith.muli %parallel_loop3A_532, %parallel_loop3A_723 : i32
        %parallel_loop3A_725 = arith.constant 9 : i32
        %parallel_loop3A_726 = arith.constant 0 : i32
        %parallel_loop3A_727 = arith.constant 0 : i32
        %parallel_loop3A_728 = tpu.memref_slice %arg11[%parallel_loop3A_203, %parallel_loop3A_726, %parallel_loop3A_727] : memref<4x16x1024xf32, #tpu.memory_space<vmem>> -> memref<1x16x1024xf32, #tpu.memory_space<vmem>>
        %parallel_loop3A_729 = tpu.memref_squeeze %parallel_loop3A_728 : memref<1x16x1024xf32, #tpu.memory_space<vmem>> -> memref<16x1024xf32, #tpu.memory_space<vmem>>
        %parallel_loop3A_730 = arith.index_cast %parallel_loop3A_725 : i32 to index
        %parallel_loop3A_731 = arith.index_cast %parallel_loop3A_724 : i32 to index
        %parallel_loop3A_732 = tpu.vector_load %parallel_loop3A_729[%parallel_loop3A_730, %parallel_loop3A_731] {strides = array<i32>} : memref<16x1024xf32, #tpu.memory_space<vmem>>, vector<16xf32>,
        tpu.vector_store %parallel_loop3A_729[%parallel_loop3A_730, %parallel_loop3A_731], %parallel_loop3A_722 {add = true, strides = array<i32>} : memref<16x1024xf32, #tpu.memory_space<vmem>>, vector<16xf32>,
        %parallel_loop3A_733 = arith.constant 16 : i32
        %parallel_loop3A_734 = arith.muli %parallel_loop3A_532, %parallel_loop3A_733 : i32
        %parallel_loop3A_735 = arith.constant 10 : i32
        %parallel_loop3A_736 = arith.constant 0 : i32
        %parallel_loop3A_737 = arith.constant 0 : i32
        %parallel_loop3A_738 = tpu.memref_slice %arg10[%parallel_loop3A_202, %parallel_loop3A_736, %parallel_loop3A_737] : memref<2x16x1024xf32, #tpu.memory_space<vmem>> -> memref<1x16x1024xf32, #tpu.memory_space<vmem>>
        %parallel_loop3A_739 = tpu.memref_squeeze %parallel_loop3A_738 : memref<1x16x1024xf32, #tpu.memory_space<vmem>> -> memref<16x1024xf32, #tpu.memory_space<vmem>>
        %parallel_loop3A_740 = arith.index_cast %parallel_loop3A_735 : i32 to index
        %parallel_loop3A_741 = arith.index_cast %parallel_loop3A_734 : i32 to index
        %parallel_loop3A_742 = tpu.vector_load %parallel_loop3A_739[%parallel_loop3A_740, %parallel_loop3A_741] {strides = array<i32>} : memref<16x1024xf32, #tpu.memory_space<vmem>>, vector<16xf32>,
        %parallel_loop3A_743 = arith.constant 16 : i32
        %parallel_loop3A_744 = arith.muli %parallel_loop3A_532, %parallel_loop3A_743 : i32
        %parallel_loop3A_745 = arith.constant 10 : i32
        %parallel_loop3A_746 = arith.constant 0 : i32
        %parallel_loop3A_747 = arith.constant 0 : i32
        %parallel_loop3A_748 = tpu.memref_slice %arg11[%parallel_loop3A_203, %parallel_loop3A_746, %parallel_loop3A_747] : memref<4x16x1024xf32, #tpu.memory_space<vmem>> -> memref<1x16x1024xf32, #tpu.memory_space<vmem>>
        %parallel_loop3A_749 = tpu.memref_squeeze %parallel_loop3A_748 : memref<1x16x1024xf32, #tpu.memory_space<vmem>> -> memref<16x1024xf32, #tpu.memory_space<vmem>>
        %parallel_loop3A_750 = arith.index_cast %parallel_loop3A_745 : i32 to index
        %parallel_loop3A_751 = arith.index_cast %parallel_loop3A_744 : i32 to index
        %parallel_loop3A_752 = tpu.vector_load %parallel_loop3A_749[%parallel_loop3A_750, %parallel_loop3A_751] {strides = array<i32>} : memref<16x1024xf32, #tpu.memory_space<vmem>>, vector<16xf32>,
        tpu.vector_store %parallel_loop3A_749[%parallel_loop3A_750, %parallel_loop3A_751], %parallel_loop3A_742 {add = true, strides = array<i32>} : memref<16x1024xf32, #tpu.memory_space<vmem>>, vector<16xf32>,
        %parallel_loop3A_753 = arith.constant 16 : i32
        %parallel_loop3A_754 = arith.muli %parallel_loop3A_532, %parallel_loop3A_753 : i32
        %parallel_loop3A_755 = arith.constant 11 : i32
        %parallel_loop3A_756 = arith.constant 0 : i32
        %parallel_loop3A_757 = arith.constant 0 : i32
        %parallel_loop3A_758 = tpu.memref_slice %arg10[%parallel_loop3A_202, %parallel_loop3A_756, %parallel_loop3A_757] : memref<2x16x1024xf32, #tpu.memory_space<vmem>> -> memref<1x16x1024xf32, #tpu.memory_space<vmem>>
        %parallel_loop3A_759 = tpu.memref_squeeze %parallel_loop3A_758 : memref<1x16x1024xf32, #tpu.memory_space<vmem>> -> memref<16x1024xf32, #tpu.memory_space<vmem>>
        %parallel_loop3A_760 = arith.index_cast %parallel_loop3A_755 : i32 to index
        %parallel_loop3A_761 = arith.index_cast %parallel_loop3A_754 : i32 to index
        %parallel_loop3A_762 = tpu.vector_load %parallel_loop3A_759[%parallel_loop3A_760, %parallel_loop3A_761] {strides = array<i32>} : memref<16x1024xf32, #tpu.memory_space<vmem>>, vector<16xf32>,
        %parallel_loop3A_763 = arith.constant 16 : i32
        %parallel_loop3A_764 = arith.muli %parallel_loop3A_532, %parallel_loop3A_763 : i32
        %parallel_loop3A_765 = arith.constant 11 : i32
        %parallel_loop3A_766 = arith.constant 0 : i32
        %parallel_loop3A_767 = arith.constant 0 : i32
        %parallel_loop3A_768 = tpu.memref_slice %arg11[%parallel_loop3A_203, %parallel_loop3A_766, %parallel_loop3A_767] : memref<4x16x1024xf32, #tpu.memory_space<vmem>> -> memref<1x16x1024xf32, #tpu.memory_space<vmem>>
        %parallel_loop3A_769 = tpu.memref_squeeze %parallel_loop3A_768 : memref<1x16x1024xf32, #tpu.memory_space<vmem>> -> memref<16x1024xf32, #tpu.memory_space<vmem>>
        %parallel_loop3A_770 = arith.index_cast %parallel_loop3A_765 : i32 to index
        %parallel_loop3A_771 = arith.index_cast %parallel_loop3A_764 : i32 to index
        %parallel_loop3A_772 = tpu.vector_load %parallel_loop3A_769[%parallel_loop3A_770, %parallel_loop3A_771] {strides = array<i32>} : memref<16x1024xf32, #tpu.memory_space<vmem>>, vector<16xf32>,
        tpu.vector_store %parallel_loop3A_769[%parallel_loop3A_770, %parallel_loop3A_771], %parallel_loop3A_762 {add = true, strides = array<i32>} : memref<16x1024xf32, #tpu.memory_space<vmem>>, vector<16xf32>,
        %parallel_loop3A_773 = arith.constant 16 : i32
        %parallel_loop3A_774 = arith.muli %parallel_loop3A_532, %parallel_loop3A_773 : i32
        %parallel_loop3A_775 = arith.constant 12 : i32
        %parallel_loop3A_776 = arith.constant 0 : i32
        %parallel_loop3A_777 = arith.constant 0 : i32
        %parallel_loop3A_778 = tpu.memref_slice %arg10[%parallel_loop3A_202, %parallel_loop3A_776, %parallel_loop3A_777] : memref<2x16x1024xf32, #tpu.memory_space<vmem>> -> memref<1x16x1024xf32, #tpu.memory_space<vmem>>
        %parallel_loop3A_779 = tpu.memref_squeeze %parallel_loop3A_778 : memref<1x16x1024xf32, #tpu.memory_space<vmem>> -> memref<16x1024xf32, #tpu.memory_space<vmem>>
        %parallel_loop3A_780 = arith.index_cast %parallel_loop3A_775 : i32 to index
        %parallel_loop3A_781 = arith.index_cast %parallel_loop3A_774 : i32 to index
        %parallel_loop3A_782 = tpu.vector_load %parallel_loop3A_779[%parallel_loop3A_780, %parallel_loop3A_781] {strides = array<i32>} : memref<16x1024xf32, #tpu.memory_space<vmem>>, vector<16xf32>,
        %parallel_loop3A_783 = arith.constant 16 : i32
        %parallel_loop3A_784 = arith.muli %parallel_loop3A_532, %parallel_loop3A_783 : i32
        %parallel_loop3A_785 = arith.constant 12 : i32
        %parallel_loop3A_786 = arith.constant 0 : i32
        %parallel_loop3A_787 = arith.constant 0 : i32
        %parallel_loop3A_788 = tpu.memref_slice %arg11[%parallel_loop3A_203, %parallel_loop3A_786, %parallel_loop3A_787] : memref<4x16x1024xf32, #tpu.memory_space<vmem>> -> memref<1x16x1024xf32, #tpu.memory_space<vmem>>
        %parallel_loop3A_789 = tpu.memref_squeeze %parallel_loop3A_788 : memref<1x16x1024xf32, #tpu.memory_space<vmem>> -> memref<16x1024xf32, #tpu.memory_space<vmem>>
        %parallel_loop3A_790 = arith.index_cast %parallel_loop3A_785 : i32 to index
        %parallel_loop3A_791 = arith.index_cast %parallel_loop3A_784 : i32 to index
        %parallel_loop3A_792 = tpu.vector_load %parallel_loop3A_789[%parallel_loop3A_790, %parallel_loop3A_791] {strides = array<i32>} : memref<16x1024xf32, #tpu.memory_space<vmem>>, vector<16xf32>,
        tpu.vector_store %parallel_loop3A_789[%parallel_loop3A_790, %parallel_loop3A_791], %parallel_loop3A_782 {add = true, strides = array<i32>} : memref<16x1024xf32, #tpu.memory_space<vmem>>, vector<16xf32>,
        %parallel_loop3A_793 = arith.constant 16 : i32
        %parallel_loop3A_794 = arith.muli %parallel_loop3A_532, %parallel_loop3A_793 : i32
        %parallel_loop3A_795 = arith.constant 13 : i32
        %parallel_loop3A_796 = arith.constant 0 : i32
        %parallel_loop3A_797 = arith.constant 0 : i32
        %parallel_loop3A_798 = tpu.memref_slice %arg10[%parallel_loop3A_202, %parallel_loop3A_796, %parallel_loop3A_797] : memref<2x16x1024xf32, #tpu.memory_space<vmem>> -> memref<1x16x1024xf32, #tpu.memory_space<vmem>>
        %parallel_loop3A_799 = tpu.memref_squeeze %parallel_loop3A_798 : memref<1x16x1024xf32, #tpu.memory_space<vmem>> -> memref<16x1024xf32, #tpu.memory_space<vmem>>
        %parallel_loop3A_800 = arith.index_cast %parallel_loop3A_795 : i32 to index
        %parallel_loop3A_801 = arith.index_cast %parallel_loop3A_794 : i32 to index
        %parallel_loop3A_802 = tpu.vector_load %parallel_loop3A_799[%parallel_loop3A_800, %parallel_loop3A_801] {strides = array<i32>} : memref<16x1024xf32, #tpu.memory_space<vmem>>, vector<16xf32>,
        %parallel_loop3A_803 = arith.constant 16 : i32
        %parallel_loop3A_804 = arith.muli %parallel_loop3A_532, %parallel_loop3A_803 : i32
        %parallel_loop3A_805 = arith.constant 13 : i32
        %parallel_loop3A_806 = arith.constant 0 : i32
        %parallel_loop3A_807 = arith.constant 0 : i32
        %parallel_loop3A_808 = tpu.memref_slice %arg11[%parallel_loop3A_203, %parallel_loop3A_806, %parallel_loop3A_807] : memref<4x16x1024xf32, #tpu.memory_space<vmem>> -> memref<1x16x1024xf32, #tpu.memory_space<vmem>>
        %parallel_loop3A_809 = tpu.memref_squeeze %parallel_loop3A_808 : memref<1x16x1024xf32, #tpu.memory_space<vmem>> -> memref<16x1024xf32, #tpu.memory_space<vmem>>
        %parallel_loop3A_810 = arith.index_cast %parallel_loop3A_805 : i32 to index
        %parallel_loop3A_811 = arith.index_cast %parallel_loop3A_804 : i32 to index
        %parallel_loop3A_812 = tpu.vector_load %parallel_loop3A_809[%parallel_loop3A_810, %parallel_loop3A_811] {strides = array<i32>} : memref<16x1024xf32, #tpu.memory_space<vmem>>, vector<16xf32>,
        tpu.vector_store %parallel_loop3A_809[%parallel_loop3A_810, %parallel_loop3A_811], %parallel_loop3A_802 {add = true, strides = array<i32>} : memref<16x1024xf32, #tpu.memory_space<vmem>>, vector<16xf32>,
        %parallel_loop3A_813 = arith.constant 16 : i32
        %parallel_loop3A_814 = arith.muli %parallel_loop3A_532, %parallel_loop3A_813 : i32
        %parallel_loop3A_815 = arith.constant 14 : i32
        %parallel_loop3A_816 = arith.constant 0 : i32
        %parallel_loop3A_817 = arith.constant 0 : i32
        %parallel_loop3A_818 = tpu.memref_slice %arg10[%parallel_loop3A_202, %parallel_loop3A_816, %parallel_loop3A_817] : memref<2x16x1024xf32, #tpu.memory_space<vmem>> -> memref<1x16x1024xf32, #tpu.memory_space<vmem>>
        %parallel_loop3A_819 = tpu.memref_squeeze %parallel_loop3A_818 : memref<1x16x1024xf32, #tpu.memory_space<vmem>> -> memref<16x1024xf32, #tpu.memory_space<vmem>>
        %parallel_loop3A_820 = arith.index_cast %parallel_loop3A_815 : i32 to index
        %parallel_loop3A_821 = arith.index_cast %parallel_loop3A_814 : i32 to index
        %parallel_loop3A_822 = tpu.vector_load %parallel_loop3A_819[%parallel_loop3A_820, %parallel_loop3A_821] {strides = array<i32>} : memref<16x1024xf32, #tpu.memory_space<vmem>>, vector<16xf32>,
        %parallel_loop3A_823 = arith.constant 16 : i32
        %parallel_loop3A_824 = arith.muli %parallel_loop3A_532, %parallel_loop3A_823 : i32
        %parallel_loop3A_825 = arith.constant 14 : i32
        %parallel_loop3A_826 = arith.constant 0 : i32
        %parallel_loop3A_827 = arith.constant 0 : i32
        %parallel_loop3A_828 = tpu.memref_slice %arg11[%parallel_loop3A_203, %parallel_loop3A_826, %parallel_loop3A_827] : memref<4x16x1024xf32, #tpu.memory_space<vmem>> -> memref<1x16x1024xf32, #tpu.memory_space<vmem>>
        %parallel_loop3A_829 = tpu.memref_squeeze %parallel_loop3A_828 : memref<1x16x1024xf32, #tpu.memory_space<vmem>> -> memref<16x1024xf32, #tpu.memory_space<vmem>>
        %parallel_loop3A_830 = arith.index_cast %parallel_loop3A_825 : i32 to index
        %parallel_loop3A_831 = arith.index_cast %parallel_loop3A_824 : i32 to index
        %parallel_loop3A_832 = tpu.vector_load %parallel_loop3A_829[%parallel_loop3A_830, %parallel_loop3A_831] {strides = array<i32>} : memref<16x1024xf32, #tpu.memory_space<vmem>>, vector<16xf32>,
        tpu.vector_store %parallel_loop3A_829[%parallel_loop3A_830, %parallel_loop3A_831], %parallel_loop3A_822 {add = true, strides = array<i32>} : memref<16x1024xf32, #tpu.memory_space<vmem>>, vector<16xf32>,
        %parallel_loop3A_833 = arith.constant 16 : i32
        %parallel_loop3A_834 = arith.muli %parallel_loop3A_532, %parallel_loop3A_833 : i32
        %parallel_loop3A_835 = arith.constant 15 : i32
        %parallel_loop3A_836 = arith.constant 0 : i32
        %parallel_loop3A_837 = arith.constant 0 : i32
        %parallel_loop3A_838 = tpu.memref_slice %arg10[%parallel_loop3A_202, %parallel_loop3A_836, %parallel_loop3A_837] : memref<2x16x1024xf32, #tpu.memory_space<vmem>> -> memref<1x16x1024xf32, #tpu.memory_space<vmem>>
        %parallel_loop3A_839 = tpu.memref_squeeze %parallel_loop3A_838 : memref<1x16x1024xf32, #tpu.memory_space<vmem>> -> memref<16x1024xf32, #tpu.memory_space<vmem>>
        %parallel_loop3A_840 = arith.index_cast %parallel_loop3A_835 : i32 to index
        %parallel_loop3A_841 = arith.index_cast %parallel_loop3A_834 : i32 to index
        %parallel_loop3A_842 = tpu.vector_load %parallel_loop3A_839[%parallel_loop3A_840, %parallel_loop3A_841] {strides = array<i32>} : memref<16x1024xf32, #tpu.memory_space<vmem>>, vector<16xf32>,
        %parallel_loop3A_843 = arith.constant 16 : i32
        %parallel_loop3A_844 = arith.muli %parallel_loop3A_532, %parallel_loop3A_843 : i32
        %parallel_loop3A_845 = arith.constant 15 : i32
        %parallel_loop3A_846 = arith.constant 0 : i32
        %parallel_loop3A_847 = arith.constant 0 : i32
        %parallel_loop3A_848 = tpu.memref_slice %arg11[%parallel_loop3A_203, %parallel_loop3A_846, %parallel_loop3A_847] : memref<4x16x1024xf32, #tpu.memory_space<vmem>> -> memref<1x16x1024xf32, #tpu.memory_space<vmem>>
        %parallel_loop3A_849 = tpu.memref_squeeze %parallel_loop3A_848 : memref<1x16x1024xf32, #tpu.memory_space<vmem>> -> memref<16x1024xf32, #tpu.memory_space<vmem>>
        %parallel_loop3A_850 = arith.index_cast %parallel_loop3A_845 : i32 to index
        %parallel_loop3A_851 = arith.index_cast %parallel_loop3A_844 : i32 to index
        %parallel_loop3A_852 = tpu.vector_load %parallel_loop3A_849[%parallel_loop3A_850, %parallel_loop3A_851] {strides = array<i32>} : memref<16x1024xf32, #tpu.memory_space<vmem>>, vector<16xf32>,
        tpu.vector_store %parallel_loop3A_849[%parallel_loop3A_850, %parallel_loop3A_851], %parallel_loop3A_842 {add = true, strides = array<i32>} : memref<16x1024xf32, #tpu.memory_space<vmem>>, vector<16xf32>,
      } {sc.loop_unroll_factor = 1 : i64, sc.parallel_access}
      %mul3A_204 = arith.constant 16 : i32
      %mul3A_205 = arith.muli %add3A_152, %mul3A_204 : i32
      %add3A_206 = arith.addi %mul3A_32, %mul3A_205 : i32
      %dma_start3A_207 = arith.constant 0 : i32
      %dma_start3A_208 = arith.constant 0 : i32
      %dma_start3A_209 = arith.constant 0 : i32
      %dma_start3A_210 = arith.constant 0 : i32
      %dma_start3A_211 = tpu.memref_slice %arg11[%dma_start3A_207, %dma_start3A_209, %dma_start3A_210] : memref<4x16x1024xf32, #tpu.memory_space<vmem>> -> memref<1x16x1024xf32, #tpu.memory_space<vmem>>
      %dma_start3A_212 = tpu.memref_squeeze %dma_start3A_211 : memref<1x16x1024xf32, #tpu.memory_space<vmem>> -> memref<16x1024xf32, #tpu.memory_space<vmem>>
      %dma_start3A_213 = arith.constant 0 : i32
      %dma_start3A_214 = tpu.memref_slice %arg5[%select_n3A, %add3A_206, %dma_start3A_213] : memref<4x2048x1024xf32, #tpu.memory_space<hbm>> -> memref<1x16x1024xf32, #tpu.memory_space<hbm>>
      %dma_start3A_215 = tpu.memref_squeeze %dma_start3A_214 : memref<1x16x1024xf32, #tpu.memory_space<hbm>> -> memref<16x1024xf32, #tpu.memory_space<hbm>>
      %dma_start3A_216 = tpu.memref_slice %arg14[%dma_start3A_208] : memref<4x!tpu.dma_semaphore, #tpu.memory_space<semaphore_mem>> -> memref<1x!tpu.dma_semaphore, #tpu.memory_space<semaphore_mem>>
      %dma_start3A_217 = tpu.memref_squeeze %dma_start3A_216 : memref<1x!tpu.dma_semaphore, #tpu.memory_space<semaphore_mem>> -> memref<!tpu.dma_semaphore, #tpu.memory_space<semaphore_mem>>
      %dma_start3A_218 = arith.constant 0 : i32
      %dma_start3A_219 = tpu.memref_slice %arg5[%select_n3A, %add3A_206, %dma_start3A_218] : memref<4x2048x1024xf32, #tpu.memory_space<hbm>> -> memref<1x16x1024xf32, #tpu.memory_space<hbm>>
      %dma_start3A_220 = tpu.memref_squeeze %dma_start3A_219 : memref<1x16x1024xf32, #tpu.memory_space<hbm>> -> memref<16x1024xf32, #tpu.memory_space<hbm>>
      %dma_start3A_221 = arith.constant 0 : i32
      %dma_start3A_222 = arith.constant 0 : i32
      %dma_start3A_223 = tpu.memref_slice %arg11[%dma_start3A_207, %dma_start3A_221, %dma_start3A_222] : memref<4x16x1024xf32, #tpu.memory_space<vmem>> -> memref<1x16x1024xf32, #tpu.memory_space<vmem>>
      %dma_start3A_224 = tpu.memref_squeeze %dma_start3A_223 : memref<1x16x1024xf32, #tpu.memory_space<vmem>> -> memref<16x1024xf32, #tpu.memory_space<vmem>>
      tpu.enqueue_dma source(%dma_start3A_224 : memref<16x1024xf32, #tpu.memory_space<vmem>>) target(%dma_start3A_220 : memref<16x1024xf32, #tpu.memory_space<hbm>>) target_semaphore(%dma_start3A_217 : memref<!tpu.dma_semaphore, #tpu.memory_space<semaphore_mem>>)
      %add3A_225 = arith.constant 2 : i32
      %add3A_226 = arith.addi %add3A_152, %add3A_225 : i32
      %mul3A_227 = arith.constant 16 : i32
      %mul3A_228 = arith.muli %add3A_226, %mul3A_227 : i32
      %add3A_229 = arith.addi %mul3A_32, %mul3A_228 : i32
      %dma_start3A_230 = arith.constant 0 : i32
      %dma_start3A_231 = arith.constant 0 : i32
      %dma_start3A_232 = arith.constant 0 : i32
      %dma_start3A_233 = arith.constant 0 : i32
      %dma_start3A_234 = tpu.memref_slice %arg10[%dma_start3A_230, %dma_start3A_232, %dma_start3A_233] : memref<2x16x1024xf32, #tpu.memory_space<vmem>> -> memref<1x16x1024xf32, #tpu.memory_space<vmem>>
      %dma_start3A_235 = tpu.memref_squeeze %dma_start3A_234 : memref<1x16x1024xf32, #tpu.memory_space<vmem>> -> memref<16x1024xf32, #tpu.memory_space<vmem>>
      %dma_start3A_236 = tpu.memref_slice %arg7[%add3A_229] : memref<2048xi32, #tpu.memory_space<vmem>> -> memref<16xi32, #tpu.memory_space<vmem>>
      %dma_start3A_237 = arith.constant 0 : i32
      %dma_start3A_238 = arith.constant 0 : i32
      %dma_start3A_239 = tpu.memref_slice %arg3[%dma_start3A_237, %dma_start3A_238] : memref<50272x1024xf32, #tpu.memory_space<hbm>> -> memref<50272x1024xf32, #tpu.memory_space<hbm>>
      %dma_start3A_240 = tpu.memref_slice %arg12[%dma_start3A_231] : memref<2x!tpu.dma_semaphore, #tpu.memory_space<semaphore_mem>> -> memref<1x!tpu.dma_semaphore, #tpu.memory_space<semaphore_mem>>
      %dma_start3A_241 = tpu.memref_squeeze %dma_start3A_240 : memref<1x!tpu.dma_semaphore, #tpu.memory_space<semaphore_mem>> -> memref<!tpu.dma_semaphore, #tpu.memory_space<semaphore_mem>>
      tpu.enqueue_indirect_dma source(%dma_start3A_239 : memref<50272x1024xf32, #tpu.memory_space<hbm>>) target(%dma_start3A_235 : memref<16x1024xf32, #tpu.memory_space<vmem>>) offsets(%dma_start3A_236 : memref<16xi32, #tpu.memory_space<vmem>>) semaphore(%dma_start3A_241 : memref<!tpu.dma_semaphore, #tpu.memory_space<semaphore_mem>>)
      %mul3A_242 = arith.constant 4 : i32
      %mul3A_243 = arith.muli %scan3A_147, %mul3A_242 : i32
      %add3A_244 = arith.constant 1 : i32
      %add3A_245 = arith.addi %mul3A_243, %add3A_244 : i32
      %ge3A_246 = arith.constant 2 : i32
      %ge3A_247 = arith.cmpi sge, %add3A_245, %ge3A_246 : i32
      %convert_element_type3A_248 = arith.extui %ge3A_247 : i1 to i32
      %cond3A_249 = arith.constant 0 : i32
      %cond3A_250 = arith.cmpi ne, %convert_element_type3A_248, %cond3A_249 : i32
      scf.if %cond3A_250 {
        %sub3A_532 = arith.constant 2 : i32
        %sub3A_533 = arith.subi %add3A_245, %sub3A_532 : i32
        %mul3A_534 = arith.constant 16 : i32
        %mul3A_535 = arith.muli %sub3A_533, %mul3A_534 : i32
        %add3A_536 = arith.addi %mul3A_32, %mul3A_535 : i32
        %dma_wait3A_537 = arith.constant 3 : i32
        %dma_wait3A_538 = arith.constant 3 : i32
        %dma_wait3A_539 = arith.constant 0 : i32
        %dma_wait3A_540 = arith.constant 0 : i32
        %dma_wait3A_541 = tpu.memref_slice %arg11[%dma_wait3A_537, %dma_wait3A_539, %dma_wait3A_540] : memref<4x16x1024xf32, #tpu.memory_space<vmem>> -> memref<1x16x1024xf32, #tpu.memory_space<vmem>>
        %dma_wait3A_542 = tpu.memref_squeeze %dma_wait3A_541 : memref<1x16x1024xf32, #tpu.memory_space<vmem>> -> memref<16x1024xf32, #tpu.memory_space<vmem>>
        %dma_wait3A_543 = arith.constant 0 : i32
        %dma_wait3A_544 = tpu.memref_slice %arg5[%select_n3A, %add3A_536, %dma_wait3A_543] : memref<4x2048x1024xf32, #tpu.memory_space<hbm>> -> memref<1x16x1024xf32, #tpu.memory_space<hbm>>
        %dma_wait3A_545 = tpu.memref_squeeze %dma_wait3A_544 : memref<1x16x1024xf32, #tpu.memory_space<hbm>> -> memref<16x1024xf32, #tpu.memory_space<hbm>>
        %dma_wait3A_546 = tpu.memref_slice %arg14[%dma_wait3A_538] : memref<4x!tpu.dma_semaphore, #tpu.memory_space<semaphore_mem>> -> memref<1x!tpu.dma_semaphore, #tpu.memory_space<semaphore_mem>>
        %dma_wait3A_547 = tpu.memref_squeeze %dma_wait3A_546 : memref<1x!tpu.dma_semaphore, #tpu.memory_space<semaphore_mem>> -> memref<!tpu.dma_semaphore, #tpu.memory_space<semaphore_mem>>
        %dma_wait3A_548 = arith.constant 0 : i32
        %dma_wait3A_549 = tpu.memref_slice %arg5[%select_n3A, %add3A_536, %dma_wait3A_548] : memref<4x2048x1024xf32, #tpu.memory_space<hbm>> -> memref<1x16x1024xf32, #tpu.memory_space<hbm>>
        %dma_wait3A_550 = tpu.memref_squeeze %dma_wait3A_549 : memref<1x16x1024xf32, #tpu.memory_space<hbm>> -> memref<16x1024xf32, #tpu.memory_space<hbm>>
        %dma_wait3A_551 = arith.constant 0 : i32
        %dma_wait3A_552 = arith.constant 0 : i32
        %dma_wait3A_553 = tpu.memref_slice %arg11[%dma_wait3A_537, %dma_wait3A_551, %dma_wait3A_552] : memref<4x16x1024xf32, #tpu.memory_space<vmem>> -> memref<1x16x1024xf32, #tpu.memory_space<vmem>>
        %dma_wait3A_554 = tpu.memref_squeeze %dma_wait3A_553 : memref<1x16x1024xf32, #tpu.memory_space<vmem>> -> memref<16x1024xf32, #tpu.memory_space<vmem>>
        tpu.wait_dma2 semaphore(%dma_wait3A_547 : memref<!tpu.dma_semaphore, #tpu.memory_space<semaphore_mem>>) src(%dma_wait3A_554 : memref<16x1024xf32, #tpu.memory_space<vmem>>) dst(%dma_wait3A_550 : memref<16x1024xf32, #tpu.memory_space<hbm>>)
      } else {
      }
      %add3A_251 = arith.constant 2 : i32
      %add3A_252 = arith.addi %add3A_245, %add3A_251 : i32
      %mul3A_253 = arith.constant 16 : i32
      %mul3A_254 = arith.muli %add3A_252, %mul3A_253 : i32
      %dma_start3A_255 = arith.constant 3 : i32
      %dma_start3A_256 = arith.constant 3 : i32
      %dma_start3A_257 = arith.constant 0 : i32
      %dma_start3A_258 = arith.constant 0 : i32
      %dma_start3A_259 = tpu.memref_slice %arg11[%dma_start3A_255, %dma_start3A_257, %dma_start3A_258] : memref<4x16x1024xf32, #tpu.memory_space<vmem>> -> memref<1x16x1024xf32, #tpu.memory_space<vmem>>
      %dma_start3A_260 = tpu.memref_squeeze %dma_start3A_259 : memref<1x16x1024xf32, #tpu.memory_space<vmem>> -> memref<16x1024xf32, #tpu.memory_space<vmem>>
      %dma_start3A_261 = tpu.memref_slice %arg8[%mul3A_254] : memref<256xi32, #tpu.memory_space<vmem>> -> memref<16xi32, #tpu.memory_space<vmem>>
      %dma_start3A_262 = arith.constant 0 : i32
      %dma_start3A_263 = arith.constant 0 : i32
      %dma_start3A_264 = tpu.memref_slice %arg4[%dma_start3A_262, %dma_start3A_263] : memref<2048x1024xf32, #tpu.memory_space<hbm>> -> memref<2048x1024xf32, #tpu.memory_space<hbm>>
      %dma_start3A_265 = tpu.memref_slice %arg13[%dma_start3A_256] : memref<4x!tpu.dma_semaphore, #tpu.memory_space<semaphore_mem>> -> memref<1x!tpu.dma_semaphore, #tpu.memory_space<semaphore_mem>>
      %dma_start3A_266 = tpu.memref_squeeze %dma_start3A_265 : memref<1x!tpu.dma_semaphore, #tpu.memory_space<semaphore_mem>> -> memref<!tpu.dma_semaphore, #tpu.memory_space<semaphore_mem>>
      tpu.enqueue_indirect_dma source(%dma_start3A_264 : memref<2048x1024xf32, #tpu.memory_space<hbm>>) target(%dma_start3A_260 : memref<16x1024xf32, #tpu.memory_space<vmem>>) offsets(%dma_start3A_261 : memref<16xi32, #tpu.memory_space<vmem>>) semaphore(%dma_start3A_266 : memref<!tpu.dma_semaphore, #tpu.memory_space<semaphore_mem>>)
      %mul3A_267 = arith.constant 16 : i32
      %mul3A_268 = arith.muli %add3A_245, %mul3A_267 : i32
      %add3A_269 = arith.addi %mul3A_32, %mul3A_268 : i32
      %dma_wait3A_270 = arith.constant 1 : i32
      %dma_wait3A_271 = arith.constant 1 : i32
      %dma_wait3A_272 = arith.constant 0 : i32
      %dma_wait3A_273 = arith.constant 0 : i32
      %dma_wait3A_274 = tpu.memref_slice %arg10[%dma_wait3A_270, %dma_wait3A_272, %dma_wait3A_273] : memref<2x16x1024xf32, #tpu.memory_space<vmem>> -> memref<1x16x1024xf32, #tpu.memory_space<vmem>>
      %dma_wait3A_275 = tpu.memref_squeeze %dma_wait3A_274 : memref<1x16x1024xf32, #tpu.memory_space<vmem>> -> memref<16x1024xf32, #tpu.memory_space<vmem>>
      %dma_wait3A_276 = tpu.memref_slice %arg7[%add3A_269] : memref<2048xi32, #tpu.memory_space<vmem>> -> memref<16xi32, #tpu.memory_space<vmem>>
      %dma_wait3A_277 = arith.constant 0 : i32
      %dma_wait3A_278 = arith.constant 0 : i32
      %dma_wait3A_279 = tpu.memref_slice %arg3[%dma_wait3A_277, %dma_wait3A_278] : memref<50272x1024xf32, #tpu.memory_space<hbm>> -> memref<50272x1024xf32, #tpu.memory_space<hbm>>
      %dma_wait3A_280 = tpu.memref_slice %arg12[%dma_wait3A_271] : memref<2x!tpu.dma_semaphore, #tpu.memory_space<semaphore_mem>> -> memref<1x!tpu.dma_semaphore, #tpu.memory_space<semaphore_mem>>
      %dma_wait3A_281 = tpu.memref_squeeze %dma_wait3A_280 : memref<1x!tpu.dma_semaphore, #tpu.memory_space<semaphore_mem>> -> memref<!tpu.dma_semaphore, #tpu.memory_space<semaphore_mem>>
      tpu.wait_indirect_dma semaphore(%dma_wait3A_281 : memref<!tpu.dma_semaphore, #tpu.memory_space<semaphore_mem>>) src(%dma_wait3A_279 : memref<50272x1024xf32, #tpu.memory_space<hbm>>) dst(%dma_wait3A_275 : memref<16x1024xf32, #tpu.memory_space<vmem>>)
      %mul3A_282 = arith.constant 16 : i32
      %mul3A_283 = arith.muli %add3A_245, %mul3A_282 : i32
      %dma_wait3A_284 = arith.constant 1 : i32
      %dma_wait3A_285 = arith.constant 1 : i32
      %dma_wait3A_286 = arith.constant 0 : i32
      %dma_wait3A_287 = arith.constant 0 : i32
      %dma_wait3A_288 = tpu.memref_slice %arg11[%dma_wait3A_284, %dma_wait3A_286, %dma_wait3A_287] : memref<4x16x1024xf32, #tpu.memory_space<vmem>> -> memref<1x16x1024xf32, #tpu.memory_space<vmem>>
      %dma_wait3A_289 = tpu.memref_squeeze %dma_wait3A_288 : memref<1x16x1024xf32, #tpu.memory_space<vmem>> -> memref<16x1024xf32, #tpu.memory_space<vmem>>
      %dma_wait3A_290 = tpu.memref_slice %arg8[%mul3A_283] : memref<256xi32, #tpu.memory_space<vmem>> -> memref<16xi32, #tpu.memory_space<vmem>>
      %dma_wait3A_291 = arith.constant 0 : i32
      %dma_wait3A_292 = arith.constant 0 : i32
      %dma_wait3A_293 = tpu.memref_slice %arg4[%dma_wait3A_291, %dma_wait3A_292] : memref<2048x1024xf32, #tpu.memory_space<hbm>> -> memref<2048x1024xf32, #tpu.memory_space<hbm>>
      %dma_wait3A_294 = tpu.memref_slice %arg13[%dma_wait3A_285] : memref<4x!tpu.dma_semaphore, #tpu.memory_space<semaphore_mem>> -> memref<1x!tpu.dma_semaphore, #tpu.memory_space<semaphore_mem>>
      %dma_wait3A_295 = tpu.memref_squeeze %dma_wait3A_294 : memref<1x!tpu.dma_semaphore, #tpu.memory_space<semaphore_mem>> -> memref<!tpu.dma_semaphore, #tpu.memory_space<semaphore_mem>>
      tpu.wait_indirect_dma semaphore(%dma_wait3A_295 : memref<!tpu.dma_semaphore, #tpu.memory_space<semaphore_mem>>) src(%dma_wait3A_293 : memref<2048x1024xf32, #tpu.memory_space<hbm>>) dst(%dma_wait3A_289 : memref<16x1024xf32, #tpu.memory_space<vmem>>)
      %parallel_loop3A_296 = arith.constant 0 : i32
      %parallel_loop3A_297 = arith.constant 64 : i32
      %parallel_loop3A_298 = arith.constant 1 : i32
      %parallel_loop3A_299 = arith.constant 1 : i32
      %parallel_loop3A_300 = arith.constant 1 : i32
      scf.for %parallel_loop3A_532 = %parallel_loop3A_296 to %parallel_loop3A_297 step %parallel_loop3A_298  : i32 {
        %parallel_loop3A_533 = arith.constant 16 : i32
        %parallel_loop3A_534 = arith.muli %parallel_loop3A_532, %parallel_loop3A_533 : i32
        %parallel_loop3A_535 = arith.constant 0 : i32
        %parallel_loop3A_536 = arith.constant 0 : i32
        %parallel_loop3A_537 = arith.constant 0 : i32
        %parallel_loop3A_538 = tpu.memref_slice %arg10[%parallel_loop3A_299, %parallel_loop3A_536, %parallel_loop3A_537] : memref<2x16x1024xf32, #tpu.memory_space<vmem>> -> memref<1x16x1024xf32, #tpu.memory_space<vmem>>
        %parallel_loop3A_539 = tpu.memref_squeeze %parallel_loop3A_538 : memref<1x16x1024xf32, #tpu.memory_space<vmem>> -> memref<16x1024xf32, #tpu.memory_space<vmem>>
        %parallel_loop3A_540 = arith.index_cast %parallel_loop3A_535 : i32 to index
        %parallel_loop3A_541 = arith.index_cast %parallel_loop3A_534 : i32 to index
        %parallel_loop3A_542 = tpu.vector_load %parallel_loop3A_539[%parallel_loop3A_540, %parallel_loop3A_541] {strides = array<i32>} : memref<16x1024xf32, #tpu.memory_space<vmem>>, vector<16xf32>,
        %parallel_loop3A_543 = arith.constant 16 : i32
        %parallel_loop3A_544 = arith.muli %parallel_loop3A_532, %parallel_loop3A_543 : i32
        %parallel_loop3A_545 = arith.constant 0 : i32
        %parallel_loop3A_546 = arith.constant 0 : i32
        %parallel_loop3A_547 = arith.constant 0 : i32
        %parallel_loop3A_548 = tpu.memref_slice %arg11[%parallel_loop3A_300, %parallel_loop3A_546, %parallel_loop3A_547] : memref<4x16x1024xf32, #tpu.memory_space<vmem>> -> memref<1x16x1024xf32, #tpu.memory_space<vmem>>
        %parallel_loop3A_549 = tpu.memref_squeeze %parallel_loop3A_548 : memref<1x16x1024xf32, #tpu.memory_space<vmem>> -> memref<16x1024xf32, #tpu.memory_space<vmem>>
        %parallel_loop3A_550 = arith.index_cast %parallel_loop3A_545 : i32 to index
        %parallel_loop3A_551 = arith.index_cast %parallel_loop3A_544 : i32 to index
        %parallel_loop3A_552 = tpu.vector_load %parallel_loop3A_549[%parallel_loop3A_550, %parallel_loop3A_551] {strides = array<i32>} : memref<16x1024xf32, #tpu.memory_space<vmem>>, vector<16xf32>,
        tpu.vector_store %parallel_loop3A_549[%parallel_loop3A_550, %parallel_loop3A_551], %parallel_loop3A_542 {add = true, strides = array<i32>} : memref<16x1024xf32, #tpu.memory_space<vmem>>, vector<16xf32>,
        %parallel_loop3A_553 = arith.constant 16 : i32
        %parallel_loop3A_554 = arith.muli %parallel_loop3A_532, %parallel_loop3A_553 : i32
        %parallel_loop3A_555 = arith.constant 1 : i32
        %parallel_loop3A_556 = arith.constant 0 : i32
        %parallel_loop3A_557 = arith.constant 0 : i32
        %parallel_loop3A_558 = tpu.memref_slice %arg10[%parallel_loop3A_299, %parallel_loop3A_556, %parallel_loop3A_557] : memref<2x16x1024xf32, #tpu.memory_space<vmem>> -> memref<1x16x1024xf32, #tpu.memory_space<vmem>>
        %parallel_loop3A_559 = tpu.memref_squeeze %parallel_loop3A_558 : memref<1x16x1024xf32, #tpu.memory_space<vmem>> -> memref<16x1024xf32, #tpu.memory_space<vmem>>
        %parallel_loop3A_560 = arith.index_cast %parallel_loop3A_555 : i32 to index
        %parallel_loop3A_561 = arith.index_cast %parallel_loop3A_554 : i32 to index
        %parallel_loop3A_562 = tpu.vector_load %parallel_loop3A_559[%parallel_loop3A_560, %parallel_loop3A_561] {strides = array<i32>} : memref<16x1024xf32, #tpu.memory_space<vmem>>, vector<16xf32>,
        %parallel_loop3A_563 = arith.constant 16 : i32
        %parallel_loop3A_564 = arith.muli %parallel_loop3A_532, %parallel_loop3A_563 : i32
        %parallel_loop3A_565 = arith.constant 1 : i32
        %parallel_loop3A_566 = arith.constant 0 : i32
        %parallel_loop3A_567 = arith.constant 0 : i32
        %parallel_loop3A_568 = tpu.memref_slice %arg11[%parallel_loop3A_300, %parallel_loop3A_566, %parallel_loop3A_567] : memref<4x16x1024xf32, #tpu.memory_space<vmem>> -> memref<1x16x1024xf32, #tpu.memory_space<vmem>>
        %parallel_loop3A_569 = tpu.memref_squeeze %parallel_loop3A_568 : memref<1x16x1024xf32, #tpu.memory_space<vmem>> -> memref<16x1024xf32, #tpu.memory_space<vmem>>
        %parallel_loop3A_570 = arith.index_cast %parallel_loop3A_565 : i32 to index
        %parallel_loop3A_571 = arith.index_cast %parallel_loop3A_564 : i32 to index
        %parallel_loop3A_572 = tpu.vector_load %parallel_loop3A_569[%parallel_loop3A_570, %parallel_loop3A_571] {strides = array<i32>} : memref<16x1024xf32, #tpu.memory_space<vmem>>, vector<16xf32>,
        tpu.vector_store %parallel_loop3A_569[%parallel_loop3A_570, %parallel_loop3A_571], %parallel_loop3A_562 {add = true, strides = array<i32>} : memref<16x1024xf32, #tpu.memory_space<vmem>>, vector<16xf32>,
        %parallel_loop3A_573 = arith.constant 16 : i32
        %parallel_loop3A_574 = arith.muli %parallel_loop3A_532, %parallel_loop3A_573 : i32
        %parallel_loop3A_575 = arith.constant 2 : i32
        %parallel_loop3A_576 = arith.constant 0 : i32
        %parallel_loop3A_577 = arith.constant 0 : i32
        %parallel_loop3A_578 = tpu.memref_slice %arg10[%parallel_loop3A_299, %parallel_loop3A_576, %parallel_loop3A_577] : memref<2x16x1024xf32, #tpu.memory_space<vmem>> -> memref<1x16x1024xf32, #tpu.memory_space<vmem>>
        %parallel_loop3A_579 = tpu.memref_squeeze %parallel_loop3A_578 : memref<1x16x1024xf32, #tpu.memory_space<vmem>> -> memref<16x1024xf32, #tpu.memory_space<vmem>>
        %parallel_loop3A_580 = arith.index_cast %parallel_loop3A_575 : i32 to index
        %parallel_loop3A_581 = arith.index_cast %parallel_loop3A_574 : i32 to index
        %parallel_loop3A_582 = tpu.vector_load %parallel_loop3A_579[%parallel_loop3A_580, %parallel_loop3A_581] {strides = array<i32>} : memref<16x1024xf32, #tpu.memory_space<vmem>>, vector<16xf32>,
        %parallel_loop3A_583 = arith.constant 16 : i32
        %parallel_loop3A_584 = arith.muli %parallel_loop3A_532, %parallel_loop3A_583 : i32
        %parallel_loop3A_585 = arith.constant 2 : i32
        %parallel_loop3A_586 = arith.constant 0 : i32
        %parallel_loop3A_587 = arith.constant 0 : i32
        %parallel_loop3A_588 = tpu.memref_slice %arg11[%parallel_loop3A_300, %parallel_loop3A_586, %parallel_loop3A_587] : memref<4x16x1024xf32, #tpu.memory_space<vmem>> -> memref<1x16x1024xf32, #tpu.memory_space<vmem>>
        %parallel_loop3A_589 = tpu.memref_squeeze %parallel_loop3A_588 : memref<1x16x1024xf32, #tpu.memory_space<vmem>> -> memref<16x1024xf32, #tpu.memory_space<vmem>>
        %parallel_loop3A_590 = arith.index_cast %parallel_loop3A_585 : i32 to index
        %parallel_loop3A_591 = arith.index_cast %parallel_loop3A_584 : i32 to index
        %parallel_loop3A_592 = tpu.vector_load %parallel_loop3A_589[%parallel_loop3A_590, %parallel_loop3A_591] {strides = array<i32>} : memref<16x1024xf32, #tpu.memory_space<vmem>>, vector<16xf32>,
        tpu.vector_store %parallel_loop3A_589[%parallel_loop3A_590, %parallel_loop3A_591], %parallel_loop3A_582 {add = true, strides = array<i32>} : memref<16x1024xf32, #tpu.memory_space<vmem>>, vector<16xf32>,
        %parallel_loop3A_593 = arith.constant 16 : i32
        %parallel_loop3A_594 = arith.muli %parallel_loop3A_532, %parallel_loop3A_593 : i32
        %parallel_loop3A_595 = arith.constant 3 : i32
        %parallel_loop3A_596 = arith.constant 0 : i32
        %parallel_loop3A_597 = arith.constant 0 : i32
        %parallel_loop3A_598 = tpu.memref_slice %arg10[%parallel_loop3A_299, %parallel_loop3A_596, %parallel_loop3A_597] : memref<2x16x1024xf32, #tpu.memory_space<vmem>> -> memref<1x16x1024xf32, #tpu.memory_space<vmem>>
        %parallel_loop3A_599 = tpu.memref_squeeze %parallel_loop3A_598 : memref<1x16x1024xf32, #tpu.memory_space<vmem>> -> memref<16x1024xf32, #tpu.memory_space<vmem>>
        %parallel_loop3A_600 = arith.index_cast %parallel_loop3A_595 : i32 to index
        %parallel_loop3A_601 = arith.index_cast %parallel_loop3A_594 : i32 to index
        %parallel_loop3A_602 = tpu.vector_load %parallel_loop3A_599[%parallel_loop3A_600, %parallel_loop3A_601] {strides = array<i32>} : memref<16x1024xf32, #tpu.memory_space<vmem>>, vector<16xf32>,
        %parallel_loop3A_603 = arith.constant 16 : i32
        %parallel_loop3A_604 = arith.muli %parallel_loop3A_532, %parallel_loop3A_603 : i32
        %parallel_loop3A_605 = arith.constant 3 : i32
        %parallel_loop3A_606 = arith.constant 0 : i32
        %parallel_loop3A_607 = arith.constant 0 : i32
        %parallel_loop3A_608 = tpu.memref_slice %arg11[%parallel_loop3A_300, %parallel_loop3A_606, %parallel_loop3A_607] : memref<4x16x1024xf32, #tpu.memory_space<vmem>> -> memref<1x16x1024xf32, #tpu.memory_space<vmem>>
        %parallel_loop3A_609 = tpu.memref_squeeze %parallel_loop3A_608 : memref<1x16x1024xf32, #tpu.memory_space<vmem>> -> memref<16x1024xf32, #tpu.memory_space<vmem>>
        %parallel_loop3A_610 = arith.index_cast %parallel_loop3A_605 : i32 to index
        %parallel_loop3A_611 = arith.index_cast %parallel_loop3A_604 : i32 to index
        %parallel_loop3A_612 = tpu.vector_load %parallel_loop3A_609[%parallel_loop3A_610, %parallel_loop3A_611] {strides = array<i32>} : memref<16x1024xf32, #tpu.memory_space<vmem>>, vector<16xf32>,
        tpu.vector_store %parallel_loop3A_609[%parallel_loop3A_610, %parallel_loop3A_611], %parallel_loop3A_602 {add = true, strides = array<i32>} : memref<16x1024xf32, #tpu.memory_space<vmem>>, vector<16xf32>,
        %parallel_loop3A_613 = arith.constant 16 : i32
        %parallel_loop3A_614 = arith.muli %parallel_loop3A_532, %parallel_loop3A_613 : i32
        %parallel_loop3A_615 = arith.constant 4 : i32
        %parallel_loop3A_616 = arith.constant 0 : i32
        %parallel_loop3A_617 = arith.constant 0 : i32
        %parallel_loop3A_618 = tpu.memref_slice %arg10[%parallel_loop3A_299, %parallel_loop3A_616, %parallel_loop3A_617] : memref<2x16x1024xf32, #tpu.memory_space<vmem>> -> memref<1x16x1024xf32, #tpu.memory_space<vmem>>
        %parallel_loop3A_619 = tpu.memref_squeeze %parallel_loop3A_618 : memref<1x16x1024xf32, #tpu.memory_space<vmem>> -> memref<16x1024xf32, #tpu.memory_space<vmem>>
        %parallel_loop3A_620 = arith.index_cast %parallel_loop3A_615 : i32 to index
        %parallel_loop3A_621 = arith.index_cast %parallel_loop3A_614 : i32 to index
        %parallel_loop3A_622 = tpu.vector_load %parallel_loop3A_619[%parallel_loop3A_620, %parallel_loop3A_621] {strides = array<i32>} : memref<16x1024xf32, #tpu.memory_space<vmem>>, vector<16xf32>,
        %parallel_loop3A_623 = arith.constant 16 : i32
        %parallel_loop3A_624 = arith.muli %parallel_loop3A_532, %parallel_loop3A_623 : i32
        %parallel_loop3A_625 = arith.constant 4 : i32
        %parallel_loop3A_626 = arith.constant 0 : i32
        %parallel_loop3A_627 = arith.constant 0 : i32
        %parallel_loop3A_628 = tpu.memref_slice %arg11[%parallel_loop3A_300, %parallel_loop3A_626, %parallel_loop3A_627] : memref<4x16x1024xf32, #tpu.memory_space<vmem>> -> memref<1x16x1024xf32, #tpu.memory_space<vmem>>
        %parallel_loop3A_629 = tpu.memref_squeeze %parallel_loop3A_628 : memref<1x16x1024xf32, #tpu.memory_space<vmem>> -> memref<16x1024xf32, #tpu.memory_space<vmem>>
        %parallel_loop3A_630 = arith.index_cast %parallel_loop3A_625 : i32 to index
        %parallel_loop3A_631 = arith.index_cast %parallel_loop3A_624 : i32 to index
        %parallel_loop3A_632 = tpu.vector_load %parallel_loop3A_629[%parallel_loop3A_630, %parallel_loop3A_631] {strides = array<i32>} : memref<16x1024xf32, #tpu.memory_space<vmem>>, vector<16xf32>,
        tpu.vector_store %parallel_loop3A_629[%parallel_loop3A_630, %parallel_loop3A_631], %parallel_loop3A_622 {add = true, strides = array<i32>} : memref<16x1024xf32, #tpu.memory_space<vmem>>, vector<16xf32>,
        %parallel_loop3A_633 = arith.constant 16 : i32
        %parallel_loop3A_634 = arith.muli %parallel_loop3A_532, %parallel_loop3A_633 : i32
        %parallel_loop3A_635 = arith.constant 5 : i32
        %parallel_loop3A_636 = arith.constant 0 : i32
        %parallel_loop3A_637 = arith.constant 0 : i32
        %parallel_loop3A_638 = tpu.memref_slice %arg10[%parallel_loop3A_299, %parallel_loop3A_636, %parallel_loop3A_637] : memref<2x16x1024xf32, #tpu.memory_space<vmem>> -> memref<1x16x1024xf32, #tpu.memory_space<vmem>>
        %parallel_loop3A_639 = tpu.memref_squeeze %parallel_loop3A_638 : memref<1x16x1024xf32, #tpu.memory_space<vmem>> -> memref<16x1024xf32, #tpu.memory_space<vmem>>
        %parallel_loop3A_640 = arith.index_cast %parallel_loop3A_635 : i32 to index
        %parallel_loop3A_641 = arith.index_cast %parallel_loop3A_634 : i32 to index
        %parallel_loop3A_642 = tpu.vector_load %parallel_loop3A_639[%parallel_loop3A_640, %parallel_loop3A_641] {strides = array<i32>} : memref<16x1024xf32, #tpu.memory_space<vmem>>, vector<16xf32>,
        %parallel_loop3A_643 = arith.constant 16 : i32
        %parallel_loop3A_644 = arith.muli %parallel_loop3A_532, %parallel_loop3A_643 : i32
        %parallel_loop3A_645 = arith.constant 5 : i32
        %parallel_loop3A_646 = arith.constant 0 : i32
        %parallel_loop3A_647 = arith.constant 0 : i32
        %parallel_loop3A_648 = tpu.memref_slice %arg11[%parallel_loop3A_300, %parallel_loop3A_646, %parallel_loop3A_647] : memref<4x16x1024xf32, #tpu.memory_space<vmem>> -> memref<1x16x1024xf32, #tpu.memory_space<vmem>>
        %parallel_loop3A_649 = tpu.memref_squeeze %parallel_loop3A_648 : memref<1x16x1024xf32, #tpu.memory_space<vmem>> -> memref<16x1024xf32, #tpu.memory_space<vmem>>
        %parallel_loop3A_650 = arith.index_cast %parallel_loop3A_645 : i32 to index
        %parallel_loop3A_651 = arith.index_cast %parallel_loop3A_644 : i32 to index
        %parallel_loop3A_652 = tpu.vector_load %parallel_loop3A_649[%parallel_loop3A_650, %parallel_loop3A_651] {strides = array<i32>} : memref<16x1024xf32, #tpu.memory_space<vmem>>, vector<16xf32>,
        tpu.vector_store %parallel_loop3A_649[%parallel_loop3A_650, %parallel_loop3A_651], %parallel_loop3A_642 {add = true, strides = array<i32>} : memref<16x1024xf32, #tpu.memory_space<vmem>>, vector<16xf32>,
        %parallel_loop3A_653 = arith.constant 16 : i32
        %parallel_loop3A_654 = arith.muli %parallel_loop3A_532, %parallel_loop3A_653 : i32
        %parallel_loop3A_655 = arith.constant 6 : i32
        %parallel_loop3A_656 = arith.constant 0 : i32
        %parallel_loop3A_657 = arith.constant 0 : i32
        %parallel_loop3A_658 = tpu.memref_slice %arg10[%parallel_loop3A_299, %parallel_loop3A_656, %parallel_loop3A_657] : memref<2x16x1024xf32, #tpu.memory_space<vmem>> -> memref<1x16x1024xf32, #tpu.memory_space<vmem>>
        %parallel_loop3A_659 = tpu.memref_squeeze %parallel_loop3A_658 : memref<1x16x1024xf32, #tpu.memory_space<vmem>> -> memref<16x1024xf32, #tpu.memory_space<vmem>>
        %parallel_loop3A_660 = arith.index_cast %parallel_loop3A_655 : i32 to index
        %parallel_loop3A_661 = arith.index_cast %parallel_loop3A_654 : i32 to index
        %parallel_loop3A_662 = tpu.vector_load %parallel_loop3A_659[%parallel_loop3A_660, %parallel_loop3A_661] {strides = array<i32>} : memref<16x1024xf32, #tpu.memory_space<vmem>>, vector<16xf32>,
        %parallel_loop3A_663 = arith.constant 16 : i32
        %parallel_loop3A_664 = arith.muli %parallel_loop3A_532, %parallel_loop3A_663 : i32
        %parallel_loop3A_665 = arith.constant 6 : i32
        %parallel_loop3A_666 = arith.constant 0 : i32
        %parallel_loop3A_667 = arith.constant 0 : i32
        %parallel_loop3A_668 = tpu.memref_slice %arg11[%parallel_loop3A_300, %parallel_loop3A_666, %parallel_loop3A_667] : memref<4x16x1024xf32, #tpu.memory_space<vmem>> -> memref<1x16x1024xf32, #tpu.memory_space<vmem>>
        %parallel_loop3A_669 = tpu.memref_squeeze %parallel_loop3A_668 : memref<1x16x1024xf32, #tpu.memory_space<vmem>> -> memref<16x1024xf32, #tpu.memory_space<vmem>>
        %parallel_loop3A_670 = arith.index_cast %parallel_loop3A_665 : i32 to index
        %parallel_loop3A_671 = arith.index_cast %parallel_loop3A_664 : i32 to index
        %parallel_loop3A_672 = tpu.vector_load %parallel_loop3A_669[%parallel_loop3A_670, %parallel_loop3A_671] {strides = array<i32>} : memref<16x1024xf32, #tpu.memory_space<vmem>>, vector<16xf32>,
        tpu.vector_store %parallel_loop3A_669[%parallel_loop3A_670, %parallel_loop3A_671], %parallel_loop3A_662 {add = true, strides = array<i32>} : memref<16x1024xf32, #tpu.memory_space<vmem>>, vector<16xf32>,
        %parallel_loop3A_673 = arith.constant 16 : i32
        %parallel_loop3A_674 = arith.muli %parallel_loop3A_532, %parallel_loop3A_673 : i32
        %parallel_loop3A_675 = arith.constant 7 : i32
        %parallel_loop3A_676 = arith.constant 0 : i32
        %parallel_loop3A_677 = arith.constant 0 : i32
        %parallel_loop3A_678 = tpu.memref_slice %arg10[%parallel_loop3A_299, %parallel_loop3A_676, %parallel_loop3A_677] : memref<2x16x1024xf32, #tpu.memory_space<vmem>> -> memref<1x16x1024xf32, #tpu.memory_space<vmem>>
        %parallel_loop3A_679 = tpu.memref_squeeze %parallel_loop3A_678 : memref<1x16x1024xf32, #tpu.memory_space<vmem>> -> memref<16x1024xf32, #tpu.memory_space<vmem>>
        %parallel_loop3A_680 = arith.index_cast %parallel_loop3A_675 : i32 to index
        %parallel_loop3A_681 = arith.index_cast %parallel_loop3A_674 : i32 to index
        %parallel_loop3A_682 = tpu.vector_load %parallel_loop3A_679[%parallel_loop3A_680, %parallel_loop3A_681] {strides = array<i32>} : memref<16x1024xf32, #tpu.memory_space<vmem>>, vector<16xf32>,
        %parallel_loop3A_683 = arith.constant 16 : i32
        %parallel_loop3A_684 = arith.muli %parallel_loop3A_532, %parallel_loop3A_683 : i32
        %parallel_loop3A_685 = arith.constant 7 : i32
        %parallel_loop3A_686 = arith.constant 0 : i32
        %parallel_loop3A_687 = arith.constant 0 : i32
        %parallel_loop3A_688 = tpu.memref_slice %arg11[%parallel_loop3A_300, %parallel_loop3A_686, %parallel_loop3A_687] : memref<4x16x1024xf32, #tpu.memory_space<vmem>> -> memref<1x16x1024xf32, #tpu.memory_space<vmem>>
        %parallel_loop3A_689 = tpu.memref_squeeze %parallel_loop3A_688 : memref<1x16x1024xf32, #tpu.memory_space<vmem>> -> memref<16x1024xf32, #tpu.memory_space<vmem>>
        %parallel_loop3A_690 = arith.index_cast %parallel_loop3A_685 : i32 to index
        %parallel_loop3A_691 = arith.index_cast %parallel_loop3A_684 : i32 to index
        %parallel_loop3A_692 = tpu.vector_load %parallel_loop3A_689[%parallel_loop3A_690, %parallel_loop3A_691] {strides = array<i32>} : memref<16x1024xf32, #tpu.memory_space<vmem>>, vector<16xf32>,
        tpu.vector_store %parallel_loop3A_689[%parallel_loop3A_690, %parallel_loop3A_691], %parallel_loop3A_682 {add = true, strides = array<i32>} : memref<16x1024xf32, #tpu.memory_space<vmem>>, vector<16xf32>,
        %parallel_loop3A_693 = arith.constant 16 : i32
        %parallel_loop3A_694 = arith.muli %parallel_loop3A_532, %parallel_loop3A_693 : i32
        %parallel_loop3A_695 = arith.constant 8 : i32
        %parallel_loop3A_696 = arith.constant 0 : i32
        %parallel_loop3A_697 = arith.constant 0 : i32
        %parallel_loop3A_698 = tpu.memref_slice %arg10[%parallel_loop3A_299, %parallel_loop3A_696, %parallel_loop3A_697] : memref<2x16x1024xf32, #tpu.memory_space<vmem>> -> memref<1x16x1024xf32, #tpu.memory_space<vmem>>
        %parallel_loop3A_699 = tpu.memref_squeeze %parallel_loop3A_698 : memref<1x16x1024xf32, #tpu.memory_space<vmem>> -> memref<16x1024xf32, #tpu.memory_space<vmem>>
        %parallel_loop3A_700 = arith.index_cast %parallel_loop3A_695 : i32 to index
        %parallel_loop3A_701 = arith.index_cast %parallel_loop3A_694 : i32 to index
        %parallel_loop3A_702 = tpu.vector_load %parallel_loop3A_699[%parallel_loop3A_700, %parallel_loop3A_701] {strides = array<i32>} : memref<16x1024xf32, #tpu.memory_space<vmem>>, vector<16xf32>,
        %parallel_loop3A_703 = arith.constant 16 : i32
        %parallel_loop3A_704 = arith.muli %parallel_loop3A_532, %parallel_loop3A_703 : i32
        %parallel_loop3A_705 = arith.constant 8 : i32
        %parallel_loop3A_706 = arith.constant 0 : i32
        %parallel_loop3A_707 = arith.constant 0 : i32
        %parallel_loop3A_708 = tpu.memref_slice %arg11[%parallel_loop3A_300, %parallel_loop3A_706, %parallel_loop3A_707] : memref<4x16x1024xf32, #tpu.memory_space<vmem>> -> memref<1x16x1024xf32, #tpu.memory_space<vmem>>
        %parallel_loop3A_709 = tpu.memref_squeeze %parallel_loop3A_708 : memref<1x16x1024xf32, #tpu.memory_space<vmem>> -> memref<16x1024xf32, #tpu.memory_space<vmem>>
        %parallel_loop3A_710 = arith.index_cast %parallel_loop3A_705 : i32 to index
        %parallel_loop3A_711 = arith.index_cast %parallel_loop3A_704 : i32 to index
        %parallel_loop3A_712 = tpu.vector_load %parallel_loop3A_709[%parallel_loop3A_710, %parallel_loop3A_711] {strides = array<i32>} : memref<16x1024xf32, #tpu.memory_space<vmem>>, vector<16xf32>,
        tpu.vector_store %parallel_loop3A_709[%parallel_loop3A_710, %parallel_loop3A_711], %parallel_loop3A_702 {add = true, strides = array<i32>} : memref<16x1024xf32, #tpu.memory_space<vmem>>, vector<16xf32>,
        %parallel_loop3A_713 = arith.constant 16 : i32
        %parallel_loop3A_714 = arith.muli %parallel_loop3A_532, %parallel_loop3A_713 : i32
        %parallel_loop3A_715 = arith.constant 9 : i32
        %parallel_loop3A_716 = arith.constant 0 : i32
        %parallel_loop3A_717 = arith.constant 0 : i32
        %parallel_loop3A_718 = tpu.memref_slice %arg10[%parallel_loop3A_299, %parallel_loop3A_716, %parallel_loop3A_717] : memref<2x16x1024xf32, #tpu.memory_space<vmem>> -> memref<1x16x1024xf32, #tpu.memory_space<vmem>>
        %parallel_loop3A_719 = tpu.memref_squeeze %parallel_loop3A_718 : memref<1x16x1024xf32, #tpu.memory_space<vmem>> -> memref<16x1024xf32, #tpu.memory_space<vmem>>
        %parallel_loop3A_720 = arith.index_cast %parallel_loop3A_715 : i32 to index
        %parallel_loop3A_721 = arith.index_cast %parallel_loop3A_714 : i32 to index
        %parallel_loop3A_722 = tpu.vector_load %parallel_loop3A_719[%parallel_loop3A_720, %parallel_loop3A_721] {strides = array<i32>} : memref<16x1024xf32, #tpu.memory_space<vmem>>, vector<16xf32>,
        %parallel_loop3A_723 = arith.constant 16 : i32
        %parallel_loop3A_724 = arith.muli %parallel_loop3A_532, %parallel_loop3A_723 : i32
        %parallel_loop3A_725 = arith.constant 9 : i32
        %parallel_loop3A_726 = arith.constant 0 : i32
        %parallel_loop3A_727 = arith.constant 0 : i32
        %parallel_loop3A_728 = tpu.memref_slice %arg11[%parallel_loop3A_300, %parallel_loop3A_726, %parallel_loop3A_727] : memref<4x16x1024xf32, #tpu.memory_space<vmem>> -> memref<1x16x1024xf32, #tpu.memory_space<vmem>>
        %parallel_loop3A_729 = tpu.memref_squeeze %parallel_loop3A_728 : memref<1x16x1024xf32, #tpu.memory_space<vmem>> -> memref<16x1024xf32, #tpu.memory_space<vmem>>
        %parallel_loop3A_730 = arith.index_cast %parallel_loop3A_725 : i32 to index
        %parallel_loop3A_731 = arith.index_cast %parallel_loop3A_724 : i32 to index
        %parallel_loop3A_732 = tpu.vector_load %parallel_loop3A_729[%parallel_loop3A_730, %parallel_loop3A_731] {strides = array<i32>} : memref<16x1024xf32, #tpu.memory_space<vmem>>, vector<16xf32>,
        tpu.vector_store %parallel_loop3A_729[%parallel_loop3A_730, %parallel_loop3A_731], %parallel_loop3A_722 {add = true, strides = array<i32>} : memref<16x1024xf32, #tpu.memory_space<vmem>>, vector<16xf32>,
        %parallel_loop3A_733 = arith.constant 16 : i32
        %parallel_loop3A_734 = arith.muli %parallel_loop3A_532, %parallel_loop3A_733 : i32
        %parallel_loop3A_735 = arith.constant 10 : i32
        %parallel_loop3A_736 = arith.constant 0 : i32
        %parallel_loop3A_737 = arith.constant 0 : i32
        %parallel_loop3A_738 = tpu.memref_slice %arg10[%parallel_loop3A_299, %parallel_loop3A_736, %parallel_loop3A_737] : memref<2x16x1024xf32, #tpu.memory_space<vmem>> -> memref<1x16x1024xf32, #tpu.memory_space<vmem>>
        %parallel_loop3A_739 = tpu.memref_squeeze %parallel_loop3A_738 : memref<1x16x1024xf32, #tpu.memory_space<vmem>> -> memref<16x1024xf32, #tpu.memory_space<vmem>>
        %parallel_loop3A_740 = arith.index_cast %parallel_loop3A_735 : i32 to index
        %parallel_loop3A_741 = arith.index_cast %parallel_loop3A_734 : i32 to index
        %parallel_loop3A_742 = tpu.vector_load %parallel_loop3A_739[%parallel_loop3A_740, %parallel_loop3A_741] {strides = array<i32>} : memref<16x1024xf32, #tpu.memory_space<vmem>>, vector<16xf32>,
        %parallel_loop3A_743 = arith.constant 16 : i32
        %parallel_loop3A_744 = arith.muli %parallel_loop3A_532, %parallel_loop3A_743 : i32
        %parallel_loop3A_745 = arith.constant 10 : i32
        %parallel_loop3A_746 = arith.constant 0 : i32
        %parallel_loop3A_747 = arith.constant 0 : i32
        %parallel_loop3A_748 = tpu.memref_slice %arg11[%parallel_loop3A_300, %parallel_loop3A_746, %parallel_loop3A_747] : memref<4x16x1024xf32, #tpu.memory_space<vmem>> -> memref<1x16x1024xf32, #tpu.memory_space<vmem>>
        %parallel_loop3A_749 = tpu.memref_squeeze %parallel_loop3A_748 : memref<1x16x1024xf32, #tpu.memory_space<vmem>> -> memref<16x1024xf32, #tpu.memory_space<vmem>>
        %parallel_loop3A_750 = arith.index_cast %parallel_loop3A_745 : i32 to index
        %parallel_loop3A_751 = arith.index_cast %parallel_loop3A_744 : i32 to index
        %parallel_loop3A_752 = tpu.vector_load %parallel_loop3A_749[%parallel_loop3A_750, %parallel_loop3A_751] {strides = array<i32>} : memref<16x1024xf32, #tpu.memory_space<vmem>>, vector<16xf32>,
        tpu.vector_store %parallel_loop3A_749[%parallel_loop3A_750, %parallel_loop3A_751], %parallel_loop3A_742 {add = true, strides = array<i32>} : memref<16x1024xf32, #tpu.memory_space<vmem>>, vector<16xf32>,
        %parallel_loop3A_753 = arith.constant 16 : i32
        %parallel_loop3A_754 = arith.muli %parallel_loop3A_532, %parallel_loop3A_753 : i32
        %parallel_loop3A_755 = arith.constant 11 : i32
        %parallel_loop3A_756 = arith.constant 0 : i32
        %parallel_loop3A_757 = arith.constant 0 : i32
        %parallel_loop3A_758 = tpu.memref_slice %arg10[%parallel_loop3A_299, %parallel_loop3A_756, %parallel_loop3A_757] : memref<2x16x1024xf32, #tpu.memory_space<vmem>> -> memref<1x16x1024xf32, #tpu.memory_space<vmem>>
        %parallel_loop3A_759 = tpu.memref_squeeze %parallel_loop3A_758 : memref<1x16x1024xf32, #tpu.memory_space<vmem>> -> memref<16x1024xf32, #tpu.memory_space<vmem>>
        %parallel_loop3A_760 = arith.index_cast %parallel_loop3A_755 : i32 to index
        %parallel_loop3A_761 = arith.index_cast %parallel_loop3A_754 : i32 to index
        %parallel_loop3A_762 = tpu.vector_load %parallel_loop3A_759[%parallel_loop3A_760, %parallel_loop3A_761] {strides = array<i32>} : memref<16x1024xf32, #tpu.memory_space<vmem>>, vector<16xf32>,
        %parallel_loop3A_763 = arith.constant 16 : i32
        %parallel_loop3A_764 = arith.muli %parallel_loop3A_532, %parallel_loop3A_763 : i32
        %parallel_loop3A_765 = arith.constant 11 : i32
        %parallel_loop3A_766 = arith.constant 0 : i32
        %parallel_loop3A_767 = arith.constant 0 : i32
        %parallel_loop3A_768 = tpu.memref_slice %arg11[%parallel_loop3A_300, %parallel_loop3A_766, %parallel_loop3A_767] : memref<4x16x1024xf32, #tpu.memory_space<vmem>> -> memref<1x16x1024xf32, #tpu.memory_space<vmem>>
        %parallel_loop3A_769 = tpu.memref_squeeze %parallel_loop3A_768 : memref<1x16x1024xf32, #tpu.memory_space<vmem>> -> memref<16x1024xf32, #tpu.memory_space<vmem>>
        %parallel_loop3A_770 = arith.index_cast %parallel_loop3A_765 : i32 to index
        %parallel_loop3A_771 = arith.index_cast %parallel_loop3A_764 : i32 to index
        %parallel_loop3A_772 = tpu.vector_load %parallel_loop3A_769[%parallel_loop3A_770, %parallel_loop3A_771] {strides = array<i32>} : memref<16x1024xf32, #tpu.memory_space<vmem>>, vector<16xf32>,
        tpu.vector_store %parallel_loop3A_769[%parallel_loop3A_770, %parallel_loop3A_771], %parallel_loop3A_762 {add = true, strides = array<i32>} : memref<16x1024xf32, #tpu.memory_space<vmem>>, vector<16xf32>,
        %parallel_loop3A_773 = arith.constant 16 : i32
        %parallel_loop3A_774 = arith.muli %parallel_loop3A_532, %parallel_loop3A_773 : i32
        %parallel_loop3A_775 = arith.constant 12 : i32
        %parallel_loop3A_776 = arith.constant 0 : i32
        %parallel_loop3A_777 = arith.constant 0 : i32
        %parallel_loop3A_778 = tpu.memref_slice %arg10[%parallel_loop3A_299, %parallel_loop3A_776, %parallel_loop3A_777] : memref<2x16x1024xf32, #tpu.memory_space<vmem>> -> memref<1x16x1024xf32, #tpu.memory_space<vmem>>
        %parallel_loop3A_779 = tpu.memref_squeeze %parallel_loop3A_778 : memref<1x16x1024xf32, #tpu.memory_space<vmem>> -> memref<16x1024xf32, #tpu.memory_space<vmem>>
        %parallel_loop3A_780 = arith.index_cast %parallel_loop3A_775 : i32 to index
        %parallel_loop3A_781 = arith.index_cast %parallel_loop3A_774 : i32 to index
        %parallel_loop3A_782 = tpu.vector_load %parallel_loop3A_779[%parallel_loop3A_780, %parallel_loop3A_781] {strides = array<i32>} : memref<16x1024xf32, #tpu.memory_space<vmem>>, vector<16xf32>,
        %parallel_loop3A_783 = arith.constant 16 : i32
        %parallel_loop3A_784 = arith.muli %parallel_loop3A_532, %parallel_loop3A_783 : i32
        %parallel_loop3A_785 = arith.constant 12 : i32
        %parallel_loop3A_786 = arith.constant 0 : i32
        %parallel_loop3A_787 = arith.constant 0 : i32
        %parallel_loop3A_788 = tpu.memref_slice %arg11[%parallel_loop3A_300, %parallel_loop3A_786, %parallel_loop3A_787] : memref<4x16x1024xf32, #tpu.memory_space<vmem>> -> memref<1x16x1024xf32, #tpu.memory_space<vmem>>
        %parallel_loop3A_789 = tpu.memref_squeeze %parallel_loop3A_788 : memref<1x16x1024xf32, #tpu.memory_space<vmem>> -> memref<16x1024xf32, #tpu.memory_space<vmem>>
        %parallel_loop3A_790 = arith.index_cast %parallel_loop3A_785 : i32 to index
        %parallel_loop3A_791 = arith.index_cast %parallel_loop3A_784 : i32 to index
        %parallel_loop3A_792 = tpu.vector_load %parallel_loop3A_789[%parallel_loop3A_790, %parallel_loop3A_791] {strides = array<i32>} : memref<16x1024xf32, #tpu.memory_space<vmem>>, vector<16xf32>,
        tpu.vector_store %parallel_loop3A_789[%parallel_loop3A_790, %parallel_loop3A_791], %parallel_loop3A_782 {add = true, strides = array<i32>} : memref<16x1024xf32, #tpu.memory_space<vmem>>, vector<16xf32>,
        %parallel_loop3A_793 = arith.constant 16 : i32
        %parallel_loop3A_794 = arith.muli %parallel_loop3A_532, %parallel_loop3A_793 : i32
        %parallel_loop3A_795 = arith.constant 13 : i32
        %parallel_loop3A_796 = arith.constant 0 : i32
        %parallel_loop3A_797 = arith.constant 0 : i32
        %parallel_loop3A_798 = tpu.memref_slice %arg10[%parallel_loop3A_299, %parallel_loop3A_796, %parallel_loop3A_797] : memref<2x16x1024xf32, #tpu.memory_space<vmem>> -> memref<1x16x1024xf32, #tpu.memory_space<vmem>>
        %parallel_loop3A_799 = tpu.memref_squeeze %parallel_loop3A_798 : memref<1x16x1024xf32, #tpu.memory_space<vmem>> -> memref<16x1024xf32, #tpu.memory_space<vmem>>
        %parallel_loop3A_800 = arith.index_cast %parallel_loop3A_795 : i32 to index
        %parallel_loop3A_801 = arith.index_cast %parallel_loop3A_794 : i32 to index
        %parallel_loop3A_802 = tpu.vector_load %parallel_loop3A_799[%parallel_loop3A_800, %parallel_loop3A_801] {strides = array<i32>} : memref<16x1024xf32, #tpu.memory_space<vmem>>, vector<16xf32>,
        %parallel_loop3A_803 = arith.constant 16 : i32
        %parallel_loop3A_804 = arith.muli %parallel_loop3A_532, %parallel_loop3A_803 : i32
        %parallel_loop3A_805 = arith.constant 13 : i32
        %parallel_loop3A_806 = arith.constant 0 : i32
        %parallel_loop3A_807 = arith.constant 0 : i32
        %parallel_loop3A_808 = tpu.memref_slice %arg11[%parallel_loop3A_300, %parallel_loop3A_806, %parallel_loop3A_807] : memref<4x16x1024xf32, #tpu.memory_space<vmem>> -> memref<1x16x1024xf32, #tpu.memory_space<vmem>>
        %parallel_loop3A_809 = tpu.memref_squeeze %parallel_loop3A_808 : memref<1x16x1024xf32, #tpu.memory_space<vmem>> -> memref<16x1024xf32, #tpu.memory_space<vmem>>
        %parallel_loop3A_810 = arith.index_cast %parallel_loop3A_805 : i32 to index
        %parallel_loop3A_811 = arith.index_cast %parallel_loop3A_804 : i32 to index
        %parallel_loop3A_812 = tpu.vector_load %parallel_loop3A_809[%parallel_loop3A_810, %parallel_loop3A_811] {strides = array<i32>} : memref<16x1024xf32, #tpu.memory_space<vmem>>, vector<16xf32>,
        tpu.vector_store %parallel_loop3A_809[%parallel_loop3A_810, %parallel_loop3A_811], %parallel_loop3A_802 {add = true, strides = array<i32>} : memref<16x1024xf32, #tpu.memory_space<vmem>>, vector<16xf32>,
        %parallel_loop3A_813 = arith.constant 16 : i32
        %parallel_loop3A_814 = arith.muli %parallel_loop3A_532, %parallel_loop3A_813 : i32
        %parallel_loop3A_815 = arith.constant 14 : i32
        %parallel_loop3A_816 = arith.constant 0 : i32
        %parallel_loop3A_817 = arith.constant 0 : i32
        %parallel_loop3A_818 = tpu.memref_slice %arg10[%parallel_loop3A_299, %parallel_loop3A_816, %parallel_loop3A_817] : memref<2x16x1024xf32, #tpu.memory_space<vmem>> -> memref<1x16x1024xf32, #tpu.memory_space<vmem>>
        %parallel_loop3A_819 = tpu.memref_squeeze %parallel_loop3A_818 : memref<1x16x1024xf32, #tpu.memory_space<vmem>> -> memref<16x1024xf32, #tpu.memory_space<vmem>>
        %parallel_loop3A_820 = arith.index_cast %parallel_loop3A_815 : i32 to index
        %parallel_loop3A_821 = arith.index_cast %parallel_loop3A_814 : i32 to index
        %parallel_loop3A_822 = tpu.vector_load %parallel_loop3A_819[%parallel_loop3A_820, %parallel_loop3A_821] {strides = array<i32>} : memref<16x1024xf32, #tpu.memory_space<vmem>>, vector<16xf32>,
        %parallel_loop3A_823 = arith.constant 16 : i32
        %parallel_loop3A_824 = arith.muli %parallel_loop3A_532, %parallel_loop3A_823 : i32
        %parallel_loop3A_825 = arith.constant 14 : i32
        %parallel_loop3A_826 = arith.constant 0 : i32
        %parallel_loop3A_827 = arith.constant 0 : i32
        %parallel_loop3A_828 = tpu.memref_slice %arg11[%parallel_loop3A_300, %parallel_loop3A_826, %parallel_loop3A_827] : memref<4x16x1024xf32, #tpu.memory_space<vmem>> -> memref<1x16x1024xf32, #tpu.memory_space<vmem>>
        %parallel_loop3A_829 = tpu.memref_squeeze %parallel_loop3A_828 : memref<1x16x1024xf32, #tpu.memory_space<vmem>> -> memref<16x1024xf32, #tpu.memory_space<vmem>>
        %parallel_loop3A_830 = arith.index_cast %parallel_loop3A_825 : i32 to index
        %parallel_loop3A_831 = arith.index_cast %parallel_loop3A_824 : i32 to index
        %parallel_loop3A_832 = tpu.vector_load %parallel_loop3A_829[%parallel_loop3A_830, %parallel_loop3A_831] {strides = array<i32>} : memref<16x1024xf32, #tpu.memory_space<vmem>>, vector<16xf32>,
        tpu.vector_store %parallel_loop3A_829[%parallel_loop3A_830, %parallel_loop3A_831], %parallel_loop3A_822 {add = true, strides = array<i32>} : memref<16x1024xf32, #tpu.memory_space<vmem>>, vector<16xf32>,
        %parallel_loop3A_833 = arith.constant 16 : i32
        %parallel_loop3A_834 = arith.muli %parallel_loop3A_532, %parallel_loop3A_833 : i32
        %parallel_loop3A_835 = arith.constant 15 : i32
        %parallel_loop3A_836 = arith.constant 0 : i32
        %parallel_loop3A_837 = arith.constant 0 : i32
        %parallel_loop3A_838 = tpu.memref_slice %arg10[%parallel_loop3A_299, %parallel_loop3A_836, %parallel_loop3A_837] : memref<2x16x1024xf32, #tpu.memory_space<vmem>> -> memref<1x16x1024xf32, #tpu.memory_space<vmem>>
        %parallel_loop3A_839 = tpu.memref_squeeze %parallel_loop3A_838 : memref<1x16x1024xf32, #tpu.memory_space<vmem>> -> memref<16x1024xf32, #tpu.memory_space<vmem>>
        %parallel_loop3A_840 = arith.index_cast %parallel_loop3A_835 : i32 to index
        %parallel_loop3A_841 = arith.index_cast %parallel_loop3A_834 : i32 to index
        %parallel_loop3A_842 = tpu.vector_load %parallel_loop3A_839[%parallel_loop3A_840, %parallel_loop3A_841] {strides = array<i32>} : memref<16x1024xf32, #tpu.memory_space<vmem>>, vector<16xf32>,
        %parallel_loop3A_843 = arith.constant 16 : i32
        %parallel_loop3A_844 = arith.muli %parallel_loop3A_532, %parallel_loop3A_843 : i32
        %parallel_loop3A_845 = arith.constant 15 : i32
        %parallel_loop3A_846 = arith.constant 0 : i32
        %parallel_loop3A_847 = arith.constant 0 : i32
        %parallel_loop3A_848 = tpu.memref_slice %arg11[%parallel_loop3A_300, %parallel_loop3A_846, %parallel_loop3A_847] : memref<4x16x1024xf32, #tpu.memory_space<vmem>> -> memref<1x16x1024xf32, #tpu.memory_space<vmem>>
        %parallel_loop3A_849 = tpu.memref_squeeze %parallel_loop3A_848 : memref<1x16x1024xf32, #tpu.memory_space<vmem>> -> memref<16x1024xf32, #tpu.memory_space<vmem>>
        %parallel_loop3A_850 = arith.index_cast %parallel_loop3A_845 : i32 to index
        %parallel_loop3A_851 = arith.index_cast %parallel_loop3A_844 : i32 to index
        %parallel_loop3A_852 = tpu.vector_load %parallel_loop3A_849[%parallel_loop3A_850, %parallel_loop3A_851] {strides = array<i32>} : memref<16x1024xf32, #tpu.memory_space<vmem>>, vector<16xf32>,
        tpu.vector_store %parallel_loop3A_849[%parallel_loop3A_850, %parallel_loop3A_851], %parallel_loop3A_842 {add = true, strides = array<i32>} : memref<16x1024xf32, #tpu.memory_space<vmem>>, vector<16xf32>,
      } {sc.loop_unroll_factor = 1 : i64, sc.parallel_access}
      %mul3A_301 = arith.constant 16 : i32
      %mul3A_302 = arith.muli %add3A_245, %mul3A_301 : i32
      %add3A_303 = arith.addi %mul3A_32, %mul3A_302 : i32
      %dma_start3A_304 = arith.constant 1 : i32
      %dma_start3A_305 = arith.constant 1 : i32
      %dma_start3A_306 = arith.constant 0 : i32
      %dma_start3A_307 = arith.constant 0 : i32
      %dma_start3A_308 = tpu.memref_slice %arg11[%dma_start3A_304, %dma_start3A_306, %dma_start3A_307] : memref<4x16x1024xf32, #tpu.memory_space<vmem>> -> memref<1x16x1024xf32, #tpu.memory_space<vmem>>
      %dma_start3A_309 = tpu.memref_squeeze %dma_start3A_308 : memref<1x16x1024xf32, #tpu.memory_space<vmem>> -> memref<16x1024xf32, #tpu.memory_space<vmem>>
      %dma_start3A_310 = arith.constant 0 : i32
      %dma_start3A_311 = tpu.memref_slice %arg5[%select_n3A, %add3A_303, %dma_start3A_310] : memref<4x2048x1024xf32, #tpu.memory_space<hbm>> -> memref<1x16x1024xf32, #tpu.memory_space<hbm>>
      %dma_start3A_312 = tpu.memref_squeeze %dma_start3A_311 : memref<1x16x1024xf32, #tpu.memory_space<hbm>> -> memref<16x1024xf32, #tpu.memory_space<hbm>>
      %dma_start3A_313 = tpu.memref_slice %arg14[%dma_start3A_305] : memref<4x!tpu.dma_semaphore, #tpu.memory_space<semaphore_mem>> -> memref<1x!tpu.dma_semaphore, #tpu.memory_space<semaphore_mem>>
      %dma_start3A_314 = tpu.memref_squeeze %dma_start3A_313 : memref<1x!tpu.dma_semaphore, #tpu.memory_space<semaphore_mem>> -> memref<!tpu.dma_semaphore, #tpu.memory_space<semaphore_mem>>
      %dma_start3A_315 = arith.constant 0 : i32
      %dma_start3A_316 = tpu.memref_slice %arg5[%select_n3A, %add3A_303, %dma_start3A_315] : memref<4x2048x1024xf32, #tpu.memory_space<hbm>> -> memref<1x16x1024xf32, #tpu.memory_space<hbm>>
      %dma_start3A_317 = tpu.memref_squeeze %dma_start3A_316 : memref<1x16x1024xf32, #tpu.memory_space<hbm>> -> memref<16x1024xf32, #tpu.memory_space<hbm>>
      %dma_start3A_318 = arith.constant 0 : i32
      %dma_start3A_319 = arith.constant 0 : i32
      %dma_start3A_320 = tpu.memref_slice %arg11[%dma_start3A_304, %dma_start3A_318, %dma_start3A_319] : memref<4x16x1024xf32, #tpu.memory_space<vmem>> -> memref<1x16x1024xf32, #tpu.memory_space<vmem>>
      %dma_start3A_321 = tpu.memref_squeeze %dma_start3A_320 : memref<1x16x1024xf32, #tpu.memory_space<vmem>> -> memref<16x1024xf32, #tpu.memory_space<vmem>>
      tpu.enqueue_dma source(%dma_start3A_321 : memref<16x1024xf32, #tpu.memory_space<vmem>>) target(%dma_start3A_317 : memref<16x1024xf32, #tpu.memory_space<hbm>>) target_semaphore(%dma_start3A_314 : memref<!tpu.dma_semaphore, #tpu.memory_space<semaphore_mem>>)
      %add3A_322 = arith.constant 2 : i32
      %add3A_323 = arith.addi %add3A_245, %add3A_322 : i32
      %mul3A_324 = arith.constant 16 : i32
      %mul3A_325 = arith.muli %add3A_323, %mul3A_324 : i32
      %add3A_326 = arith.addi %mul3A_32, %mul3A_325 : i32
      %dma_start3A_327 = arith.constant 1 : i32
      %dma_start3A_328 = arith.constant 1 : i32
      %dma_start3A_329 = arith.constant 0 : i32
      %dma_start3A_330 = arith.constant 0 : i32
      %dma_start3A_331 = tpu.memref_slice %arg10[%dma_start3A_327, %dma_start3A_329, %dma_start3A_330] : memref<2x16x1024xf32, #tpu.memory_space<vmem>> -> memref<1x16x1024xf32, #tpu.memory_space<vmem>>
      %dma_start3A_332 = tpu.memref_squeeze %dma_start3A_331 : memref<1x16x1024xf32, #tpu.memory_space<vmem>> -> memref<16x1024xf32, #tpu.memory_space<vmem>>
      %dma_start3A_333 = tpu.memref_slice %arg7[%add3A_326] : memref<2048xi32, #tpu.memory_space<vmem>> -> memref<16xi32, #tpu.memory_space<vmem>>
      %dma_start3A_334 = arith.constant 0 : i32
      %dma_start3A_335 = arith.constant 0 : i32
      %dma_start3A_336 = tpu.memref_slice %arg3[%dma_start3A_334, %dma_start3A_335] : memref<50272x1024xf32, #tpu.memory_space<hbm>> -> memref<50272x1024xf32, #tpu.memory_space<hbm>>
      %dma_start3A_337 = tpu.memref_slice %arg12[%dma_start3A_328] : memref<2x!tpu.dma_semaphore, #tpu.memory_space<semaphore_mem>> -> memref<1x!tpu.dma_semaphore, #tpu.memory_space<semaphore_mem>>
      %dma_start3A_338 = tpu.memref_squeeze %dma_start3A_337 : memref<1x!tpu.dma_semaphore, #tpu.memory_space<semaphore_mem>> -> memref<!tpu.dma_semaphore, #tpu.memory_space<semaphore_mem>>
      tpu.enqueue_indirect_dma source(%dma_start3A_336 : memref<50272x1024xf32, #tpu.memory_space<hbm>>) target(%dma_start3A_332 : memref<16x1024xf32, #tpu.memory_space<vmem>>) offsets(%dma_start3A_333 : memref<16xi32, #tpu.memory_space<vmem>>) semaphore(%dma_start3A_338 : memref<!tpu.dma_semaphore, #tpu.memory_space<semaphore_mem>>)
      %mul3A_339 = arith.constant 4 : i32
      %mul3A_340 = arith.muli %scan3A_147, %mul3A_339 : i32
      %add3A_341 = arith.constant 2 : i32
      %add3A_342 = arith.addi %mul3A_340, %add3A_341 : i32
      %sub3A_343 = arith.constant 2 : i32
      %sub3A_344 = arith.subi %add3A_342, %sub3A_343 : i32
      %mul3A_345 = arith.constant 16 : i32
      %mul3A_346 = arith.muli %sub3A_344, %mul3A_345 : i32
      %add3A_347 = arith.addi %mul3A_32, %mul3A_346 : i32
      %dma_wait3A_348 = arith.constant 0 : i32
      %dma_wait3A_349 = arith.constant 0 : i32
      %dma_wait3A_350 = arith.constant 0 : i32
      %dma_wait3A_351 = arith.constant 0 : i32
      %dma_wait3A_352 = tpu.memref_slice %arg11[%dma_wait3A_348, %dma_wait3A_350, %dma_wait3A_351] : memref<4x16x1024xf32, #tpu.memory_space<vmem>> -> memref<1x16x1024xf32, #tpu.memory_space<vmem>>
      %dma_wait3A_353 = tpu.memref_squeeze %dma_wait3A_352 : memref<1x16x1024xf32, #tpu.memory_space<vmem>> -> memref<16x1024xf32, #tpu.memory_space<vmem>>
      %dma_wait3A_354 = arith.constant 0 : i32
      %dma_wait3A_355 = tpu.memref_slice %arg5[%select_n3A, %add3A_347, %dma_wait3A_354] : memref<4x2048x1024xf32, #tpu.memory_space<hbm>> -> memref<1x16x1024xf32, #tpu.memory_space<hbm>>
      %dma_wait3A_356 = tpu.memref_squeeze %dma_wait3A_355 : memref<1x16x1024xf32, #tpu.memory_space<hbm>> -> memref<16x1024xf32, #tpu.memory_space<hbm>>
      %dma_wait3A_357 = tpu.memref_slice %arg14[%dma_wait3A_349] : memref<4x!tpu.dma_semaphore, #tpu.memory_space<semaphore_mem>> -> memref<1x!tpu.dma_semaphore, #tpu.memory_space<semaphore_mem>>
      %dma_wait3A_358 = tpu.memref_squeeze %dma_wait3A_357 : memref<1x!tpu.dma_semaphore, #tpu.memory_space<semaphore_mem>> -> memref<!tpu.dma_semaphore, #tpu.memory_space<semaphore_mem>>
      %dma_wait3A_359 = arith.constant 0 : i32
      %dma_wait3A_360 = tpu.memref_slice %arg5[%select_n3A, %add3A_347, %dma_wait3A_359] : memref<4x2048x1024xf32, #tpu.memory_space<hbm>> -> memref<1x16x1024xf32, #tpu.memory_space<hbm>>
      %dma_wait3A_361 = tpu.memref_squeeze %dma_wait3A_360 : memref<1x16x1024xf32, #tpu.memory_space<hbm>> -> memref<16x1024xf32, #tpu.memory_space<hbm>>
      %dma_wait3A_362 = arith.constant 0 : i32
      %dma_wait3A_363 = arith.constant 0 : i32
      %dma_wait3A_364 = tpu.memref_slice %arg11[%dma_wait3A_348, %dma_wait3A_362, %dma_wait3A_363] : memref<4x16x1024xf32, #tpu.memory_space<vmem>> -> memref<1x16x1024xf32, #tpu.memory_space<vmem>>
      %dma_wait3A_365 = tpu.memref_squeeze %dma_wait3A_364 : memref<1x16x1024xf32, #tpu.memory_space<vmem>> -> memref<16x1024xf32, #tpu.memory_space<vmem>>
      tpu.wait_dma2 semaphore(%dma_wait3A_358 : memref<!tpu.dma_semaphore, #tpu.memory_space<semaphore_mem>>) src(%dma_wait3A_365 : memref<16x1024xf32, #tpu.memory_space<vmem>>) dst(%dma_wait3A_361 : memref<16x1024xf32, #tpu.memory_space<hbm>>)
      %add3A_366 = arith.constant 2 : i32
      %add3A_367 = arith.addi %add3A_342, %add3A_366 : i32
      %lt3A_368 = arith.constant 16 : i32
      %lt3A_369 = arith.cmpi slt, %add3A_367, %lt3A_368 : i32
      %convert_element_type3A_370 = arith.extui %lt3A_369 : i1 to i32
      %cond3A_371 = arith.constant 0 : i32
      %cond3A_372 = arith.cmpi ne, %convert_element_type3A_370, %cond3A_371 : i32
      scf.if %cond3A_372 {
        %add3A_532 = arith.constant 2 : i32
        %add3A_533 = arith.addi %add3A_342, %add3A_532 : i32
        %mul3A_534 = arith.constant 16 : i32
        %mul3A_535 = arith.muli %add3A_533, %mul3A_534 : i32
        %dma_start3A_536 = arith.constant 0 : i32
        %dma_start3A_537 = arith.constant 0 : i32
        %dma_start3A_538 = arith.constant 0 : i32
        %dma_start3A_539 = arith.constant 0 : i32
        %dma_start3A_540 = tpu.memref_slice %arg11[%dma_start3A_536, %dma_start3A_538, %dma_start3A_539] : memref<4x16x1024xf32, #tpu.memory_space<vmem>> -> memref<1x16x1024xf32, #tpu.memory_space<vmem>>
        %dma_start3A_541 = tpu.memref_squeeze %dma_start3A_540 : memref<1x16x1024xf32, #tpu.memory_space<vmem>> -> memref<16x1024xf32, #tpu.memory_space<vmem>>
        %dma_start3A_542 = tpu.memref_slice %arg8[%mul3A_535] : memref<256xi32, #tpu.memory_space<vmem>> -> memref<16xi32, #tpu.memory_space<vmem>>
        %dma_start3A_543 = arith.constant 0 : i32
        %dma_start3A_544 = arith.constant 0 : i32
        %dma_start3A_545 = tpu.memref_slice %arg4[%dma_start3A_543, %dma_start3A_544] : memref<2048x1024xf32, #tpu.memory_space<hbm>> -> memref<2048x1024xf32, #tpu.memory_space<hbm>>
        %dma_start3A_546 = tpu.memref_slice %arg13[%dma_start3A_537] : memref<4x!tpu.dma_semaphore, #tpu.memory_space<semaphore_mem>> -> memref<1x!tpu.dma_semaphore, #tpu.memory_space<semaphore_mem>>
        %dma_start3A_547 = tpu.memref_squeeze %dma_start3A_546 : memref<1x!tpu.dma_semaphore, #tpu.memory_space<semaphore_mem>> -> memref<!tpu.dma_semaphore, #tpu.memory_space<semaphore_mem>>
        tpu.enqueue_indirect_dma source(%dma_start3A_545 : memref<2048x1024xf32, #tpu.memory_space<hbm>>) target(%dma_start3A_541 : memref<16x1024xf32, #tpu.memory_space<vmem>>) offsets(%dma_start3A_542 : memref<16xi32, #tpu.memory_space<vmem>>) semaphore(%dma_start3A_547 : memref<!tpu.dma_semaphore, #tpu.memory_space<semaphore_mem>>)
      } else {
      }
      %mul3A_373 = arith.constant 16 : i32
      %mul3A_374 = arith.muli %add3A_342, %mul3A_373 : i32
      %add3A_375 = arith.addi %mul3A_32, %mul3A_374 : i32
      %dma_wait3A_376 = arith.constant 0 : i32
      %dma_wait3A_377 = arith.constant 0 : i32
      %dma_wait3A_378 = arith.constant 0 : i32
      %dma_wait3A_379 = arith.constant 0 : i32
      %dma_wait3A_380 = tpu.memref_slice %arg10[%dma_wait3A_376, %dma_wait3A_378, %dma_wait3A_379] : memref<2x16x1024xf32, #tpu.memory_space<vmem>> -> memref<1x16x1024xf32, #tpu.memory_space<vmem>>
      %dma_wait3A_381 = tpu.memref_squeeze %dma_wait3A_380 : memref<1x16x1024xf32, #tpu.memory_space<vmem>> -> memref<16x1024xf32, #tpu.memory_space<vmem>>
      %dma_wait3A_382 = tpu.memref_slice %arg7[%add3A_375] : memref<2048xi32, #tpu.memory_space<vmem>> -> memref<16xi32, #tpu.memory_space<vmem>>
      %dma_wait3A_383 = arith.constant 0 : i32
      %dma_wait3A_384 = arith.constant 0 : i32
      %dma_wait3A_385 = tpu.memref_slice %arg3[%dma_wait3A_383, %dma_wait3A_384] : memref<50272x1024xf32, #tpu.memory_space<hbm>> -> memref<50272x1024xf32, #tpu.memory_space<hbm>>
      %dma_wait3A_386 = tpu.memref_slice %arg12[%dma_wait3A_377] : memref<2x!tpu.dma_semaphore, #tpu.memory_space<semaphore_mem>> -> memref<1x!tpu.dma_semaphore, #tpu.memory_space<semaphore_mem>>
      %dma_wait3A_387 = tpu.memref_squeeze %dma_wait3A_386 : memref<1x!tpu.dma_semaphore, #tpu.memory_space<semaphore_mem>> -> memref<!tpu.dma_semaphore, #tpu.memory_space<semaphore_mem>>
      tpu.wait_indirect_dma semaphore(%dma_wait3A_387 : memref<!tpu.dma_semaphore, #tpu.memory_space<semaphore_mem>>) src(%dma_wait3A_385 : memref<50272x1024xf32, #tpu.memory_space<hbm>>) dst(%dma_wait3A_381 : memref<16x1024xf32, #tpu.memory_space<vmem>>)
      %mul3A_388 = arith.constant 16 : i32
      %mul3A_389 = arith.muli %add3A_342, %mul3A_388 : i32
      %dma_wait3A_390 = arith.constant 2 : i32
      %dma_wait3A_391 = arith.constant 2 : i32
      %dma_wait3A_392 = arith.constant 0 : i32
      %dma_wait3A_393 = arith.constant 0 : i32
      %dma_wait3A_394 = tpu.memref_slice %arg11[%dma_wait3A_390, %dma_wait3A_392, %dma_wait3A_393] : memref<4x16x1024xf32, #tpu.memory_space<vmem>> -> memref<1x16x1024xf32, #tpu.memory_space<vmem>>
      %dma_wait3A_395 = tpu.memref_squeeze %dma_wait3A_394 : memref<1x16x1024xf32, #tpu.memory_space<vmem>> -> memref<16x1024xf32, #tpu.memory_space<vmem>>
      %dma_wait3A_396 = tpu.memref_slice %arg8[%mul3A_389] : memref<256xi32, #tpu.memory_space<vmem>> -> memref<16xi32, #tpu.memory_space<vmem>>
      %dma_wait3A_397 = arith.constant 0 : i32
      %dma_wait3A_398 = arith.constant 0 : i32
      %dma_wait3A_399 = tpu.memref_slice %arg4[%dma_wait3A_397, %dma_wait3A_398] : memref<2048x1024xf32, #tpu.memory_space<hbm>> -> memref<2048x1024xf32, #tpu.memory_space<hbm>>
      %dma_wait3A_400 = tpu.memref_slice %arg13[%dma_wait3A_391] : memref<4x!tpu.dma_semaphore, #tpu.memory_space<semaphore_mem>> -> memref<1x!tpu.dma_semaphore, #tpu.memory_space<semaphore_mem>>
      %dma_wait3A_401 = tpu.memref_squeeze %dma_wait3A_400 : memref<1x!tpu.dma_semaphore, #tpu.memory_space<semaphore_mem>> -> memref<!tpu.dma_semaphore, #tpu.memory_space<semaphore_mem>>
      tpu.wait_indirect_dma semaphore(%dma_wait3A_401 : memref<!tpu.dma_semaphore, #tpu.memory_space<semaphore_mem>>) src(%dma_wait3A_399 : memref<2048x1024xf32, #tpu.memory_space<hbm>>) dst(%dma_wait3A_395 : memref<16x1024xf32, #tpu.memory_space<vmem>>)
      %parallel_loop3A_402 = arith.constant 0 : i32
      %parallel_loop3A_403 = arith.constant 64 : i32
      %parallel_loop3A_404 = arith.constant 1 : i32
      %parallel_loop3A_405 = arith.constant 0 : i32
      %parallel_loop3A_406 = arith.constant 2 : i32
      scf.for %parallel_loop3A_532 = %parallel_loop3A_402 to %parallel_loop3A_403 step %parallel_loop3A_404  : i32 {
        %parallel_loop3A_533 = arith.constant 16 : i32
        %parallel_loop3A_534 = arith.muli %parallel_loop3A_532, %parallel_loop3A_533 : i32
        %parallel_loop3A_535 = arith.constant 0 : i32
        %parallel_loop3A_536 = arith.constant 0 : i32
        %parallel_loop3A_537 = arith.constant 0 : i32
        %parallel_loop3A_538 = tpu.memref_slice %arg10[%parallel_loop3A_405, %parallel_loop3A_536, %parallel_loop3A_537] : memref<2x16x1024xf32, #tpu.memory_space<vmem>> -> memref<1x16x1024xf32, #tpu.memory_space<vmem>>
        %parallel_loop3A_539 = tpu.memref_squeeze %parallel_loop3A_538 : memref<1x16x1024xf32, #tpu.memory_space<vmem>> -> memref<16x1024xf32, #tpu.memory_space<vmem>>
        %parallel_loop3A_540 = arith.index_cast %parallel_loop3A_535 : i32 to index
        %parallel_loop3A_541 = arith.index_cast %parallel_loop3A_534 : i32 to index
        %parallel_loop3A_542 = tpu.vector_load %parallel_loop3A_539[%parallel_loop3A_540, %parallel_loop3A_541] {strides = array<i32>} : memref<16x1024xf32, #tpu.memory_space<vmem>>, vector<16xf32>,
        %parallel_loop3A_543 = arith.constant 16 : i32
        %parallel_loop3A_544 = arith.muli %parallel_loop3A_532, %parallel_loop3A_543 : i32
        %parallel_loop3A_545 = arith.constant 0 : i32
        %parallel_loop3A_546 = arith.constant 0 : i32
        %parallel_loop3A_547 = arith.constant 0 : i32
        %parallel_loop3A_548 = tpu.memref_slice %arg11[%parallel_loop3A_406, %parallel_loop3A_546, %parallel_loop3A_547] : memref<4x16x1024xf32, #tpu.memory_space<vmem>> -> memref<1x16x1024xf32, #tpu.memory_space<vmem>>
        %parallel_loop3A_549 = tpu.memref_squeeze %parallel_loop3A_548 : memref<1x16x1024xf32, #tpu.memory_space<vmem>> -> memref<16x1024xf32, #tpu.memory_space<vmem>>
        %parallel_loop3A_550 = arith.index_cast %parallel_loop3A_545 : i32 to index
        %parallel_loop3A_551 = arith.index_cast %parallel_loop3A_544 : i32 to index
        %parallel_loop3A_552 = tpu.vector_load %parallel_loop3A_549[%parallel_loop3A_550, %parallel_loop3A_551] {strides = array<i32>} : memref<16x1024xf32, #tpu.memory_space<vmem>>, vector<16xf32>,
        tpu.vector_store %parallel_loop3A_549[%parallel_loop3A_550, %parallel_loop3A_551], %parallel_loop3A_542 {add = true, strides = array<i32>} : memref<16x1024xf32, #tpu.memory_space<vmem>>, vector<16xf32>,
        %parallel_loop3A_553 = arith.constant 16 : i32
        %parallel_loop3A_554 = arith.muli %parallel_loop3A_532, %parallel_loop3A_553 : i32
        %parallel_loop3A_555 = arith.constant 1 : i32
        %parallel_loop3A_556 = arith.constant 0 : i32
        %parallel_loop3A_557 = arith.constant 0 : i32
        %parallel_loop3A_558 = tpu.memref_slice %arg10[%parallel_loop3A_405, %parallel_loop3A_556, %parallel_loop3A_557] : memref<2x16x1024xf32, #tpu.memory_space<vmem>> -> memref<1x16x1024xf32, #tpu.memory_space<vmem>>
        %parallel_loop3A_559 = tpu.memref_squeeze %parallel_loop3A_558 : memref<1x16x1024xf32, #tpu.memory_space<vmem>> -> memref<16x1024xf32, #tpu.memory_space<vmem>>
        %parallel_loop3A_560 = arith.index_cast %parallel_loop3A_555 : i32 to index
        %parallel_loop3A_561 = arith.index_cast %parallel_loop3A_554 : i32 to index
        %parallel_loop3A_562 = tpu.vector_load %parallel_loop3A_559[%parallel_loop3A_560, %parallel_loop3A_561] {strides = array<i32>} : memref<16x1024xf32, #tpu.memory_space<vmem>>, vector<16xf32>,
        %parallel_loop3A_563 = arith.constant 16 : i32
        %parallel_loop3A_564 = arith.muli %parallel_loop3A_532, %parallel_loop3A_563 : i32
        %parallel_loop3A_565 = arith.constant 1 : i32
        %parallel_loop3A_566 = arith.constant 0 : i32
        %parallel_loop3A_567 = arith.constant 0 : i32
        %parallel_loop3A_568 = tpu.memref_slice %arg11[%parallel_loop3A_406, %parallel_loop3A_566, %parallel_loop3A_567] : memref<4x16x1024xf32, #tpu.memory_space<vmem>> -> memref<1x16x1024xf32, #tpu.memory_space<vmem>>
        %parallel_loop3A_569 = tpu.memref_squeeze %parallel_loop3A_568 : memref<1x16x1024xf32, #tpu.memory_space<vmem>> -> memref<16x1024xf32, #tpu.memory_space<vmem>>
        %parallel_loop3A_570 = arith.index_cast %parallel_loop3A_565 : i32 to index
        %parallel_loop3A_571 = arith.index_cast %parallel_loop3A_564 : i32 to index
        %parallel_loop3A_572 = tpu.vector_load %parallel_loop3A_569[%parallel_loop3A_570, %parallel_loop3A_571] {strides = array<i32>} : memref<16x1024xf32, #tpu.memory_space<vmem>>, vector<16xf32>,
        tpu.vector_store %parallel_loop3A_569[%parallel_loop3A_570, %parallel_loop3A_571], %parallel_loop3A_562 {add = true, strides = array<i32>} : memref<16x1024xf32, #tpu.memory_space<vmem>>, vector<16xf32>,
        %parallel_loop3A_573 = arith.constant 16 : i32
        %parallel_loop3A_574 = arith.muli %parallel_loop3A_532, %parallel_loop3A_573 : i32
        %parallel_loop3A_575 = arith.constant 2 : i32
        %parallel_loop3A_576 = arith.constant 0 : i32
        %parallel_loop3A_577 = arith.constant 0 : i32
        %parallel_loop3A_578 = tpu.memref_slice %arg10[%parallel_loop3A_405, %parallel_loop3A_576, %parallel_loop3A_577] : memref<2x16x1024xf32, #tpu.memory_space<vmem>> -> memref<1x16x1024xf32, #tpu.memory_space<vmem>>
        %parallel_loop3A_579 = tpu.memref_squeeze %parallel_loop3A_578 : memref<1x16x1024xf32, #tpu.memory_space<vmem>> -> memref<16x1024xf32, #tpu.memory_space<vmem>>
        %parallel_loop3A_580 = arith.index_cast %parallel_loop3A_575 : i32 to index
        %parallel_loop3A_581 = arith.index_cast %parallel_loop3A_574 : i32 to index
        %parallel_loop3A_582 = tpu.vector_load %parallel_loop3A_579[%parallel_loop3A_580, %parallel_loop3A_581] {strides = array<i32>} : memref<16x1024xf32, #tpu.memory_space<vmem>>, vector<16xf32>,
        %parallel_loop3A_583 = arith.constant 16 : i32
        %parallel_loop3A_584 = arith.muli %parallel_loop3A_532, %parallel_loop3A_583 : i32
        %parallel_loop3A_585 = arith.constant 2 : i32
        %parallel_loop3A_586 = arith.constant 0 : i32
        %parallel_loop3A_587 = arith.constant 0 : i32
        %parallel_loop3A_588 = tpu.memref_slice %arg11[%parallel_loop3A_406, %parallel_loop3A_586, %parallel_loop3A_587] : memref<4x16x1024xf32, #tpu.memory_space<vmem>> -> memref<1x16x1024xf32, #tpu.memory_space<vmem>>
        %parallel_loop3A_589 = tpu.memref_squeeze %parallel_loop3A_588 : memref<1x16x1024xf32, #tpu.memory_space<vmem>> -> memref<16x1024xf32, #tpu.memory_space<vmem>>
        %parallel_loop3A_590 = arith.index_cast %parallel_loop3A_585 : i32 to index
        %parallel_loop3A_591 = arith.index_cast %parallel_loop3A_584 : i32 to index
        %parallel_loop3A_592 = tpu.vector_load %parallel_loop3A_589[%parallel_loop3A_590, %parallel_loop3A_591] {strides = array<i32>} : memref<16x1024xf32, #tpu.memory_space<vmem>>, vector<16xf32>,
        tpu.vector_store %parallel_loop3A_589[%parallel_loop3A_590, %parallel_loop3A_591], %parallel_loop3A_582 {add = true, strides = array<i32>} : memref<16x1024xf32, #tpu.memory_space<vmem>>, vector<16xf32>,
        %parallel_loop3A_593 = arith.constant 16 : i32
        %parallel_loop3A_594 = arith.muli %parallel_loop3A_532, %parallel_loop3A_593 : i32
        %parallel_loop3A_595 = arith.constant 3 : i32
        %parallel_loop3A_596 = arith.constant 0 : i32
        %parallel_loop3A_597 = arith.constant 0 : i32
        %parallel_loop3A_598 = tpu.memref_slice %arg10[%parallel_loop3A_405, %parallel_loop3A_596, %parallel_loop3A_597] : memref<2x16x1024xf32, #tpu.memory_space<vmem>> -> memref<1x16x1024xf32, #tpu.memory_space<vmem>>
        %parallel_loop3A_599 = tpu.memref_squeeze %parallel_loop3A_598 : memref<1x16x1024xf32, #tpu.memory_space<vmem>> -> memref<16x1024xf32, #tpu.memory_space<vmem>>
        %parallel_loop3A_600 = arith.index_cast %parallel_loop3A_595 : i32 to index
        %parallel_loop3A_601 = arith.index_cast %parallel_loop3A_594 : i32 to index
        %parallel_loop3A_602 = tpu.vector_load %parallel_loop3A_599[%parallel_loop3A_600, %parallel_loop3A_601] {strides = array<i32>} : memref<16x1024xf32, #tpu.memory_space<vmem>>, vector<16xf32>,
        %parallel_loop3A_603 = arith.constant 16 : i32
        %parallel_loop3A_604 = arith.muli %parallel_loop3A_532, %parallel_loop3A_603 : i32
        %parallel_loop3A_605 = arith.constant 3 : i32
        %parallel_loop3A_606 = arith.constant 0 : i32
        %parallel_loop3A_607 = arith.constant 0 : i32
        %parallel_loop3A_608 = tpu.memref_slice %arg11[%parallel_loop3A_406, %parallel_loop3A_606, %parallel_loop3A_607] : memref<4x16x1024xf32, #tpu.memory_space<vmem>> -> memref<1x16x1024xf32, #tpu.memory_space<vmem>>
        %parallel_loop3A_609 = tpu.memref_squeeze %parallel_loop3A_608 : memref<1x16x1024xf32, #tpu.memory_space<vmem>> -> memref<16x1024xf32, #tpu.memory_space<vmem>>
        %parallel_loop3A_610 = arith.index_cast %parallel_loop3A_605 : i32 to index
        %parallel_loop3A_611 = arith.index_cast %parallel_loop3A_604 : i32 to index
        %parallel_loop3A_612 = tpu.vector_load %parallel_loop3A_609[%parallel_loop3A_610, %parallel_loop3A_611] {strides = array<i32>} : memref<16x1024xf32, #tpu.memory_space<vmem>>, vector<16xf32>,
        tpu.vector_store %parallel_loop3A_609[%parallel_loop3A_610, %parallel_loop3A_611], %parallel_loop3A_602 {add = true, strides = array<i32>} : memref<16x1024xf32, #tpu.memory_space<vmem>>, vector<16xf32>,
        %parallel_loop3A_613 = arith.constant 16 : i32
        %parallel_loop3A_614 = arith.muli %parallel_loop3A_532, %parallel_loop3A_613 : i32
        %parallel_loop3A_615 = arith.constant 4 : i32
        %parallel_loop3A_616 = arith.constant 0 : i32
        %parallel_loop3A_617 = arith.constant 0 : i32
        %parallel_loop3A_618 = tpu.memref_slice %arg10[%parallel_loop3A_405, %parallel_loop3A_616, %parallel_loop3A_617] : memref<2x16x1024xf32, #tpu.memory_space<vmem>> -> memref<1x16x1024xf32, #tpu.memory_space<vmem>>
        %parallel_loop3A_619 = tpu.memref_squeeze %parallel_loop3A_618 : memref<1x16x1024xf32, #tpu.memory_space<vmem>> -> memref<16x1024xf32, #tpu.memory_space<vmem>>
        %parallel_loop3A_620 = arith.index_cast %parallel_loop3A_615 : i32 to index
        %parallel_loop3A_621 = arith.index_cast %parallel_loop3A_614 : i32 to index
        %parallel_loop3A_622 = tpu.vector_load %parallel_loop3A_619[%parallel_loop3A_620, %parallel_loop3A_621] {strides = array<i32>} : memref<16x1024xf32, #tpu.memory_space<vmem>>, vector<16xf32>,
        %parallel_loop3A_623 = arith.constant 16 : i32
        %parallel_loop3A_624 = arith.muli %parallel_loop3A_532, %parallel_loop3A_623 : i32
        %parallel_loop3A_625 = arith.constant 4 : i32
        %parallel_loop3A_626 = arith.constant 0 : i32
        %parallel_loop3A_627 = arith.constant 0 : i32
        %parallel_loop3A_628 = tpu.memref_slice %arg11[%parallel_loop3A_406, %parallel_loop3A_626, %parallel_loop3A_627] : memref<4x16x1024xf32, #tpu.memory_space<vmem>> -> memref<1x16x1024xf32, #tpu.memory_space<vmem>>
        %parallel_loop3A_629 = tpu.memref_squeeze %parallel_loop3A_628 : memref<1x16x1024xf32, #tpu.memory_space<vmem>> -> memref<16x1024xf32, #tpu.memory_space<vmem>>
        %parallel_loop3A_630 = arith.index_cast %parallel_loop3A_625 : i32 to index
        %parallel_loop3A_631 = arith.index_cast %parallel_loop3A_624 : i32 to index
        %parallel_loop3A_632 = tpu.vector_load %parallel_loop3A_629[%parallel_loop3A_630, %parallel_loop3A_631] {strides = array<i32>} : memref<16x1024xf32, #tpu.memory_space<vmem>>, vector<16xf32>,
        tpu.vector_store %parallel_loop3A_629[%parallel_loop3A_630, %parallel_loop3A_631], %parallel_loop3A_622 {add = true, strides = array<i32>} : memref<16x1024xf32, #tpu.memory_space<vmem>>, vector<16xf32>,
        %parallel_loop3A_633 = arith.constant 16 : i32
        %parallel_loop3A_634 = arith.muli %parallel_loop3A_532, %parallel_loop3A_633 : i32
        %parallel_loop3A_635 = arith.constant 5 : i32
        %parallel_loop3A_636 = arith.constant 0 : i32
        %parallel_loop3A_637 = arith.constant 0 : i32
        %parallel_loop3A_638 = tpu.memref_slice %arg10[%parallel_loop3A_405, %parallel_loop3A_636, %parallel_loop3A_637] : memref<2x16x1024xf32, #tpu.memory_space<vmem>> -> memref<1x16x1024xf32, #tpu.memory_space<vmem>>
        %parallel_loop3A_639 = tpu.memref_squeeze %parallel_loop3A_638 : memref<1x16x1024xf32, #tpu.memory_space<vmem>> -> memref<16x1024xf32, #tpu.memory_space<vmem>>
        %parallel_loop3A_640 = arith.index_cast %parallel_loop3A_635 : i32 to index
        %parallel_loop3A_641 = arith.index_cast %parallel_loop3A_634 : i32 to index
        %parallel_loop3A_642 = tpu.vector_load %parallel_loop3A_639[%parallel_loop3A_640, %parallel_loop3A_641] {strides = array<i32>} : memref<16x1024xf32, #tpu.memory_space<vmem>>, vector<16xf32>,
        %parallel_loop3A_643 = arith.constant 16 : i32
        %parallel_loop3A_644 = arith.muli %parallel_loop3A_532, %parallel_loop3A_643 : i32
        %parallel_loop3A_645 = arith.constant 5 : i32
        %parallel_loop3A_646 = arith.constant 0 : i32
        %parallel_loop3A_647 = arith.constant 0 : i32
        %parallel_loop3A_648 = tpu.memref_slice %arg11[%parallel_loop3A_406, %parallel_loop3A_646, %parallel_loop3A_647] : memref<4x16x1024xf32, #tpu.memory_space<vmem>> -> memref<1x16x1024xf32, #tpu.memory_space<vmem>>
        %parallel_loop3A_649 = tpu.memref_squeeze %parallel_loop3A_648 : memref<1x16x1024xf32, #tpu.memory_space<vmem>> -> memref<16x1024xf32, #tpu.memory_space<vmem>>
        %parallel_loop3A_650 = arith.index_cast %parallel_loop3A_645 : i32 to index
        %parallel_loop3A_651 = arith.index_cast %parallel_loop3A_644 : i32 to index
        %parallel_loop3A_652 = tpu.vector_load %parallel_loop3A_649[%parallel_loop3A_650, %parallel_loop3A_651] {strides = array<i32>} : memref<16x1024xf32, #tpu.memory_space<vmem>>, vector<16xf32>,
        tpu.vector_store %parallel_loop3A_649[%parallel_loop3A_650, %parallel_loop3A_651], %parallel_loop3A_642 {add = true, strides = array<i32>} : memref<16x1024xf32, #tpu.memory_space<vmem>>, vector<16xf32>,
        %parallel_loop3A_653 = arith.constant 16 : i32
        %parallel_loop3A_654 = arith.muli %parallel_loop3A_532, %parallel_loop3A_653 : i32
        %parallel_loop3A_655 = arith.constant 6 : i32
        %parallel_loop3A_656 = arith.constant 0 : i32
        %parallel_loop3A_657 = arith.constant 0 : i32
        %parallel_loop3A_658 = tpu.memref_slice %arg10[%parallel_loop3A_405, %parallel_loop3A_656, %parallel_loop3A_657] : memref<2x16x1024xf32, #tpu.memory_space<vmem>> -> memref<1x16x1024xf32, #tpu.memory_space<vmem>>
        %parallel_loop3A_659 = tpu.memref_squeeze %parallel_loop3A_658 : memref<1x16x1024xf32, #tpu.memory_space<vmem>> -> memref<16x1024xf32, #tpu.memory_space<vmem>>
        %parallel_loop3A_660 = arith.index_cast %parallel_loop3A_655 : i32 to index
        %parallel_loop3A_661 = arith.index_cast %parallel_loop3A_654 : i32 to index
        %parallel_loop3A_662 = tpu.vector_load %parallel_loop3A_659[%parallel_loop3A_660, %parallel_loop3A_661] {strides = array<i32>} : memref<16x1024xf32, #tpu.memory_space<vmem>>, vector<16xf32>,
        %parallel_loop3A_663 = arith.constant 16 : i32
        %parallel_loop3A_664 = arith.muli %parallel_loop3A_532, %parallel_loop3A_663 : i32
        %parallel_loop3A_665 = arith.constant 6 : i32
        %parallel_loop3A_666 = arith.constant 0 : i32
        %parallel_loop3A_667 = arith.constant 0 : i32
        %parallel_loop3A_668 = tpu.memref_slice %arg11[%parallel_loop3A_406, %parallel_loop3A_666, %parallel_loop3A_667] : memref<4x16x1024xf32, #tpu.memory_space<vmem>> -> memref<1x16x1024xf32, #tpu.memory_space<vmem>>
        %parallel_loop3A_669 = tpu.memref_squeeze %parallel_loop3A_668 : memref<1x16x1024xf32, #tpu.memory_space<vmem>> -> memref<16x1024xf32, #tpu.memory_space<vmem>>
        %parallel_loop3A_670 = arith.index_cast %parallel_loop3A_665 : i32 to index
        %parallel_loop3A_671 = arith.index_cast %parallel_loop3A_664 : i32 to index
        %parallel_loop3A_672 = tpu.vector_load %parallel_loop3A_669[%parallel_loop3A_670, %parallel_loop3A_671] {strides = array<i32>} : memref<16x1024xf32, #tpu.memory_space<vmem>>, vector<16xf32>,
        tpu.vector_store %parallel_loop3A_669[%parallel_loop3A_670, %parallel_loop3A_671], %parallel_loop3A_662 {add = true, strides = array<i32>} : memref<16x1024xf32, #tpu.memory_space<vmem>>, vector<16xf32>,
        %parallel_loop3A_673 = arith.constant 16 : i32
        %parallel_loop3A_674 = arith.muli %parallel_loop3A_532, %parallel_loop3A_673 : i32
        %parallel_loop3A_675 = arith.constant 7 : i32
        %parallel_loop3A_676 = arith.constant 0 : i32
        %parallel_loop3A_677 = arith.constant 0 : i32
        %parallel_loop3A_678 = tpu.memref_slice %arg10[%parallel_loop3A_405, %parallel_loop3A_676, %parallel_loop3A_677] : memref<2x16x1024xf32, #tpu.memory_space<vmem>> -> memref<1x16x1024xf32, #tpu.memory_space<vmem>>
        %parallel_loop3A_679 = tpu.memref_squeeze %parallel_loop3A_678 : memref<1x16x1024xf32, #tpu.memory_space<vmem>> -> memref<16x1024xf32, #tpu.memory_space<vmem>>
        %parallel_loop3A_680 = arith.index_cast %parallel_loop3A_675 : i32 to index
        %parallel_loop3A_681 = arith.index_cast %parallel_loop3A_674 : i32 to index
        %parallel_loop3A_682 = tpu.vector_load %parallel_loop3A_679[%parallel_loop3A_680, %parallel_loop3A_681] {strides = array<i32>} : memref<16x1024xf32, #tpu.memory_space<vmem>>, vector<16xf32>,
        %parallel_loop3A_683 = arith.constant 16 : i32
        %parallel_loop3A_684 = arith.muli %parallel_loop3A_532, %parallel_loop3A_683 : i32
        %parallel_loop3A_685 = arith.constant 7 : i32
        %parallel_loop3A_686 = arith.constant 0 : i32
        %parallel_loop3A_687 = arith.constant 0 : i32
        %parallel_loop3A_688 = tpu.memref_slice %arg11[%parallel_loop3A_406, %parallel_loop3A_686, %parallel_loop3A_687] : memref<4x16x1024xf32, #tpu.memory_space<vmem>> -> memref<1x16x1024xf32, #tpu.memory_space<vmem>>
        %parallel_loop3A_689 = tpu.memref_squeeze %parallel_loop3A_688 : memref<1x16x1024xf32, #tpu.memory_space<vmem>> -> memref<16x1024xf32, #tpu.memory_space<vmem>>
        %parallel_loop3A_690 = arith.index_cast %parallel_loop3A_685 : i32 to index
        %parallel_loop3A_691 = arith.index_cast %parallel_loop3A_684 : i32 to index
        %parallel_loop3A_692 = tpu.vector_load %parallel_loop3A_689[%parallel_loop3A_690, %parallel_loop3A_691] {strides = array<i32>} : memref<16x1024xf32, #tpu.memory_space<vmem>>, vector<16xf32>,
        tpu.vector_store %parallel_loop3A_689[%parallel_loop3A_690, %parallel_loop3A_691], %parallel_loop3A_682 {add = true, strides = array<i32>} : memref<16x1024xf32, #tpu.memory_space<vmem>>, vector<16xf32>,
        %parallel_loop3A_693 = arith.constant 16 : i32
        %parallel_loop3A_694 = arith.muli %parallel_loop3A_532, %parallel_loop3A_693 : i32
        %parallel_loop3A_695 = arith.constant 8 : i32
        %parallel_loop3A_696 = arith.constant 0 : i32
        %parallel_loop3A_697 = arith.constant 0 : i32
        %parallel_loop3A_698 = tpu.memref_slice %arg10[%parallel_loop3A_405, %parallel_loop3A_696, %parallel_loop3A_697] : memref<2x16x1024xf32, #tpu.memory_space<vmem>> -> memref<1x16x1024xf32, #tpu.memory_space<vmem>>
        %parallel_loop3A_699 = tpu.memref_squeeze %parallel_loop3A_698 : memref<1x16x1024xf32, #tpu.memory_space<vmem>> -> memref<16x1024xf32, #tpu.memory_space<vmem>>
        %parallel_loop3A_700 = arith.index_cast %parallel_loop3A_695 : i32 to index
        %parallel_loop3A_701 = arith.index_cast %parallel_loop3A_694 : i32 to index
        %parallel_loop3A_702 = tpu.vector_load %parallel_loop3A_699[%parallel_loop3A_700, %parallel_loop3A_701] {strides = array<i32>} : memref<16x1024xf32, #tpu.memory_space<vmem>>, vector<16xf32>,
        %parallel_loop3A_703 = arith.constant 16 : i32
        %parallel_loop3A_704 = arith.muli %parallel_loop3A_532, %parallel_loop3A_703 : i32
        %parallel_loop3A_705 = arith.constant 8 : i32
        %parallel_loop3A_706 = arith.constant 0 : i32
        %parallel_loop3A_707 = arith.constant 0 : i32
        %parallel_loop3A_708 = tpu.memref_slice %arg11[%parallel_loop3A_406, %parallel_loop3A_706, %parallel_loop3A_707] : memref<4x16x1024xf32, #tpu.memory_space<vmem>> -> memref<1x16x1024xf32, #tpu.memory_space<vmem>>
        %parallel_loop3A_709 = tpu.memref_squeeze %parallel_loop3A_708 : memref<1x16x1024xf32, #tpu.memory_space<vmem>> -> memref<16x1024xf32, #tpu.memory_space<vmem>>
        %parallel_loop3A_710 = arith.index_cast %parallel_loop3A_705 : i32 to index
        %parallel_loop3A_711 = arith.index_cast %parallel_loop3A_704 : i32 to index
        %parallel_loop3A_712 = tpu.vector_load %parallel_loop3A_709[%parallel_loop3A_710, %parallel_loop3A_711] {strides = array<i32>} : memref<16x1024xf32, #tpu.memory_space<vmem>>, vector<16xf32>,
        tpu.vector_store %parallel_loop3A_709[%parallel_loop3A_710, %parallel_loop3A_711], %parallel_loop3A_702 {add = true, strides = array<i32>} : memref<16x1024xf32, #tpu.memory_space<vmem>>, vector<16xf32>,
        %parallel_loop3A_713 = arith.constant 16 : i32
        %parallel_loop3A_714 = arith.muli %parallel_loop3A_532, %parallel_loop3A_713 : i32
        %parallel_loop3A_715 = arith.constant 9 : i32
        %parallel_loop3A_716 = arith.constant 0 : i32
        %parallel_loop3A_717 = arith.constant 0 : i32
        %parallel_loop3A_718 = tpu.memref_slice %arg10[%parallel_loop3A_405, %parallel_loop3A_716, %parallel_loop3A_717] : memref<2x16x1024xf32, #tpu.memory_space<vmem>> -> memref<1x16x1024xf32, #tpu.memory_space<vmem>>
        %parallel_loop3A_719 = tpu.memref_squeeze %parallel_loop3A_718 : memref<1x16x1024xf32, #tpu.memory_space<vmem>> -> memref<16x1024xf32, #tpu.memory_space<vmem>>
        %parallel_loop3A_720 = arith.index_cast %parallel_loop3A_715 : i32 to index
        %parallel_loop3A_721 = arith.index_cast %parallel_loop3A_714 : i32 to index
        %parallel_loop3A_722 = tpu.vector_load %parallel_loop3A_719[%parallel_loop3A_720, %parallel_loop3A_721] {strides = array<i32>} : memref<16x1024xf32, #tpu.memory_space<vmem>>, vector<16xf32>,
        %parallel_loop3A_723 = arith.constant 16 : i32
        %parallel_loop3A_724 = arith.muli %parallel_loop3A_532, %parallel_loop3A_723 : i32
        %parallel_loop3A_725 = arith.constant 9 : i32
        %parallel_loop3A_726 = arith.constant 0 : i32
        %parallel_loop3A_727 = arith.constant 0 : i32
        %parallel_loop3A_728 = tpu.memref_slice %arg11[%parallel_loop3A_406, %parallel_loop3A_726, %parallel_loop3A_727] : memref<4x16x1024xf32, #tpu.memory_space<vmem>> -> memref<1x16x1024xf32, #tpu.memory_space<vmem>>
        %parallel_loop3A_729 = tpu.memref_squeeze %parallel_loop3A_728 : memref<1x16x1024xf32, #tpu.memory_space<vmem>> -> memref<16x1024xf32, #tpu.memory_space<vmem>>
        %parallel_loop3A_730 = arith.index_cast %parallel_loop3A_725 : i32 to index
        %parallel_loop3A_731 = arith.index_cast %parallel_loop3A_724 : i32 to index
        %parallel_loop3A_732 = tpu.vector_load %parallel_loop3A_729[%parallel_loop3A_730, %parallel_loop3A_731] {strides = array<i32>} : memref<16x1024xf32, #tpu.memory_space<vmem>>, vector<16xf32>,
        tpu.vector_store %parallel_loop3A_729[%parallel_loop3A_730, %parallel_loop3A_731], %parallel_loop3A_722 {add = true, strides = array<i32>} : memref<16x1024xf32, #tpu.memory_space<vmem>>, vector<16xf32>,
        %parallel_loop3A_733 = arith.constant 16 : i32
        %parallel_loop3A_734 = arith.muli %parallel_loop3A_532, %parallel_loop3A_733 : i32
        %parallel_loop3A_735 = arith.constant 10 : i32
        %parallel_loop3A_736 = arith.constant 0 : i32
        %parallel_loop3A_737 = arith.constant 0 : i32
        %parallel_loop3A_738 = tpu.memref_slice %arg10[%parallel_loop3A_405, %parallel_loop3A_736, %parallel_loop3A_737] : memref<2x16x1024xf32, #tpu.memory_space<vmem>> -> memref<1x16x1024xf32, #tpu.memory_space<vmem>>
        %parallel_loop3A_739 = tpu.memref_squeeze %parallel_loop3A_738 : memref<1x16x1024xf32, #tpu.memory_space<vmem>> -> memref<16x1024xf32, #tpu.memory_space<vmem>>
        %parallel_loop3A_740 = arith.index_cast %parallel_loop3A_735 : i32 to index
        %parallel_loop3A_741 = arith.index_cast %parallel_loop3A_734 : i32 to index
        %parallel_loop3A_742 = tpu.vector_load %parallel_loop3A_739[%parallel_loop3A_740, %parallel_loop3A_741] {strides = array<i32>} : memref<16x1024xf32, #tpu.memory_space<vmem>>, vector<16xf32>,
        %parallel_loop3A_743 = arith.constant 16 : i32
        %parallel_loop3A_744 = arith.muli %parallel_loop3A_532, %parallel_loop3A_743 : i32
        %parallel_loop3A_745 = arith.constant 10 : i32
        %parallel_loop3A_746 = arith.constant 0 : i32
        %parallel_loop3A_747 = arith.constant 0 : i32
        %parallel_loop3A_748 = tpu.memref_slice %arg11[%parallel_loop3A_406, %parallel_loop3A_746, %parallel_loop3A_747] : memref<4x16x1024xf32, #tpu.memory_space<vmem>> -> memref<1x16x1024xf32, #tpu.memory_space<vmem>>
        %parallel_loop3A_749 = tpu.memref_squeeze %parallel_loop3A_748 : memref<1x16x1024xf32, #tpu.memory_space<vmem>> -> memref<16x1024xf32, #tpu.memory_space<vmem>>
        %parallel_loop3A_750 = arith.index_cast %parallel_loop3A_745 : i32 to index
        %parallel_loop3A_751 = arith.index_cast %parallel_loop3A_744 : i32 to index
        %parallel_loop3A_752 = tpu.vector_load %parallel_loop3A_749[%parallel_loop3A_750, %parallel_loop3A_751] {strides = array<i32>} : memref<16x1024xf32, #tpu.memory_space<vmem>>, vector<16xf32>,
        tpu.vector_store %parallel_loop3A_749[%parallel_loop3A_750, %parallel_loop3A_751], %parallel_loop3A_742 {add = true, strides = array<i32>} : memref<16x1024xf32, #tpu.memory_space<vmem>>, vector<16xf32>,
        %parallel_loop3A_753 = arith.constant 16 : i32
        %parallel_loop3A_754 = arith.muli %parallel_loop3A_532, %parallel_loop3A_753 : i32
        %parallel_loop3A_755 = arith.constant 11 : i32
        %parallel_loop3A_756 = arith.constant 0 : i32
        %parallel_loop3A_757 = arith.constant 0 : i32
        %parallel_loop3A_758 = tpu.memref_slice %arg10[%parallel_loop3A_405, %parallel_loop3A_756, %parallel_loop3A_757] : memref<2x16x1024xf32, #tpu.memory_space<vmem>> -> memref<1x16x1024xf32, #tpu.memory_space<vmem>>
        %parallel_loop3A_759 = tpu.memref_squeeze %parallel_loop3A_758 : memref<1x16x1024xf32, #tpu.memory_space<vmem>> -> memref<16x1024xf32, #tpu.memory_space<vmem>>
        %parallel_loop3A_760 = arith.index_cast %parallel_loop3A_755 : i32 to index
        %parallel_loop3A_761 = arith.index_cast %parallel_loop3A_754 : i32 to index
        %parallel_loop3A_762 = tpu.vector_load %parallel_loop3A_759[%parallel_loop3A_760, %parallel_loop3A_761] {strides = array<i32>} : memref<16x1024xf32, #tpu.memory_space<vmem>>, vector<16xf32>,
        %parallel_loop3A_763 = arith.constant 16 : i32
        %parallel_loop3A_764 = arith.muli %parallel_loop3A_532, %parallel_loop3A_763 : i32
        %parallel_loop3A_765 = arith.constant 11 : i32
        %parallel_loop3A_766 = arith.constant 0 : i32
        %parallel_loop3A_767 = arith.constant 0 : i32
        %parallel_loop3A_768 = tpu.memref_slice %arg11[%parallel_loop3A_406, %parallel_loop3A_766, %parallel_loop3A_767] : memref<4x16x1024xf32, #tpu.memory_space<vmem>> -> memref<1x16x1024xf32, #tpu.memory_space<vmem>>
        %parallel_loop3A_769 = tpu.memref_squeeze %parallel_loop3A_768 : memref<1x16x1024xf32, #tpu.memory_space<vmem>> -> memref<16x1024xf32, #tpu.memory_space<vmem>>
        %parallel_loop3A_770 = arith.index_cast %parallel_loop3A_765 : i32 to index
        %parallel_loop3A_771 = arith.index_cast %parallel_loop3A_764 : i32 to index
        %parallel_loop3A_772 = tpu.vector_load %parallel_loop3A_769[%parallel_loop3A_770, %parallel_loop3A_771] {strides = array<i32>} : memref<16x1024xf32, #tpu.memory_space<vmem>>, vector<16xf32>,
        tpu.vector_store %parallel_loop3A_769[%parallel_loop3A_770, %parallel_loop3A_771], %parallel_loop3A_762 {add = true, strides = array<i32>} : memref<16x1024xf32, #tpu.memory_space<vmem>>, vector<16xf32>,
        %parallel_loop3A_773 = arith.constant 16 : i32
        %parallel_loop3A_774 = arith.muli %parallel_loop3A_532, %parallel_loop3A_773 : i32
        %parallel_loop3A_775 = arith.constant 12 : i32
        %parallel_loop3A_776 = arith.constant 0 : i32
        %parallel_loop3A_777 = arith.constant 0 : i32
        %parallel_loop3A_778 = tpu.memref_slice %arg10[%parallel_loop3A_405, %parallel_loop3A_776, %parallel_loop3A_777] : memref<2x16x1024xf32, #tpu.memory_space<vmem>> -> memref<1x16x1024xf32, #tpu.memory_space<vmem>>
        %parallel_loop3A_779 = tpu.memref_squeeze %parallel_loop3A_778 : memref<1x16x1024xf32, #tpu.memory_space<vmem>> -> memref<16x1024xf32, #tpu.memory_space<vmem>>
        %parallel_loop3A_780 = arith.index_cast %parallel_loop3A_775 : i32 to index
        %parallel_loop3A_781 = arith.index_cast %parallel_loop3A_774 : i32 to index
        %parallel_loop3A_782 = tpu.vector_load %parallel_loop3A_779[%parallel_loop3A_780, %parallel_loop3A_781] {strides = array<i32>} : memref<16x1024xf32, #tpu.memory_space<vmem>>, vector<16xf32>,
        %parallel_loop3A_783 = arith.constant 16 : i32
        %parallel_loop3A_784 = arith.muli %parallel_loop3A_532, %parallel_loop3A_783 : i32
        %parallel_loop3A_785 = arith.constant 12 : i32
        %parallel_loop3A_786 = arith.constant 0 : i32
        %parallel_loop3A_787 = arith.constant 0 : i32
        %parallel_loop3A_788 = tpu.memref_slice %arg11[%parallel_loop3A_406, %parallel_loop3A_786, %parallel_loop3A_787] : memref<4x16x1024xf32, #tpu.memory_space<vmem>> -> memref<1x16x1024xf32, #tpu.memory_space<vmem>>
        %parallel_loop3A_789 = tpu.memref_squeeze %parallel_loop3A_788 : memref<1x16x1024xf32, #tpu.memory_space<vmem>> -> memref<16x1024xf32, #tpu.memory_space<vmem>>
        %parallel_loop3A_790 = arith.index_cast %parallel_loop3A_785 : i32 to index
        %parallel_loop3A_791 = arith.index_cast %parallel_loop3A_784 : i32 to index
        %parallel_loop3A_792 = tpu.vector_load %parallel_loop3A_789[%parallel_loop3A_790, %parallel_loop3A_791] {strides = array<i32>} : memref<16x1024xf32, #tpu.memory_space<vmem>>, vector<16xf32>,
        tpu.vector_store %parallel_loop3A_789[%parallel_loop3A_790, %parallel_loop3A_791], %parallel_loop3A_782 {add = true, strides = array<i32>} : memref<16x1024xf32, #tpu.memory_space<vmem>>, vector<16xf32>,
        %parallel_loop3A_793 = arith.constant 16 : i32
        %parallel_loop3A_794 = arith.muli %parallel_loop3A_532, %parallel_loop3A_793 : i32
        %parallel_loop3A_795 = arith.constant 13 : i32
        %parallel_loop3A_796 = arith.constant 0 : i32
        %parallel_loop3A_797 = arith.constant 0 : i32
        %parallel_loop3A_798 = tpu.memref_slice %arg10[%parallel_loop3A_405, %parallel_loop3A_796, %parallel_loop3A_797] : memref<2x16x1024xf32, #tpu.memory_space<vmem>> -> memref<1x16x1024xf32, #tpu.memory_space<vmem>>
        %parallel_loop3A_799 = tpu.memref_squeeze %parallel_loop3A_798 : memref<1x16x1024xf32, #tpu.memory_space<vmem>> -> memref<16x1024xf32, #tpu.memory_space<vmem>>
        %parallel_loop3A_800 = arith.index_cast %parallel_loop3A_795 : i32 to index
        %parallel_loop3A_801 = arith.index_cast %parallel_loop3A_794 : i32 to index
        %parallel_loop3A_802 = tpu.vector_load %parallel_loop3A_799[%parallel_loop3A_800, %parallel_loop3A_801] {strides = array<i32>} : memref<16x1024xf32, #tpu.memory_space<vmem>>, vector<16xf32>,
        %parallel_loop3A_803 = arith.constant 16 : i32
        %parallel_loop3A_804 = arith.muli %parallel_loop3A_532, %parallel_loop3A_803 : i32
        %parallel_loop3A_805 = arith.constant 13 : i32
        %parallel_loop3A_806 = arith.constant 0 : i32
        %parallel_loop3A_807 = arith.constant 0 : i32
        %parallel_loop3A_808 = tpu.memref_slice %arg11[%parallel_loop3A_406, %parallel_loop3A_806, %parallel_loop3A_807] : memref<4x16x1024xf32, #tpu.memory_space<vmem>> -> memref<1x16x1024xf32, #tpu.memory_space<vmem>>
        %parallel_loop3A_809 = tpu.memref_squeeze %parallel_loop3A_808 : memref<1x16x1024xf32, #tpu.memory_space<vmem>> -> memref<16x1024xf32, #tpu.memory_space<vmem>>
        %parallel_loop3A_810 = arith.index_cast %parallel_loop3A_805 : i32 to index
        %parallel_loop3A_811 = arith.index_cast %parallel_loop3A_804 : i32 to index
        %parallel_loop3A_812 = tpu.vector_load %parallel_loop3A_809[%parallel_loop3A_810, %parallel_loop3A_811] {strides = array<i32>} : memref<16x1024xf32, #tpu.memory_space<vmem>>, vector<16xf32>,
        tpu.vector_store %parallel_loop3A_809[%parallel_loop3A_810, %parallel_loop3A_811], %parallel_loop3A_802 {add = true, strides = array<i32>} : memref<16x1024xf32, #tpu.memory_space<vmem>>, vector<16xf32>,
        %parallel_loop3A_813 = arith.constant 16 : i32
        %parallel_loop3A_814 = arith.muli %parallel_loop3A_532, %parallel_loop3A_813 : i32
        %parallel_loop3A_815 = arith.constant 14 : i32
        %parallel_loop3A_816 = arith.constant 0 : i32
        %parallel_loop3A_817 = arith.constant 0 : i32
        %parallel_loop3A_818 = tpu.memref_slice %arg10[%parallel_loop3A_405, %parallel_loop3A_816, %parallel_loop3A_817] : memref<2x16x1024xf32, #tpu.memory_space<vmem>> -> memref<1x16x1024xf32, #tpu.memory_space<vmem>>
        %parallel_loop3A_819 = tpu.memref_squeeze %parallel_loop3A_818 : memref<1x16x1024xf32, #tpu.memory_space<vmem>> -> memref<16x1024xf32, #tpu.memory_space<vmem>>
        %parallel_loop3A_820 = arith.index_cast %parallel_loop3A_815 : i32 to index
        %parallel_loop3A_821 = arith.index_cast %parallel_loop3A_814 : i32 to index
        %parallel_loop3A_822 = tpu.vector_load %parallel_loop3A_819[%parallel_loop3A_820, %parallel_loop3A_821] {strides = array<i32>} : memref<16x1024xf32, #tpu.memory_space<vmem>>, vector<16xf32>,
        %parallel_loop3A_823 = arith.constant 16 : i32
        %parallel_loop3A_824 = arith.muli %parallel_loop3A_532, %parallel_loop3A_823 : i32
        %parallel_loop3A_825 = arith.constant 14 : i32
        %parallel_loop3A_826 = arith.constant 0 : i32
        %parallel_loop3A_827 = arith.constant 0 : i32
        %parallel_loop3A_828 = tpu.memref_slice %arg11[%parallel_loop3A_406, %parallel_loop3A_826, %parallel_loop3A_827] : memref<4x16x1024xf32, #tpu.memory_space<vmem>> -> memref<1x16x1024xf32, #tpu.memory_space<vmem>>
        %parallel_loop3A_829 = tpu.memref_squeeze %parallel_loop3A_828 : memref<1x16x1024xf32, #tpu.memory_space<vmem>> -> memref<16x1024xf32, #tpu.memory_space<vmem>>
        %parallel_loop3A_830 = arith.index_cast %parallel_loop3A_825 : i32 to index
        %parallel_loop3A_831 = arith.index_cast %parallel_loop3A_824 : i32 to index
        %parallel_loop3A_832 = tpu.vector_load %parallel_loop3A_829[%parallel_loop3A_830, %parallel_loop3A_831] {strides = array<i32>} : memref<16x1024xf32, #tpu.memory_space<vmem>>, vector<16xf32>,
        tpu.vector_store %parallel_loop3A_829[%parallel_loop3A_830, %parallel_loop3A_831], %parallel_loop3A_822 {add = true, strides = array<i32>} : memref<16x1024xf32, #tpu.memory_space<vmem>>, vector<16xf32>,
        %parallel_loop3A_833 = arith.constant 16 : i32
        %parallel_loop3A_834 = arith.muli %parallel_loop3A_532, %parallel_loop3A_833 : i32
        %parallel_loop3A_835 = arith.constant 15 : i32
        %parallel_loop3A_836 = arith.constant 0 : i32
        %parallel_loop3A_837 = arith.constant 0 : i32
        %parallel_loop3A_838 = tpu.memref_slice %arg10[%parallel_loop3A_405, %parallel_loop3A_836, %parallel_loop3A_837] : memref<2x16x1024xf32, #tpu.memory_space<vmem>> -> memref<1x16x1024xf32, #tpu.memory_space<vmem>>
        %parallel_loop3A_839 = tpu.memref_squeeze %parallel_loop3A_838 : memref<1x16x1024xf32, #tpu.memory_space<vmem>> -> memref<16x1024xf32, #tpu.memory_space<vmem>>
        %parallel_loop3A_840 = arith.index_cast %parallel_loop3A_835 : i32 to index
        %parallel_loop3A_841 = arith.index_cast %parallel_loop3A_834 : i32 to index
        %parallel_loop3A_842 = tpu.vector_load %parallel_loop3A_839[%parallel_loop3A_840, %parallel_loop3A_841] {strides = array<i32>} : memref<16x1024xf32, #tpu.memory_space<vmem>>, vector<16xf32>,
        %parallel_loop3A_843 = arith.constant 16 : i32
        %parallel_loop3A_844 = arith.muli %parallel_loop3A_532, %parallel_loop3A_843 : i32
        %parallel_loop3A_845 = arith.constant 15 : i32
        %parallel_loop3A_846 = arith.constant 0 : i32
        %parallel_loop3A_847 = arith.constant 0 : i32
        %parallel_loop3A_848 = tpu.memref_slice %arg11[%parallel_loop3A_406, %parallel_loop3A_846, %parallel_loop3A_847] : memref<4x16x1024xf32, #tpu.memory_space<vmem>> -> memref<1x16x1024xf32, #tpu.memory_space<vmem>>
        %parallel_loop3A_849 = tpu.memref_squeeze %parallel_loop3A_848 : memref<1x16x1024xf32, #tpu.memory_space<vmem>> -> memref<16x1024xf32, #tpu.memory_space<vmem>>
        %parallel_loop3A_850 = arith.index_cast %parallel_loop3A_845 : i32 to index
        %parallel_loop3A_851 = arith.index_cast %parallel_loop3A_844 : i32 to index
        %parallel_loop3A_852 = tpu.vector_load %parallel_loop3A_849[%parallel_loop3A_850, %parallel_loop3A_851] {strides = array<i32>} : memref<16x1024xf32, #tpu.memory_space<vmem>>, vector<16xf32>,
        tpu.vector_store %parallel_loop3A_849[%parallel_loop3A_850, %parallel_loop3A_851], %parallel_loop3A_842 {add = true, strides = array<i32>} : memref<16x1024xf32, #tpu.memory_space<vmem>>, vector<16xf32>,
      } {sc.loop_unroll_factor = 1 : i64, sc.parallel_access}
      %mul3A_407 = arith.constant 16 : i32
      %mul3A_408 = arith.muli %add3A_342, %mul3A_407 : i32
      %add3A_409 = arith.addi %mul3A_32, %mul3A_408 : i32
      %dma_start3A_410 = arith.constant 2 : i32
      %dma_start3A_411 = arith.constant 2 : i32
      %dma_start3A_412 = arith.constant 0 : i32
      %dma_start3A_413 = arith.constant 0 : i32
      %dma_start3A_414 = tpu.memref_slice %arg11[%dma_start3A_410, %dma_start3A_412, %dma_start3A_413] : memref<4x16x1024xf32, #tpu.memory_space<vmem>> -> memref<1x16x1024xf32, #tpu.memory_space<vmem>>
      %dma_start3A_415 = tpu.memref_squeeze %dma_start3A_414 : memref<1x16x1024xf32, #tpu.memory_space<vmem>> -> memref<16x1024xf32, #tpu.memory_space<vmem>>
      %dma_start3A_416 = arith.constant 0 : i32
      %dma_start3A_417 = tpu.memref_slice %arg5[%select_n3A, %add3A_409, %dma_start3A_416] : memref<4x2048x1024xf32, #tpu.memory_space<hbm>> -> memref<1x16x1024xf32, #tpu.memory_space<hbm>>
      %dma_start3A_418 = tpu.memref_squeeze %dma_start3A_417 : memref<1x16x1024xf32, #tpu.memory_space<hbm>> -> memref<16x1024xf32, #tpu.memory_space<hbm>>
      %dma_start3A_419 = tpu.memref_slice %arg14[%dma_start3A_411] : memref<4x!tpu.dma_semaphore, #tpu.memory_space<semaphore_mem>> -> memref<1x!tpu.dma_semaphore, #tpu.memory_space<semaphore_mem>>
      %dma_start3A_420 = tpu.memref_squeeze %dma_start3A_419 : memref<1x!tpu.dma_semaphore, #tpu.memory_space<semaphore_mem>> -> memref<!tpu.dma_semaphore, #tpu.memory_space<semaphore_mem>>
      %dma_start3A_421 = arith.constant 0 : i32
      %dma_start3A_422 = tpu.memref_slice %arg5[%select_n3A, %add3A_409, %dma_start3A_421] : memref<4x2048x1024xf32, #tpu.memory_space<hbm>> -> memref<1x16x1024xf32, #tpu.memory_space<hbm>>
      %dma_start3A_423 = tpu.memref_squeeze %dma_start3A_422 : memref<1x16x1024xf32, #tpu.memory_space<hbm>> -> memref<16x1024xf32, #tpu.memory_space<hbm>>
      %dma_start3A_424 = arith.constant 0 : i32
      %dma_start3A_425 = arith.constant 0 : i32
      %dma_start3A_426 = tpu.memref_slice %arg11[%dma_start3A_410, %dma_start3A_424, %dma_start3A_425] : memref<4x16x1024xf32, #tpu.memory_space<vmem>> -> memref<1x16x1024xf32, #tpu.memory_space<vmem>>
      %dma_start3A_427 = tpu.memref_squeeze %dma_start3A_426 : memref<1x16x1024xf32, #tpu.memory_space<vmem>> -> memref<16x1024xf32, #tpu.memory_space<vmem>>
      tpu.enqueue_dma source(%dma_start3A_427 : memref<16x1024xf32, #tpu.memory_space<vmem>>) target(%dma_start3A_423 : memref<16x1024xf32, #tpu.memory_space<hbm>>) target_semaphore(%dma_start3A_420 : memref<!tpu.dma_semaphore, #tpu.memory_space<semaphore_mem>>)
      %add3A_428 = arith.constant 2 : i32
      %add3A_429 = arith.addi %add3A_342, %add3A_428 : i32
      %lt3A_430 = arith.constant 16 : i32
      %lt3A_431 = arith.cmpi slt, %add3A_429, %lt3A_430 : i32
      %convert_element_type3A_432 = arith.extui %lt3A_431 : i1 to i32
      %cond3A_433 = arith.constant 0 : i32
      %cond3A_434 = arith.cmpi ne, %convert_element_type3A_432, %cond3A_433 : i32
      scf.if %cond3A_434 {
        %add3A_532 = arith.constant 2 : i32
        %add3A_533 = arith.addi %add3A_342, %add3A_532 : i32
        %mul3A_534 = arith.constant 16 : i32
        %mul3A_535 = arith.muli %add3A_533, %mul3A_534 : i32
        %add3A_536 = arith.addi %mul3A_32, %mul3A_535 : i32
        %dma_start3A_537 = arith.constant 0 : i32
        %dma_start3A_538 = arith.constant 0 : i32
        %dma_start3A_539 = arith.constant 0 : i32
        %dma_start3A_540 = arith.constant 0 : i32
        %dma_start3A_541 = tpu.memref_slice %arg10[%dma_start3A_537, %dma_start3A_539, %dma_start3A_540] : memref<2x16x1024xf32, #tpu.memory_space<vmem>> -> memref<1x16x1024xf32, #tpu.memory_space<vmem>>
        %dma_start3A_542 = tpu.memref_squeeze %dma_start3A_541 : memref<1x16x1024xf32, #tpu.memory_space<vmem>> -> memref<16x1024xf32, #tpu.memory_space<vmem>>
        %dma_start3A_543 = tpu.memref_slice %arg7[%add3A_536] : memref<2048xi32, #tpu.memory_space<vmem>> -> memref<16xi32, #tpu.memory_space<vmem>>
        %dma_start3A_544 = arith.constant 0 : i32
        %dma_start3A_545 = arith.constant 0 : i32
        %dma_start3A_546 = tpu.memref_slice %arg3[%dma_start3A_544, %dma_start3A_545] : memref<50272x1024xf32, #tpu.memory_space<hbm>> -> memref<50272x1024xf32, #tpu.memory_space<hbm>>
        %dma_start3A_547 = tpu.memref_slice %arg12[%dma_start3A_538] : memref<2x!tpu.dma_semaphore, #tpu.memory_space<semaphore_mem>> -> memref<1x!tpu.dma_semaphore, #tpu.memory_space<semaphore_mem>>
        %dma_start3A_548 = tpu.memref_squeeze %dma_start3A_547 : memref<1x!tpu.dma_semaphore, #tpu.memory_space<semaphore_mem>> -> memref<!tpu.dma_semaphore, #tpu.memory_space<semaphore_mem>>
        tpu.enqueue_indirect_dma source(%dma_start3A_546 : memref<50272x1024xf32, #tpu.memory_space<hbm>>) target(%dma_start3A_542 : memref<16x1024xf32, #tpu.memory_space<vmem>>) offsets(%dma_start3A_543 : memref<16xi32, #tpu.memory_space<vmem>>) semaphore(%dma_start3A_548 : memref<!tpu.dma_semaphore, #tpu.memory_space<semaphore_mem>>)
      } else {
      }
      %mul3A_435 = arith.constant 4 : i32
      %mul3A_436 = arith.muli %scan3A_147, %mul3A_435 : i32
      %add3A_437 = arith.constant 3 : i32
      %add3A_438 = arith.addi %mul3A_436, %add3A_437 : i32
      %sub3A_439 = arith.constant 2 : i32
      %sub3A_440 = arith.subi %add3A_438, %sub3A_439 : i32
      %mul3A_441 = arith.constant 16 : i32
      %mul3A_442 = arith.muli %sub3A_440, %mul3A_441 : i32
      %add3A_443 = arith.addi %mul3A_32, %mul3A_442 : i32
      %dma_wait3A_444 = arith.constant 1 : i32
      %dma_wait3A_445 = arith.constant 1 : i32
      %dma_wait3A_446 = arith.constant 0 : i32
      %dma_wait3A_447 = arith.constant 0 : i32
      %dma_wait3A_448 = tpu.memref_slice %arg11[%dma_wait3A_444, %dma_wait3A_446, %dma_wait3A_447] : memref<4x16x1024xf32, #tpu.memory_space<vmem>> -> memref<1x16x1024xf32, #tpu.memory_space<vmem>>
      %dma_wait3A_449 = tpu.memref_squeeze %dma_wait3A_448 : memref<1x16x1024xf32, #tpu.memory_space<vmem>> -> memref<16x1024xf32, #tpu.memory_space<vmem>>
      %dma_wait3A_450 = arith.constant 0 : i32
      %dma_wait3A_451 = tpu.memref_slice %arg5[%select_n3A, %add3A_443, %dma_wait3A_450] : memref<4x2048x1024xf32, #tpu.memory_space<hbm>> -> memref<1x16x1024xf32, #tpu.memory_space<hbm>>
      %dma_wait3A_452 = tpu.memref_squeeze %dma_wait3A_451 : memref<1x16x1024xf32, #tpu.memory_space<hbm>> -> memref<16x1024xf32, #tpu.memory_space<hbm>>
      %dma_wait3A_453 = tpu.memref_slice %arg14[%dma_wait3A_445] : memref<4x!tpu.dma_semaphore, #tpu.memory_space<semaphore_mem>> -> memref<1x!tpu.dma_semaphore, #tpu.memory_space<semaphore_mem>>
      %dma_wait3A_454 = tpu.memref_squeeze %dma_wait3A_453 : memref<1x!tpu.dma_semaphore, #tpu.memory_space<semaphore_mem>> -> memref<!tpu.dma_semaphore, #tpu.memory_space<semaphore_mem>>
      %dma_wait3A_455 = arith.constant 0 : i32
      %dma_wait3A_456 = tpu.memref_slice %arg5[%select_n3A, %add3A_443, %dma_wait3A_455] : memref<4x2048x1024xf32, #tpu.memory_space<hbm>> -> memref<1x16x1024xf32, #tpu.memory_space<hbm>>
      %dma_wait3A_457 = tpu.memref_squeeze %dma_wait3A_456 : memref<1x16x1024xf32, #tpu.memory_space<hbm>> -> memref<16x1024xf32, #tpu.memory_space<hbm>>
      %dma_wait3A_458 = arith.constant 0 : i32
      %dma_wait3A_459 = arith.constant 0 : i32
      %dma_wait3A_460 = tpu.memref_slice %arg11[%dma_wait3A_444, %dma_wait3A_458, %dma_wait3A_459] : memref<4x16x1024xf32, #tpu.memory_space<vmem>> -> memref<1x16x1024xf32, #tpu.memory_space<vmem>>
      %dma_wait3A_461 = tpu.memref_squeeze %dma_wait3A_460 : memref<1x16x1024xf32, #tpu.memory_space<vmem>> -> memref<16x1024xf32, #tpu.memory_space<vmem>>
      tpu.wait_dma2 semaphore(%dma_wait3A_454 : memref<!tpu.dma_semaphore, #tpu.memory_space<semaphore_mem>>) src(%dma_wait3A_461 : memref<16x1024xf32, #tpu.memory_space<vmem>>) dst(%dma_wait3A_457 : memref<16x1024xf32, #tpu.memory_space<hbm>>)
      %add3A_462 = arith.constant 2 : i32
      %add3A_463 = arith.addi %add3A_438, %add3A_462 : i32
      %lt3A_464 = arith.constant 16 : i32
      %lt3A_465 = arith.cmpi slt, %add3A_463, %lt3A_464 : i32
      %convert_element_type3A_466 = arith.extui %lt3A_465 : i1 to i32
      %cond3A_467 = arith.constant 0 : i32
      %cond3A_468 = arith.cmpi ne, %convert_element_type3A_466, %cond3A_467 : i32
      scf.if %cond3A_468 {
        %add3A_532 = arith.constant 2 : i32
        %add3A_533 = arith.addi %add3A_438, %add3A_532 : i32
        %mul3A_534 = arith.constant 16 : i32
        %mul3A_535 = arith.muli %add3A_533, %mul3A_534 : i32
        %dma_start3A_536 = arith.constant 1 : i32
        %dma_start3A_537 = arith.constant 1 : i32
        %dma_start3A_538 = arith.constant 0 : i32
        %dma_start3A_539 = arith.constant 0 : i32
        %dma_start3A_540 = tpu.memref_slice %arg11[%dma_start3A_536, %dma_start3A_538, %dma_start3A_539] : memref<4x16x1024xf32, #tpu.memory_space<vmem>> -> memref<1x16x1024xf32, #tpu.memory_space<vmem>>
        %dma_start3A_541 = tpu.memref_squeeze %dma_start3A_540 : memref<1x16x1024xf32, #tpu.memory_space<vmem>> -> memref<16x1024xf32, #tpu.memory_space<vmem>>
        %dma_start3A_542 = tpu.memref_slice %arg8[%mul3A_535] : memref<256xi32, #tpu.memory_space<vmem>> -> memref<16xi32, #tpu.memory_space<vmem>>
        %dma_start3A_543 = arith.constant 0 : i32
        %dma_start3A_544 = arith.constant 0 : i32
        %dma_start3A_545 = tpu.memref_slice %arg4[%dma_start3A_543, %dma_start3A_544] : memref<2048x1024xf32, #tpu.memory_space<hbm>> -> memref<2048x1024xf32, #tpu.memory_space<hbm>>
        %dma_start3A_546 = tpu.memref_slice %arg13[%dma_start3A_537] : memref<4x!tpu.dma_semaphore, #tpu.memory_space<semaphore_mem>> -> memref<1x!tpu.dma_semaphore, #tpu.memory_space<semaphore_mem>>
        %dma_start3A_547 = tpu.memref_squeeze %dma_start3A_546 : memref<1x!tpu.dma_semaphore, #tpu.memory_space<semaphore_mem>> -> memref<!tpu.dma_semaphore, #tpu.memory_space<semaphore_mem>>
        tpu.enqueue_indirect_dma source(%dma_start3A_545 : memref<2048x1024xf32, #tpu.memory_space<hbm>>) target(%dma_start3A_541 : memref<16x1024xf32, #tpu.memory_space<vmem>>) offsets(%dma_start3A_542 : memref<16xi32, #tpu.memory_space<vmem>>) semaphore(%dma_start3A_547 : memref<!tpu.dma_semaphore, #tpu.memory_space<semaphore_mem>>)
      } else {
      }
      %mul3A_469 = arith.constant 16 : i32
      %mul3A_470 = arith.muli %add3A_438, %mul3A_469 : i32
      %add3A_471 = arith.addi %mul3A_32, %mul3A_470 : i32
      %dma_wait3A_472 = arith.constant 1 : i32
      %dma_wait3A_473 = arith.constant 1 : i32
      %dma_wait3A_474 = arith.constant 0 : i32
      %dma_wait3A_475 = arith.constant 0 : i32
      %dma_wait3A_476 = tpu.memref_slice %arg10[%dma_wait3A_472, %dma_wait3A_474, %dma_wait3A_475] : memref<2x16x1024xf32, #tpu.memory_space<vmem>> -> memref<1x16x1024xf32, #tpu.memory_space<vmem>>
      %dma_wait3A_477 = tpu.memref_squeeze %dma_wait3A_476 : memref<1x16x1024xf32, #tpu.memory_space<vmem>> -> memref<16x1024xf32, #tpu.memory_space<vmem>>
      %dma_wait3A_478 = tpu.memref_slice %arg7[%add3A_471] : memref<2048xi32, #tpu.memory_space<vmem>> -> memref<16xi32, #tpu.memory_space<vmem>>
      %dma_wait3A_479 = arith.constant 0 : i32
      %dma_wait3A_480 = arith.constant 0 : i32
      %dma_wait3A_481 = tpu.memref_slice %arg3[%dma_wait3A_479, %dma_wait3A_480] : memref<50272x1024xf32, #tpu.memory_space<hbm>> -> memref<50272x1024xf32, #tpu.memory_space<hbm>>
      %dma_wait3A_482 = tpu.memref_slice %arg12[%dma_wait3A_473] : memref<2x!tpu.dma_semaphore, #tpu.memory_space<semaphore_mem>> -> memref<1x!tpu.dma_semaphore, #tpu.memory_space<semaphore_mem>>
      %dma_wait3A_483 = tpu.memref_squeeze %dma_wait3A_482 : memref<1x!tpu.dma_semaphore, #tpu.memory_space<semaphore_mem>> -> memref<!tpu.dma_semaphore, #tpu.memory_space<semaphore_mem>>
      tpu.wait_indirect_dma semaphore(%dma_wait3A_483 : memref<!tpu.dma_semaphore, #tpu.memory_space<semaphore_mem>>) src(%dma_wait3A_481 : memref<50272x1024xf32, #tpu.memory_space<hbm>>) dst(%dma_wait3A_477 : memref<16x1024xf32, #tpu.memory_space<vmem>>)
      %mul3A_484 = arith.constant 16 : i32
      %mul3A_485 = arith.muli %add3A_438, %mul3A_484 : i32
      %dma_wait3A_486 = arith.constant 3 : i32
      %dma_wait3A_487 = arith.constant 3 : i32
      %dma_wait3A_488 = arith.constant 0 : i32
      %dma_wait3A_489 = arith.constant 0 : i32
      %dma_wait3A_490 = tpu.memref_slice %arg11[%dma_wait3A_486, %dma_wait3A_488, %dma_wait3A_489] : memref<4x16x1024xf32, #tpu.memory_space<vmem>> -> memref<1x16x1024xf32, #tpu.memory_space<vmem>>
      %dma_wait3A_491 = tpu.memref_squeeze %dma_wait3A_490 : memref<1x16x1024xf32, #tpu.memory_space<vmem>> -> memref<16x1024xf32, #tpu.memory_space<vmem>>
      %dma_wait3A_492 = tpu.memref_slice %arg8[%mul3A_485] : memref<256xi32, #tpu.memory_space<vmem>> -> memref<16xi32, #tpu.memory_space<vmem>>
      %dma_wait3A_493 = arith.constant 0 : i32
      %dma_wait3A_494 = arith.constant 0 : i32
      %dma_wait3A_495 = tpu.memref_slice %arg4[%dma_wait3A_493, %dma_wait3A_494] : memref<2048x1024xf32, #tpu.memory_space<hbm>> -> memref<2048x1024xf32, #tpu.memory_space<hbm>>
      %dma_wait3A_496 = tpu.memref_slice %arg13[%dma_wait3A_487] : memref<4x!tpu.dma_semaphore, #tpu.memory_space<semaphore_mem>> -> memref<1x!tpu.dma_semaphore, #tpu.memory_space<semaphore_mem>>
      %dma_wait3A_497 = tpu.memref_squeeze %dma_wait3A_496 : memref<1x!tpu.dma_semaphore, #tpu.memory_space<semaphore_mem>> -> memref<!tpu.dma_semaphore, #tpu.memory_space<semaphore_mem>>
      tpu.wait_indirect_dma semaphore(%dma_wait3A_497 : memref<!tpu.dma_semaphore, #tpu.memory_space<semaphore_mem>>) src(%dma_wait3A_495 : memref<2048x1024xf32, #tpu.memory_space<hbm>>) dst(%dma_wait3A_491 : memref<16x1024xf32, #tpu.memory_space<vmem>>)
      %parallel_loop3A_498 = arith.constant 0 : i32
      %parallel_loop3A_499 = arith.constant 64 : i32
      %parallel_loop3A_500 = arith.constant 1 : i32
      %parallel_loop3A_501 = arith.constant 1 : i32
      %parallel_loop3A_502 = arith.constant 3 : i32
      scf.for %parallel_loop3A_532 = %parallel_loop3A_498 to %parallel_loop3A_499 step %parallel_loop3A_500  : i32 {
        %parallel_loop3A_533 = arith.constant 16 : i32
        %parallel_loop3A_534 = arith.muli %parallel_loop3A_532, %parallel_loop3A_533 : i32
        %parallel_loop3A_535 = arith.constant 0 : i32
        %parallel_loop3A_536 = arith.constant 0 : i32
        %parallel_loop3A_537 = arith.constant 0 : i32
        %parallel_loop3A_538 = tpu.memref_slice %arg10[%parallel_loop3A_501, %parallel_loop3A_536, %parallel_loop3A_537] : memref<2x16x1024xf32, #tpu.memory_space<vmem>> -> memref<1x16x1024xf32, #tpu.memory_space<vmem>>
        %parallel_loop3A_539 = tpu.memref_squeeze %parallel_loop3A_538 : memref<1x16x1024xf32, #tpu.memory_space<vmem>> -> memref<16x1024xf32, #tpu.memory_space<vmem>>
        %parallel_loop3A_540 = arith.index_cast %parallel_loop3A_535 : i32 to index
        %parallel_loop3A_541 = arith.index_cast %parallel_loop3A_534 : i32 to index
        %parallel_loop3A_542 = tpu.vector_load %parallel_loop3A_539[%parallel_loop3A_540, %parallel_loop3A_541] {strides = array<i32>} : memref<16x1024xf32, #tpu.memory_space<vmem>>, vector<16xf32>,
        %parallel_loop3A_543 = arith.constant 16 : i32
        %parallel_loop3A_544 = arith.muli %parallel_loop3A_532, %parallel_loop3A_543 : i32
        %parallel_loop3A_545 = arith.constant 0 : i32
        %parallel_loop3A_546 = arith.constant 0 : i32
        %parallel_loop3A_547 = arith.constant 0 : i32
        %parallel_loop3A_548 = tpu.memref_slice %arg11[%parallel_loop3A_502, %parallel_loop3A_546, %parallel_loop3A_547] : memref<4x16x1024xf32, #tpu.memory_space<vmem>> -> memref<1x16x1024xf32, #tpu.memory_space<vmem>>
        %parallel_loop3A_549 = tpu.memref_squeeze %parallel_loop3A_548 : memref<1x16x1024xf32, #tpu.memory_space<vmem>> -> memref<16x1024xf32, #tpu.memory_space<vmem>>
        %parallel_loop3A_550 = arith.index_cast %parallel_loop3A_545 : i32 to index
        %parallel_loop3A_551 = arith.index_cast %parallel_loop3A_544 : i32 to index
        %parallel_loop3A_552 = tpu.vector_load %parallel_loop3A_549[%parallel_loop3A_550, %parallel_loop3A_551] {strides = array<i32>} : memref<16x1024xf32, #tpu.memory_space<vmem>>, vector<16xf32>,
        tpu.vector_store %parallel_loop3A_549[%parallel_loop3A_550, %parallel_loop3A_551], %parallel_loop3A_542 {add = true, strides = array<i32>} : memref<16x1024xf32, #tpu.memory_space<vmem>>, vector<16xf32>,
        %parallel_loop3A_553 = arith.constant 16 : i32
        %parallel_loop3A_554 = arith.muli %parallel_loop3A_532, %parallel_loop3A_553 : i32
        %parallel_loop3A_555 = arith.constant 1 : i32
        %parallel_loop3A_556 = arith.constant 0 : i32
        %parallel_loop3A_557 = arith.constant 0 : i32
        %parallel_loop3A_558 = tpu.memref_slice %arg10[%parallel_loop3A_501, %parallel_loop3A_556, %parallel_loop3A_557] : memref<2x16x1024xf32, #tpu.memory_space<vmem>> -> memref<1x16x1024xf32, #tpu.memory_space<vmem>>
        %parallel_loop3A_559 = tpu.memref_squeeze %parallel_loop3A_558 : memref<1x16x1024xf32, #tpu.memory_space<vmem>> -> memref<16x1024xf32, #tpu.memory_space<vmem>>
        %parallel_loop3A_560 = arith.index_cast %parallel_loop3A_555 : i32 to index
        %parallel_loop3A_561 = arith.index_cast %parallel_loop3A_554 : i32 to index
        %parallel_loop3A_562 = tpu.vector_load %parallel_loop3A_559[%parallel_loop3A_560, %parallel_loop3A_561] {strides = array<i32>} : memref<16x1024xf32, #tpu.memory_space<vmem>>, vector<16xf32>,
        %parallel_loop3A_563 = arith.constant 16 : i32
        %parallel_loop3A_564 = arith.muli %parallel_loop3A_532, %parallel_loop3A_563 : i32
        %parallel_loop3A_565 = arith.constant 1 : i32
        %parallel_loop3A_566 = arith.constant 0 : i32
        %parallel_loop3A_567 = arith.constant 0 : i32
        %parallel_loop3A_568 = tpu.memref_slice %arg11[%parallel_loop3A_502, %parallel_loop3A_566, %parallel_loop3A_567] : memref<4x16x1024xf32, #tpu.memory_space<vmem>> -> memref<1x16x1024xf32, #tpu.memory_space<vmem>>
        %parallel_loop3A_569 = tpu.memref_squeeze %parallel_loop3A_568 : memref<1x16x1024xf32, #tpu.memory_space<vmem>> -> memref<16x1024xf32, #tpu.memory_space<vmem>>
        %parallel_loop3A_570 = arith.index_cast %parallel_loop3A_565 : i32 to index
        %parallel_loop3A_571 = arith.index_cast %parallel_loop3A_564 : i32 to index
        %parallel_loop3A_572 = tpu.vector_load %parallel_loop3A_569[%parallel_loop3A_570, %parallel_loop3A_571] {strides = array<i32>} : memref<16x1024xf32, #tpu.memory_space<vmem>>, vector<16xf32>,
        tpu.vector_store %parallel_loop3A_569[%parallel_loop3A_570, %parallel_loop3A_571], %parallel_loop3A_562 {add = true, strides = array<i32>} : memref<16x1024xf32, #tpu.memory_space<vmem>>, vector<16xf32>,
        %parallel_loop3A_573 = arith.constant 16 : i32
        %parallel_loop3A_574 = arith.muli %parallel_loop3A_532, %parallel_loop3A_573 : i32
        %parallel_loop3A_575 = arith.constant 2 : i32
        %parallel_loop3A_576 = arith.constant 0 : i32
        %parallel_loop3A_577 = arith.constant 0 : i32
        %parallel_loop3A_578 = tpu.memref_slice %arg10[%parallel_loop3A_501, %parallel_loop3A_576, %parallel_loop3A_577] : memref<2x16x1024xf32, #tpu.memory_space<vmem>> -> memref<1x16x1024xf32, #tpu.memory_space<vmem>>
        %parallel_loop3A_579 = tpu.memref_squeeze %parallel_loop3A_578 : memref<1x16x1024xf32, #tpu.memory_space<vmem>> -> memref<16x1024xf32, #tpu.memory_space<vmem>>
        %parallel_loop3A_580 = arith.index_cast %parallel_loop3A_575 : i32 to index
        %parallel_loop3A_581 = arith.index_cast %parallel_loop3A_574 : i32 to index
        %parallel_loop3A_582 = tpu.vector_load %parallel_loop3A_579[%parallel_loop3A_580, %parallel_loop3A_581] {strides = array<i32>} : memref<16x1024xf32, #tpu.memory_space<vmem>>, vector<16xf32>,
        %parallel_loop3A_583 = arith.constant 16 : i32
        %parallel_loop3A_584 = arith.muli %parallel_loop3A_532, %parallel_loop3A_583 : i32
        %parallel_loop3A_585 = arith.constant 2 : i32
        %parallel_loop3A_586 = arith.constant 0 : i32
        %parallel_loop3A_587 = arith.constant 0 : i32
        %parallel_loop3A_588 = tpu.memref_slice %arg11[%parallel_loop3A_502, %parallel_loop3A_586, %parallel_loop3A_587] : memref<4x16x1024xf32, #tpu.memory_space<vmem>> -> memref<1x16x1024xf32, #tpu.memory_space<vmem>>
        %parallel_loop3A_589 = tpu.memref_squeeze %parallel_loop3A_588 : memref<1x16x1024xf32, #tpu.memory_space<vmem>> -> memref<16x1024xf32, #tpu.memory_space<vmem>>
        %parallel_loop3A_590 = arith.index_cast %parallel_loop3A_585 : i32 to index
        %parallel_loop3A_591 = arith.index_cast %parallel_loop3A_584 : i32 to index
        %parallel_loop3A_592 = tpu.vector_load %parallel_loop3A_589[%parallel_loop3A_590, %parallel_loop3A_591] {strides = array<i32>} : memref<16x1024xf32, #tpu.memory_space<vmem>>, vector<16xf32>,
        tpu.vector_store %parallel_loop3A_589[%parallel_loop3A_590, %parallel_loop3A_591], %parallel_loop3A_582 {add = true, strides = array<i32>} : memref<16x1024xf32, #tpu.memory_space<vmem>>, vector<16xf32>,
        %parallel_loop3A_593 = arith.constant 16 : i32
        %parallel_loop3A_594 = arith.muli %parallel_loop3A_532, %parallel_loop3A_593 : i32
        %parallel_loop3A_595 = arith.constant 3 : i32
        %parallel_loop3A_596 = arith.constant 0 : i32
        %parallel_loop3A_597 = arith.constant 0 : i32
        %parallel_loop3A_598 = tpu.memref_slice %arg10[%parallel_loop3A_501, %parallel_loop3A_596, %parallel_loop3A_597] : memref<2x16x1024xf32, #tpu.memory_space<vmem>> -> memref<1x16x1024xf32, #tpu.memory_space<vmem>>
        %parallel_loop3A_599 = tpu.memref_squeeze %parallel_loop3A_598 : memref<1x16x1024xf32, #tpu.memory_space<vmem>> -> memref<16x1024xf32, #tpu.memory_space<vmem>>
        %parallel_loop3A_600 = arith.index_cast %parallel_loop3A_595 : i32 to index
        %parallel_loop3A_601 = arith.index_cast %parallel_loop3A_594 : i32 to index
        %parallel_loop3A_602 = tpu.vector_load %parallel_loop3A_599[%parallel_loop3A_600, %parallel_loop3A_601] {strides = array<i32>} : memref<16x1024xf32, #tpu.memory_space<vmem>>, vector<16xf32>,
        %parallel_loop3A_603 = arith.constant 16 : i32
        %parallel_loop3A_604 = arith.muli %parallel_loop3A_532, %parallel_loop3A_603 : i32
        %parallel_loop3A_605 = arith.constant 3 : i32
        %parallel_loop3A_606 = arith.constant 0 : i32
        %parallel_loop3A_607 = arith.constant 0 : i32
        %parallel_loop3A_608 = tpu.memref_slice %arg11[%parallel_loop3A_502, %parallel_loop3A_606, %parallel_loop3A_607] : memref<4x16x1024xf32, #tpu.memory_space<vmem>> -> memref<1x16x1024xf32, #tpu.memory_space<vmem>>
        %parallel_loop3A_609 = tpu.memref_squeeze %parallel_loop3A_608 : memref<1x16x1024xf32, #tpu.memory_space<vmem>> -> memref<16x1024xf32, #tpu.memory_space<vmem>>
        %parallel_loop3A_610 = arith.index_cast %parallel_loop3A_605 : i32 to index
        %parallel_loop3A_611 = arith.index_cast %parallel_loop3A_604 : i32 to index
        %parallel_loop3A_612 = tpu.vector_load %parallel_loop3A_609[%parallel_loop3A_610, %parallel_loop3A_611] {strides = array<i32>} : memref<16x1024xf32, #tpu.memory_space<vmem>>, vector<16xf32>,
        tpu.vector_store %parallel_loop3A_609[%parallel_loop3A_610, %parallel_loop3A_611], %parallel_loop3A_602 {add = true, strides = array<i32>} : memref<16x1024xf32, #tpu.memory_space<vmem>>, vector<16xf32>,
        %parallel_loop3A_613 = arith.constant 16 : i32
        %parallel_loop3A_614 = arith.muli %parallel_loop3A_532, %parallel_loop3A_613 : i32
        %parallel_loop3A_615 = arith.constant 4 : i32
        %parallel_loop3A_616 = arith.constant 0 : i32
        %parallel_loop3A_617 = arith.constant 0 : i32
        %parallel_loop3A_618 = tpu.memref_slice %arg10[%parallel_loop3A_501, %parallel_loop3A_616, %parallel_loop3A_617] : memref<2x16x1024xf32, #tpu.memory_space<vmem>> -> memref<1x16x1024xf32, #tpu.memory_space<vmem>>
        %parallel_loop3A_619 = tpu.memref_squeeze %parallel_loop3A_618 : memref<1x16x1024xf32, #tpu.memory_space<vmem>> -> memref<16x1024xf32, #tpu.memory_space<vmem>>
        %parallel_loop3A_620 = arith.index_cast %parallel_loop3A_615 : i32 to index
        %parallel_loop3A_621 = arith.index_cast %parallel_loop3A_614 : i32 to index
        %parallel_loop3A_622 = tpu.vector_load %parallel_loop3A_619[%parallel_loop3A_620, %parallel_loop3A_621] {strides = array<i32>} : memref<16x1024xf32, #tpu.memory_space<vmem>>, vector<16xf32>,
        %parallel_loop3A_623 = arith.constant 16 : i32
        %parallel_loop3A_624 = arith.muli %parallel_loop3A_532, %parallel_loop3A_623 : i32
        %parallel_loop3A_625 = arith.constant 4 : i32
        %parallel_loop3A_626 = arith.constant 0 : i32
        %parallel_loop3A_627 = arith.constant 0 : i32
        %parallel_loop3A_628 = tpu.memref_slice %arg11[%parallel_loop3A_502, %parallel_loop3A_626, %parallel_loop3A_627] : memref<4x16x1024xf32, #tpu.memory_space<vmem>> -> memref<1x16x1024xf32, #tpu.memory_space<vmem>>
        %parallel_loop3A_629 = tpu.memref_squeeze %parallel_loop3A_628 : memref<1x16x1024xf32, #tpu.memory_space<vmem>> -> memref<16x1024xf32, #tpu.memory_space<vmem>>
        %parallel_loop3A_630 = arith.index_cast %parallel_loop3A_625 : i32 to index
        %parallel_loop3A_631 = arith.index_cast %parallel_loop3A_624 : i32 to index
        %parallel_loop3A_632 = tpu.vector_load %parallel_loop3A_629[%parallel_loop3A_630, %parallel_loop3A_631] {strides = array<i32>} : memref<16x1024xf32, #tpu.memory_space<vmem>>, vector<16xf32>,
        tpu.vector_store %parallel_loop3A_629[%parallel_loop3A_630, %parallel_loop3A_631], %parallel_loop3A_622 {add = true, strides = array<i32>} : memref<16x1024xf32, #tpu.memory_space<vmem>>, vector<16xf32>,
        %parallel_loop3A_633 = arith.constant 16 : i32
        %parallel_loop3A_634 = arith.muli %parallel_loop3A_532, %parallel_loop3A_633 : i32
        %parallel_loop3A_635 = arith.constant 5 : i32
        %parallel_loop3A_636 = arith.constant 0 : i32
        %parallel_loop3A_637 = arith.constant 0 : i32
        %parallel_loop3A_638 = tpu.memref_slice %arg10[%parallel_loop3A_501, %parallel_loop3A_636, %parallel_loop3A_637] : memref<2x16x1024xf32, #tpu.memory_space<vmem>> -> memref<1x16x1024xf32, #tpu.memory_space<vmem>>
        %parallel_loop3A_639 = tpu.memref_squeeze %parallel_loop3A_638 : memref<1x16x1024xf32, #tpu.memory_space<vmem>> -> memref<16x1024xf32, #tpu.memory_space<vmem>>
        %parallel_loop3A_640 = arith.index_cast %parallel_loop3A_635 : i32 to index
        %parallel_loop3A_641 = arith.index_cast %parallel_loop3A_634 : i32 to index
        %parallel_loop3A_642 = tpu.vector_load %parallel_loop3A_639[%parallel_loop3A_640, %parallel_loop3A_641] {strides = array<i32>} : memref<16x1024xf32, #tpu.memory_space<vmem>>, vector<16xf32>,
        %parallel_loop3A_643 = arith.constant 16 : i32
        %parallel_loop3A_644 = arith.muli %parallel_loop3A_532, %parallel_loop3A_643 : i32
        %parallel_loop3A_645 = arith.constant 5 : i32
        %parallel_loop3A_646 = arith.constant 0 : i32
        %parallel_loop3A_647 = arith.constant 0 : i32
        %parallel_loop3A_648 = tpu.memref_slice %arg11[%parallel_loop3A_502, %parallel_loop3A_646, %parallel_loop3A_647] : memref<4x16x1024xf32, #tpu.memory_space<vmem>> -> memref<1x16x1024xf32, #tpu.memory_space<vmem>>
        %parallel_loop3A_649 = tpu.memref_squeeze %parallel_loop3A_648 : memref<1x16x1024xf32, #tpu.memory_space<vmem>> -> memref<16x1024xf32, #tpu.memory_space<vmem>>
        %parallel_loop3A_650 = arith.index_cast %parallel_loop3A_645 : i32 to index
        %parallel_loop3A_651 = arith.index_cast %parallel_loop3A_644 : i32 to index
        %parallel_loop3A_652 = tpu.vector_load %parallel_loop3A_649[%parallel_loop3A_650, %parallel_loop3A_651] {strides = array<i32>} : memref<16x1024xf32, #tpu.memory_space<vmem>>, vector<16xf32>,
        tpu.vector_store %parallel_loop3A_649[%parallel_loop3A_650, %parallel_loop3A_651], %parallel_loop3A_642 {add = true, strides = array<i32>} : memref<16x1024xf32, #tpu.memory_space<vmem>>, vector<16xf32>,
        %parallel_loop3A_653 = arith.constant 16 : i32
        %parallel_loop3A_654 = arith.muli %parallel_loop3A_532, %parallel_loop3A_653 : i32
        %parallel_loop3A_655 = arith.constant 6 : i32
        %parallel_loop3A_656 = arith.constant 0 : i32
        %parallel_loop3A_657 = arith.constant 0 : i32
        %parallel_loop3A_658 = tpu.memref_slice %arg10[%parallel_loop3A_501, %parallel_loop3A_656, %parallel_loop3A_657] : memref<2x16x1024xf32, #tpu.memory_space<vmem>> -> memref<1x16x1024xf32, #tpu.memory_space<vmem>>
        %parallel_loop3A_659 = tpu.memref_squeeze %parallel_loop3A_658 : memref<1x16x1024xf32, #tpu.memory_space<vmem>> -> memref<16x1024xf32, #tpu.memory_space<vmem>>
        %parallel_loop3A_660 = arith.index_cast %parallel_loop3A_655 : i32 to index
        %parallel_loop3A_661 = arith.index_cast %parallel_loop3A_654 : i32 to index
        %parallel_loop3A_662 = tpu.vector_load %parallel_loop3A_659[%parallel_loop3A_660, %parallel_loop3A_661] {strides = array<i32>} : memref<16x1024xf32, #tpu.memory_space<vmem>>, vector<16xf32>,
        %parallel_loop3A_663 = arith.constant 16 : i32
        %parallel_loop3A_664 = arith.muli %parallel_loop3A_532, %parallel_loop3A_663 : i32
        %parallel_loop3A_665 = arith.constant 6 : i32
        %parallel_loop3A_666 = arith.constant 0 : i32
        %parallel_loop3A_667 = arith.constant 0 : i32
        %parallel_loop3A_668 = tpu.memref_slice %arg11[%parallel_loop3A_502, %parallel_loop3A_666, %parallel_loop3A_667] : memref<4x16x1024xf32, #tpu.memory_space<vmem>> -> memref<1x16x1024xf32, #tpu.memory_space<vmem>>
        %parallel_loop3A_669 = tpu.memref_squeeze %parallel_loop3A_668 : memref<1x16x1024xf32, #tpu.memory_space<vmem>> -> memref<16x1024xf32, #tpu.memory_space<vmem>>
        %parallel_loop3A_670 = arith.index_cast %parallel_loop3A_665 : i32 to index
        %parallel_loop3A_671 = arith.index_cast %parallel_loop3A_664 : i32 to index
        %parallel_loop3A_672 = tpu.vector_load %parallel_loop3A_669[%parallel_loop3A_670, %parallel_loop3A_671] {strides = array<i32>} : memref<16x1024xf32, #tpu.memory_space<vmem>>, vector<16xf32>,
        tpu.vector_store %parallel_loop3A_669[%parallel_loop3A_670, %parallel_loop3A_671], %parallel_loop3A_662 {add = true, strides = array<i32>} : memref<16x1024xf32, #tpu.memory_space<vmem>>, vector<16xf32>,
        %parallel_loop3A_673 = arith.constant 16 : i32
        %parallel_loop3A_674 = arith.muli %parallel_loop3A_532, %parallel_loop3A_673 : i32
        %parallel_loop3A_675 = arith.constant 7 : i32
        %parallel_loop3A_676 = arith.constant 0 : i32
        %parallel_loop3A_677 = arith.constant 0 : i32
        %parallel_loop3A_678 = tpu.memref_slice %arg10[%parallel_loop3A_501, %parallel_loop3A_676, %parallel_loop3A_677] : memref<2x16x1024xf32, #tpu.memory_space<vmem>> -> memref<1x16x1024xf32, #tpu.memory_space<vmem>>
        %parallel_loop3A_679 = tpu.memref_squeeze %parallel_loop3A_678 : memref<1x16x1024xf32, #tpu.memory_space<vmem>> -> memref<16x1024xf32, #tpu.memory_space<vmem>>
        %parallel_loop3A_680 = arith.index_cast %parallel_loop3A_675 : i32 to index
        %parallel_loop3A_681 = arith.index_cast %parallel_loop3A_674 : i32 to index
        %parallel_loop3A_682 = tpu.vector_load %parallel_loop3A_679[%parallel_loop3A_680, %parallel_loop3A_681] {strides = array<i32>} : memref<16x1024xf32, #tpu.memory_space<vmem>>, vector<16xf32>,
        %parallel_loop3A_683 = arith.constant 16 : i32
        %parallel_loop3A_684 = arith.muli %parallel_loop3A_532, %parallel_loop3A_683 : i32
        %parallel_loop3A_685 = arith.constant 7 : i32
        %parallel_loop3A_686 = arith.constant 0 : i32
        %parallel_loop3A_687 = arith.constant 0 : i32
        %parallel_loop3A_688 = tpu.memref_slice %arg11[%parallel_loop3A_502, %parallel_loop3A_686, %parallel_loop3A_687] : memref<4x16x1024xf32, #tpu.memory_space<vmem>> -> memref<1x16x1024xf32, #tpu.memory_space<vmem>>
        %parallel_loop3A_689 = tpu.memref_squeeze %parallel_loop3A_688 : memref<1x16x1024xf32, #tpu.memory_space<vmem>> -> memref<16x1024xf32, #tpu.memory_space<vmem>>
        %parallel_loop3A_690 = arith.index_cast %parallel_loop3A_685 : i32 to index
        %parallel_loop3A_691 = arith.index_cast %parallel_loop3A_684 : i32 to index
        %parallel_loop3A_692 = tpu.vector_load %parallel_loop3A_689[%parallel_loop3A_690, %parallel_loop3A_691] {strides = array<i32>} : memref<16x1024xf32, #tpu.memory_space<vmem>>, vector<16xf32>,
        tpu.vector_store %parallel_loop3A_689[%parallel_loop3A_690, %parallel_loop3A_691], %parallel_loop3A_682 {add = true, strides = array<i32>} : memref<16x1024xf32, #tpu.memory_space<vmem>>, vector<16xf32>,
        %parallel_loop3A_693 = arith.constant 16 : i32
        %parallel_loop3A_694 = arith.muli %parallel_loop3A_532, %parallel_loop3A_693 : i32
        %parallel_loop3A_695 = arith.constant 8 : i32
        %parallel_loop3A_696 = arith.constant 0 : i32
        %parallel_loop3A_697 = arith.constant 0 : i32
        %parallel_loop3A_698 = tpu.memref_slice %arg10[%parallel_loop3A_501, %parallel_loop3A_696, %parallel_loop3A_697] : memref<2x16x1024xf32, #tpu.memory_space<vmem>> -> memref<1x16x1024xf32, #tpu.memory_space<vmem>>
        %parallel_loop3A_699 = tpu.memref_squeeze %parallel_loop3A_698 : memref<1x16x1024xf32, #tpu.memory_space<vmem>> -> memref<16x1024xf32, #tpu.memory_space<vmem>>
        %parallel_loop3A_700 = arith.index_cast %parallel_loop3A_695 : i32 to index
        %parallel_loop3A_701 = arith.index_cast %parallel_loop3A_694 : i32 to index
        %parallel_loop3A_702 = tpu.vector_load %parallel_loop3A_699[%parallel_loop3A_700, %parallel_loop3A_701] {strides = array<i32>} : memref<16x1024xf32, #tpu.memory_space<vmem>>, vector<16xf32>,
        %parallel_loop3A_703 = arith.constant 16 : i32
        %parallel_loop3A_704 = arith.muli %parallel_loop3A_532, %parallel_loop3A_703 : i32
        %parallel_loop3A_705 = arith.constant 8 : i32
        %parallel_loop3A_706 = arith.constant 0 : i32
        %parallel_loop3A_707 = arith.constant 0 : i32
        %parallel_loop3A_708 = tpu.memref_slice %arg11[%parallel_loop3A_502, %parallel_loop3A_706, %parallel_loop3A_707] : memref<4x16x1024xf32, #tpu.memory_space<vmem>> -> memref<1x16x1024xf32, #tpu.memory_space<vmem>>
        %parallel_loop3A_709 = tpu.memref_squeeze %parallel_loop3A_708 : memref<1x16x1024xf32, #tpu.memory_space<vmem>> -> memref<16x1024xf32, #tpu.memory_space<vmem>>
        %parallel_loop3A_710 = arith.index_cast %parallel_loop3A_705 : i32 to index
        %parallel_loop3A_711 = arith.index_cast %parallel_loop3A_704 : i32 to index
        %parallel_loop3A_712 = tpu.vector_load %parallel_loop3A_709[%parallel_loop3A_710, %parallel_loop3A_711] {strides = array<i32>} : memref<16x1024xf32, #tpu.memory_space<vmem>>, vector<16xf32>,
        tpu.vector_store %parallel_loop3A_709[%parallel_loop3A_710, %parallel_loop3A_711], %parallel_loop3A_702 {add = true, strides = array<i32>} : memref<16x1024xf32, #tpu.memory_space<vmem>>, vector<16xf32>,
        %parallel_loop3A_713 = arith.constant 16 : i32
        %parallel_loop3A_714 = arith.muli %parallel_loop3A_532, %parallel_loop3A_713 : i32
        %parallel_loop3A_715 = arith.constant 9 : i32
        %parallel_loop3A_716 = arith.constant 0 : i32
        %parallel_loop3A_717 = arith.constant 0 : i32
        %parallel_loop3A_718 = tpu.memref_slice %arg10[%parallel_loop3A_501, %parallel_loop3A_716, %parallel_loop3A_717] : memref<2x16x1024xf32, #tpu.memory_space<vmem>> -> memref<1x16x1024xf32, #tpu.memory_space<vmem>>
        %parallel_loop3A_719 = tpu.memref_squeeze %parallel_loop3A_718 : memref<1x16x1024xf32, #tpu.memory_space<vmem>> -> memref<16x1024xf32, #tpu.memory_space<vmem>>
        %parallel_loop3A_720 = arith.index_cast %parallel_loop3A_715 : i32 to index
        %parallel_loop3A_721 = arith.index_cast %parallel_loop3A_714 : i32 to index
        %parallel_loop3A_722 = tpu.vector_load %parallel_loop3A_719[%parallel_loop3A_720, %parallel_loop3A_721] {strides = array<i32>} : memref<16x1024xf32, #tpu.memory_space<vmem>>, vector<16xf32>,
        %parallel_loop3A_723 = arith.constant 16 : i32
        %parallel_loop3A_724 = arith.muli %parallel_loop3A_532, %parallel_loop3A_723 : i32
        %parallel_loop3A_725 = arith.constant 9 : i32
        %parallel_loop3A_726 = arith.constant 0 : i32
        %parallel_loop3A_727 = arith.constant 0 : i32
        %parallel_loop3A_728 = tpu.memref_slice %arg11[%parallel_loop3A_502, %parallel_loop3A_726, %parallel_loop3A_727] : memref<4x16x1024xf32, #tpu.memory_space<vmem>> -> memref<1x16x1024xf32, #tpu.memory_space<vmem>>
        %parallel_loop3A_729 = tpu.memref_squeeze %parallel_loop3A_728 : memref<1x16x1024xf32, #tpu.memory_space<vmem>> -> memref<16x1024xf32, #tpu.memory_space<vmem>>
        %parallel_loop3A_730 = arith.index_cast %parallel_loop3A_725 : i32 to index
        %parallel_loop3A_731 = arith.index_cast %parallel_loop3A_724 : i32 to index
        %parallel_loop3A_732 = tpu.vector_load %parallel_loop3A_729[%parallel_loop3A_730, %parallel_loop3A_731] {strides = array<i32>} : memref<16x1024xf32, #tpu.memory_space<vmem>>, vector<16xf32>,
        tpu.vector_store %parallel_loop3A_729[%parallel_loop3A_730, %parallel_loop3A_731], %parallel_loop3A_722 {add = true, strides = array<i32>} : memref<16x1024xf32, #tpu.memory_space<vmem>>, vector<16xf32>,
        %parallel_loop3A_733 = arith.constant 16 : i32
        %parallel_loop3A_734 = arith.muli %parallel_loop3A_532, %parallel_loop3A_733 : i32
        %parallel_loop3A_735 = arith.constant 10 : i32
        %parallel_loop3A_736 = arith.constant 0 : i32
        %parallel_loop3A_737 = arith.constant 0 : i32
        %parallel_loop3A_738 = tpu.memref_slice %arg10[%parallel_loop3A_501, %parallel_loop3A_736, %parallel_loop3A_737] : memref<2x16x1024xf32, #tpu.memory_space<vmem>> -> memref<1x16x1024xf32, #tpu.memory_space<vmem>>
        %parallel_loop3A_739 = tpu.memref_squeeze %parallel_loop3A_738 : memref<1x16x1024xf32, #tpu.memory_space<vmem>> -> memref<16x1024xf32, #tpu.memory_space<vmem>>
        %parallel_loop3A_740 = arith.index_cast %parallel_loop3A_735 : i32 to index
        %parallel_loop3A_741 = arith.index_cast %parallel_loop3A_734 : i32 to index
        %parallel_loop3A_742 = tpu.vector_load %parallel_loop3A_739[%parallel_loop3A_740, %parallel_loop3A_741] {strides = array<i32>} : memref<16x1024xf32, #tpu.memory_space<vmem>>, vector<16xf32>,
        %parallel_loop3A_743 = arith.constant 16 : i32
        %parallel_loop3A_744 = arith.muli %parallel_loop3A_532, %parallel_loop3A_743 : i32
        %parallel_loop3A_745 = arith.constant 10 : i32
        %parallel_loop3A_746 = arith.constant 0 : i32
        %parallel_loop3A_747 = arith.constant 0 : i32
        %parallel_loop3A_748 = tpu.memref_slice %arg11[%parallel_loop3A_502, %parallel_loop3A_746, %parallel_loop3A_747] : memref<4x16x1024xf32, #tpu.memory_space<vmem>> -> memref<1x16x1024xf32, #tpu.memory_space<vmem>>
        %parallel_loop3A_749 = tpu.memref_squeeze %parallel_loop3A_748 : memref<1x16x1024xf32, #tpu.memory_space<vmem>> -> memref<16x1024xf32, #tpu.memory_space<vmem>>
        %parallel_loop3A_750 = arith.index_cast %parallel_loop3A_745 : i32 to index
        %parallel_loop3A_751 = arith.index_cast %parallel_loop3A_744 : i32 to index
        %parallel_loop3A_752 = tpu.vector_load %parallel_loop3A_749[%parallel_loop3A_750, %parallel_loop3A_751] {strides = array<i32>} : memref<16x1024xf32, #tpu.memory_space<vmem>>, vector<16xf32>,
        tpu.vector_store %parallel_loop3A_749[%parallel_loop3A_750, %parallel_loop3A_751], %parallel_loop3A_742 {add = true, strides = array<i32>} : memref<16x1024xf32, #tpu.memory_space<vmem>>, vector<16xf32>,
        %parallel_loop3A_753 = arith.constant 16 : i32
        %parallel_loop3A_754 = arith.muli %parallel_loop3A_532, %parallel_loop3A_753 : i32
        %parallel_loop3A_755 = arith.constant 11 : i32
        %parallel_loop3A_756 = arith.constant 0 : i32
        %parallel_loop3A_757 = arith.constant 0 : i32
        %parallel_loop3A_758 = tpu.memref_slice %arg10[%parallel_loop3A_501, %parallel_loop3A_756, %parallel_loop3A_757] : memref<2x16x1024xf32, #tpu.memory_space<vmem>> -> memref<1x16x1024xf32, #tpu.memory_space<vmem>>
        %parallel_loop3A_759 = tpu.memref_squeeze %parallel_loop3A_758 : memref<1x16x1024xf32, #tpu.memory_space<vmem>> -> memref<16x1024xf32, #tpu.memory_space<vmem>>
        %parallel_loop3A_760 = arith.index_cast %parallel_loop3A_755 : i32 to index
        %parallel_loop3A_761 = arith.index_cast %parallel_loop3A_754 : i32 to index
        %parallel_loop3A_762 = tpu.vector_load %parallel_loop3A_759[%parallel_loop3A_760, %parallel_loop3A_761] {strides = array<i32>} : memref<16x1024xf32, #tpu.memory_space<vmem>>, vector<16xf32>,
        %parallel_loop3A_763 = arith.constant 16 : i32
        %parallel_loop3A_764 = arith.muli %parallel_loop3A_532, %parallel_loop3A_763 : i32
        %parallel_loop3A_765 = arith.constant 11 : i32
        %parallel_loop3A_766 = arith.constant 0 : i32
        %parallel_loop3A_767 = arith.constant 0 : i32
        %parallel_loop3A_768 = tpu.memref_slice %arg11[%parallel_loop3A_502, %parallel_loop3A_766, %parallel_loop3A_767] : memref<4x16x1024xf32, #tpu.memory_space<vmem>> -> memref<1x16x1024xf32, #tpu.memory_space<vmem>>
        %parallel_loop3A_769 = tpu.memref_squeeze %parallel_loop3A_768 : memref<1x16x1024xf32, #tpu.memory_space<vmem>> -> memref<16x1024xf32, #tpu.memory_space<vmem>>
        %parallel_loop3A_770 = arith.index_cast %parallel_loop3A_765 : i32 to index
        %parallel_loop3A_771 = arith.index_cast %parallel_loop3A_764 : i32 to index
        %parallel_loop3A_772 = tpu.vector_load %parallel_loop3A_769[%parallel_loop3A_770, %parallel_loop3A_771] {strides = array<i32>} : memref<16x1024xf32, #tpu.memory_space<vmem>>, vector<16xf32>,
        tpu.vector_store %parallel_loop3A_769[%parallel_loop3A_770, %parallel_loop3A_771], %parallel_loop3A_762 {add = true, strides = array<i32>} : memref<16x1024xf32, #tpu.memory_space<vmem>>, vector<16xf32>,
        %parallel_loop3A_773 = arith.constant 16 : i32
        %parallel_loop3A_774 = arith.muli %parallel_loop3A_532, %parallel_loop3A_773 : i32
        %parallel_loop3A_775 = arith.constant 12 : i32
        %parallel_loop3A_776 = arith.constant 0 : i32
        %parallel_loop3A_777 = arith.constant 0 : i32
        %parallel_loop3A_778 = tpu.memref_slice %arg10[%parallel_loop3A_501, %parallel_loop3A_776, %parallel_loop3A_777] : memref<2x16x1024xf32, #tpu.memory_space<vmem>> -> memref<1x16x1024xf32, #tpu.memory_space<vmem>>
        %parallel_loop3A_779 = tpu.memref_squeeze %parallel_loop3A_778 : memref<1x16x1024xf32, #tpu.memory_space<vmem>> -> memref<16x1024xf32, #tpu.memory_space<vmem>>
        %parallel_loop3A_780 = arith.index_cast %parallel_loop3A_775 : i32 to index
        %parallel_loop3A_781 = arith.index_cast %parallel_loop3A_774 : i32 to index
        %parallel_loop3A_782 = tpu.vector_load %parallel_loop3A_779[%parallel_loop3A_780, %parallel_loop3A_781] {strides = array<i32>} : memref<16x1024xf32, #tpu.memory_space<vmem>>, vector<16xf32>,
        %parallel_loop3A_783 = arith.constant 16 : i32
        %parallel_loop3A_784 = arith.muli %parallel_loop3A_532, %parallel_loop3A_783 : i32
        %parallel_loop3A_785 = arith.constant 12 : i32
        %parallel_loop3A_786 = arith.constant 0 : i32
        %parallel_loop3A_787 = arith.constant 0 : i32
        %parallel_loop3A_788 = tpu.memref_slice %arg11[%parallel_loop3A_502, %parallel_loop3A_786, %parallel_loop3A_787] : memref<4x16x1024xf32, #tpu.memory_space<vmem>> -> memref<1x16x1024xf32, #tpu.memory_space<vmem>>
        %parallel_loop3A_789 = tpu.memref_squeeze %parallel_loop3A_788 : memref<1x16x1024xf32, #tpu.memory_space<vmem>> -> memref<16x1024xf32, #tpu.memory_space<vmem>>
        %parallel_loop3A_790 = arith.index_cast %parallel_loop3A_785 : i32 to index
        %parallel_loop3A_791 = arith.index_cast %parallel_loop3A_784 : i32 to index
        %parallel_loop3A_792 = tpu.vector_load %parallel_loop3A_789[%parallel_loop3A_790, %parallel_loop3A_791] {strides = array<i32>} : memref<16x1024xf32, #tpu.memory_space<vmem>>, vector<16xf32>,
        tpu.vector_store %parallel_loop3A_789[%parallel_loop3A_790, %parallel_loop3A_791], %parallel_loop3A_782 {add = true, strides = array<i32>} : memref<16x1024xf32, #tpu.memory_space<vmem>>, vector<16xf32>,
        %parallel_loop3A_793 = arith.constant 16 : i32
        %parallel_loop3A_794 = arith.muli %parallel_loop3A_532, %parallel_loop3A_793 : i32
        %parallel_loop3A_795 = arith.constant 13 : i32
        %parallel_loop3A_796 = arith.constant 0 : i32
        %parallel_loop3A_797 = arith.constant 0 : i32
        %parallel_loop3A_798 = tpu.memref_slice %arg10[%parallel_loop3A_501, %parallel_loop3A_796, %parallel_loop3A_797] : memref<2x16x1024xf32, #tpu.memory_space<vmem>> -> memref<1x16x1024xf32, #tpu.memory_space<vmem>>
        %parallel_loop3A_799 = tpu.memref_squeeze %parallel_loop3A_798 : memref<1x16x1024xf32, #tpu.memory_space<vmem>> -> memref<16x1024xf32, #tpu.memory_space<vmem>>
        %parallel_loop3A_800 = arith.index_cast %parallel_loop3A_795 : i32 to index
        %parallel_loop3A_801 = arith.index_cast %parallel_loop3A_794 : i32 to index
        %parallel_loop3A_802 = tpu.vector_load %parallel_loop3A_799[%parallel_loop3A_800, %parallel_loop3A_801] {strides = array<i32>} : memref<16x1024xf32, #tpu.memory_space<vmem>>, vector<16xf32>,
        %parallel_loop3A_803 = arith.constant 16 : i32
        %parallel_loop3A_804 = arith.muli %parallel_loop3A_532, %parallel_loop3A_803 : i32
        %parallel_loop3A_805 = arith.constant 13 : i32
        %parallel_loop3A_806 = arith.constant 0 : i32
        %parallel_loop3A_807 = arith.constant 0 : i32
        %parallel_loop3A_808 = tpu.memref_slice %arg11[%parallel_loop3A_502, %parallel_loop3A_806, %parallel_loop3A_807] : memref<4x16x1024xf32, #tpu.memory_space<vmem>> -> memref<1x16x1024xf32, #tpu.memory_space<vmem>>
        %parallel_loop3A_809 = tpu.memref_squeeze %parallel_loop3A_808 : memref<1x16x1024xf32, #tpu.memory_space<vmem>> -> memref<16x1024xf32, #tpu.memory_space<vmem>>
        %parallel_loop3A_810 = arith.index_cast %parallel_loop3A_805 : i32 to index
        %parallel_loop3A_811 = arith.index_cast %parallel_loop3A_804 : i32 to index
        %parallel_loop3A_812 = tpu.vector_load %parallel_loop3A_809[%parallel_loop3A_810, %parallel_loop3A_811] {strides = array<i32>} : memref<16x1024xf32, #tpu.memory_space<vmem>>, vector<16xf32>,
        tpu.vector_store %parallel_loop3A_809[%parallel_loop3A_810, %parallel_loop3A_811], %parallel_loop3A_802 {add = true, strides = array<i32>} : memref<16x1024xf32, #tpu.memory_space<vmem>>, vector<16xf32>,
        %parallel_loop3A_813 = arith.constant 16 : i32
        %parallel_loop3A_814 = arith.muli %parallel_loop3A_532, %parallel_loop3A_813 : i32
        %parallel_loop3A_815 = arith.constant 14 : i32
        %parallel_loop3A_816 = arith.constant 0 : i32
        %parallel_loop3A_817 = arith.constant 0 : i32
        %parallel_loop3A_818 = tpu.memref_slice %arg10[%parallel_loop3A_501, %parallel_loop3A_816, %parallel_loop3A_817] : memref<2x16x1024xf32, #tpu.memory_space<vmem>> -> memref<1x16x1024xf32, #tpu.memory_space<vmem>>
        %parallel_loop3A_819 = tpu.memref_squeeze %parallel_loop3A_818 : memref<1x16x1024xf32, #tpu.memory_space<vmem>> -> memref<16x1024xf32, #tpu.memory_space<vmem>>
        %parallel_loop3A_820 = arith.index_cast %parallel_loop3A_815 : i32 to index
        %parallel_loop3A_821 = arith.index_cast %parallel_loop3A_814 : i32 to index
        %parallel_loop3A_822 = tpu.vector_load %parallel_loop3A_819[%parallel_loop3A_820, %parallel_loop3A_821] {strides = array<i32>} : memref<16x1024xf32, #tpu.memory_space<vmem>>, vector<16xf32>,
        %parallel_loop3A_823 = arith.constant 16 : i32
        %parallel_loop3A_824 = arith.muli %parallel_loop3A_532, %parallel_loop3A_823 : i32
        %parallel_loop3A_825 = arith.constant 14 : i32
        %parallel_loop3A_826 = arith.constant 0 : i32
        %parallel_loop3A_827 = arith.constant 0 : i32
        %parallel_loop3A_828 = tpu.memref_slice %arg11[%parallel_loop3A_502, %parallel_loop3A_826, %parallel_loop3A_827] : memref<4x16x1024xf32, #tpu.memory_space<vmem>> -> memref<1x16x1024xf32, #tpu.memory_space<vmem>>
        %parallel_loop3A_829 = tpu.memref_squeeze %parallel_loop3A_828 : memref<1x16x1024xf32, #tpu.memory_space<vmem>> -> memref<16x1024xf32, #tpu.memory_space<vmem>>
        %parallel_loop3A_830 = arith.index_cast %parallel_loop3A_825 : i32 to index
        %parallel_loop3A_831 = arith.index_cast %parallel_loop3A_824 : i32 to index
        %parallel_loop3A_832 = tpu.vector_load %parallel_loop3A_829[%parallel_loop3A_830, %parallel_loop3A_831] {strides = array<i32>} : memref<16x1024xf32, #tpu.memory_space<vmem>>, vector<16xf32>,
        tpu.vector_store %parallel_loop3A_829[%parallel_loop3A_830, %parallel_loop3A_831], %parallel_loop3A_822 {add = true, strides = array<i32>} : memref<16x1024xf32, #tpu.memory_space<vmem>>, vector<16xf32>,
        %parallel_loop3A_833 = arith.constant 16 : i32
        %parallel_loop3A_834 = arith.muli %parallel_loop3A_532, %parallel_loop3A_833 : i32
        %parallel_loop3A_835 = arith.constant 15 : i32
        %parallel_loop3A_836 = arith.constant 0 : i32
        %parallel_loop3A_837 = arith.constant 0 : i32
        %parallel_loop3A_838 = tpu.memref_slice %arg10[%parallel_loop3A_501, %parallel_loop3A_836, %parallel_loop3A_837] : memref<2x16x1024xf32, #tpu.memory_space<vmem>> -> memref<1x16x1024xf32, #tpu.memory_space<vmem>>
        %parallel_loop3A_839 = tpu.memref_squeeze %parallel_loop3A_838 : memref<1x16x1024xf32, #tpu.memory_space<vmem>> -> memref<16x1024xf32, #tpu.memory_space<vmem>>
        %parallel_loop3A_840 = arith.index_cast %parallel_loop3A_835 : i32 to index
        %parallel_loop3A_841 = arith.index_cast %parallel_loop3A_834 : i32 to index
        %parallel_loop3A_842 = tpu.vector_load %parallel_loop3A_839[%parallel_loop3A_840, %parallel_loop3A_841] {strides = array<i32>} : memref<16x1024xf32, #tpu.memory_space<vmem>>, vector<16xf32>,
        %parallel_loop3A_843 = arith.constant 16 : i32
        %parallel_loop3A_844 = arith.muli %parallel_loop3A_532, %parallel_loop3A_843 : i32
        %parallel_loop3A_845 = arith.constant 15 : i32
        %parallel_loop3A_846 = arith.constant 0 : i32
        %parallel_loop3A_847 = arith.constant 0 : i32
        %parallel_loop3A_848 = tpu.memref_slice %arg11[%parallel_loop3A_502, %parallel_loop3A_846, %parallel_loop3A_847] : memref<4x16x1024xf32, #tpu.memory_space<vmem>> -> memref<1x16x1024xf32, #tpu.memory_space<vmem>>
        %parallel_loop3A_849 = tpu.memref_squeeze %parallel_loop3A_848 : memref<1x16x1024xf32, #tpu.memory_space<vmem>> -> memref<16x1024xf32, #tpu.memory_space<vmem>>
        %parallel_loop3A_850 = arith.index_cast %parallel_loop3A_845 : i32 to index
        %parallel_loop3A_851 = arith.index_cast %parallel_loop3A_844 : i32 to index
        %parallel_loop3A_852 = tpu.vector_load %parallel_loop3A_849[%parallel_loop3A_850, %parallel_loop3A_851] {strides = array<i32>} : memref<16x1024xf32, #tpu.memory_space<vmem>>, vector<16xf32>,
        tpu.vector_store %parallel_loop3A_849[%parallel_loop3A_850, %parallel_loop3A_851], %parallel_loop3A_842 {add = true, strides = array<i32>} : memref<16x1024xf32, #tpu.memory_space<vmem>>, vector<16xf32>,
      } {sc.loop_unroll_factor = 1 : i64, sc.parallel_access}
      %mul3A_503 = arith.constant 16 : i32
      %mul3A_504 = arith.muli %add3A_438, %mul3A_503 : i32
      %add3A_505 = arith.addi %mul3A_32, %mul3A_504 : i32
      %dma_start3A_506 = arith.constant 3 : i32
      %dma_start3A_507 = arith.constant 3 : i32
      %dma_start3A_508 = arith.constant 0 : i32
      %dma_start3A_509 = arith.constant 0 : i32
      %dma_start3A_510 = tpu.memref_slice %arg11[%dma_start3A_506, %dma_start3A_508, %dma_start3A_509] : memref<4x16x1024xf32, #tpu.memory_space<vmem>> -> memref<1x16x1024xf32, #tpu.memory_space<vmem>>
      %dma_start3A_511 = tpu.memref_squeeze %dma_start3A_510 : memref<1x16x1024xf32, #tpu.memory_space<vmem>> -> memref<16x1024xf32, #tpu.memory_space<vmem>>
      %dma_start3A_512 = arith.constant 0 : i32
      %dma_start3A_513 = tpu.memref_slice %arg5[%select_n3A, %add3A_505, %dma_start3A_512] : memref<4x2048x1024xf32, #tpu.memory_space<hbm>> -> memref<1x16x1024xf32, #tpu.memory_space<hbm>>
      %dma_start3A_514 = tpu.memref_squeeze %dma_start3A_513 : memref<1x16x1024xf32, #tpu.memory_space<hbm>> -> memref<16x1024xf32, #tpu.memory_space<hbm>>
      %dma_start3A_515 = tpu.memref_slice %arg14[%dma_start3A_507] : memref<4x!tpu.dma_semaphore, #tpu.memory_space<semaphore_mem>> -> memref<1x!tpu.dma_semaphore, #tpu.memory_space<semaphore_mem>>
      %dma_start3A_516 = tpu.memref_squeeze %dma_start3A_515 : memref<1x!tpu.dma_semaphore, #tpu.memory_space<semaphore_mem>> -> memref<!tpu.dma_semaphore, #tpu.memory_space<semaphore_mem>>
      %dma_start3A_517 = arith.constant 0 : i32
      %dma_start3A_518 = tpu.memref_slice %arg5[%select_n3A, %add3A_505, %dma_start3A_517] : memref<4x2048x1024xf32, #tpu.memory_space<hbm>> -> memref<1x16x1024xf32, #tpu.memory_space<hbm>>
      %dma_start3A_519 = tpu.memref_squeeze %dma_start3A_518 : memref<1x16x1024xf32, #tpu.memory_space<hbm>> -> memref<16x1024xf32, #tpu.memory_space<hbm>>
      %dma_start3A_520 = arith.constant 0 : i32
      %dma_start3A_521 = arith.constant 0 : i32
      %dma_start3A_522 = tpu.memref_slice %arg11[%dma_start3A_506, %dma_start3A_520, %dma_start3A_521] : memref<4x16x1024xf32, #tpu.memory_space<vmem>> -> memref<1x16x1024xf32, #tpu.memory_space<vmem>>
      %dma_start3A_523 = tpu.memref_squeeze %dma_start3A_522 : memref<1x16x1024xf32, #tpu.memory_space<vmem>> -> memref<16x1024xf32, #tpu.memory_space<vmem>>
      tpu.enqueue_dma source(%dma_start3A_523 : memref<16x1024xf32, #tpu.memory_space<vmem>>) target(%dma_start3A_519 : memref<16x1024xf32, #tpu.memory_space<hbm>>) target_semaphore(%dma_start3A_516 : memref<!tpu.dma_semaphore, #tpu.memory_space<semaphore_mem>>)
      %add3A_524 = arith.constant 2 : i32
      %add3A_525 = arith.addi %add3A_438, %add3A_524 : i32
      %lt3A_526 = arith.constant 16 : i32
      %lt3A_527 = arith.cmpi slt, %add3A_525, %lt3A_526 : i32
      %convert_element_type3A_528 = arith.extui %lt3A_527 : i1 to i32
      %cond3A_529 = arith.constant 0 : i32
      %cond3A_530 = arith.cmpi ne, %convert_element_type3A_528, %cond3A_529 : i32
      scf.if %cond3A_530 {
        %add3A_532 = arith.constant 2 : i32
        %add3A_533 = arith.addi %add3A_438, %add3A_532 : i32
        %mul3A_534 = arith.constant 16 : i32
        %mul3A_535 = arith.muli %add3A_533, %mul3A_534 : i32
        %add3A_536 = arith.addi %mul3A_32, %mul3A_535 : i32
        %dma_start3A_537 = arith.constant 1 : i32
        %dma_start3A_538 = arith.constant 1 : i32
        %dma_start3A_539 = arith.constant 0 : i32
        %dma_start3A_540 = arith.constant 0 : i32
        %dma_start3A_541 = tpu.memref_slice %arg10[%dma_start3A_537, %dma_start3A_539, %dma_start3A_540] : memref<2x16x1024xf32, #tpu.memory_space<vmem>> -> memref<1x16x1024xf32, #tpu.memory_space<vmem>>
        %dma_start3A_542 = tpu.memref_squeeze %dma_start3A_541 : memref<1x16x1024xf32, #tpu.memory_space<vmem>> -> memref<16x1024xf32, #tpu.memory_space<vmem>>
        %dma_start3A_543 = tpu.memref_slice %arg7[%add3A_536] : memref<2048xi32, #tpu.memory_space<vmem>> -> memref<16xi32, #tpu.memory_space<vmem>>
        %dma_start3A_544 = arith.constant 0 : i32
        %dma_start3A_545 = arith.constant 0 : i32
        %dma_start3A_546 = tpu.memref_slice %arg3[%dma_start3A_544, %dma_start3A_545] : memref<50272x1024xf32, #tpu.memory_space<hbm>> -> memref<50272x1024xf32, #tpu.memory_space<hbm>>
        %dma_start3A_547 = tpu.memref_slice %arg12[%dma_start3A_538] : memref<2x!tpu.dma_semaphore, #tpu.memory_space<semaphore_mem>> -> memref<1x!tpu.dma_semaphore, #tpu.memory_space<semaphore_mem>>
        %dma_start3A_548 = tpu.memref_squeeze %dma_start3A_547 : memref<1x!tpu.dma_semaphore, #tpu.memory_space<semaphore_mem>> -> memref<!tpu.dma_semaphore, #tpu.memory_space<semaphore_mem>>
        tpu.enqueue_indirect_dma source(%dma_start3A_546 : memref<50272x1024xf32, #tpu.memory_space<hbm>>) target(%dma_start3A_542 : memref<16x1024xf32, #tpu.memory_space<vmem>>) offsets(%dma_start3A_543 : memref<16xi32, #tpu.memory_space<vmem>>) semaphore(%dma_start3A_548 : memref<!tpu.dma_semaphore, #tpu.memory_space<semaphore_mem>>)
      } else {
      }
      %scan3A_531 = arith.constant 0 : i32
      scf.yield %scan3A_531 : i32
    }
    %scan3A_107 = arith.constant 4 : i32
    %add3A_108 = arith.constant 224 : i32
    %add3A_109 = arith.addi %mul3A_32, %add3A_108 : i32
    %dma_wait3A = arith.constant 2 : i32
    %dma_wait3A_110 = arith.constant 2 : i32
    %dma_wait3A_111 = arith.constant 0 : i32
    %dma_wait3A_112 = arith.constant 0 : i32
    %dma_wait3A_113 = tpu.memref_slice %arg11[%dma_wait3A, %dma_wait3A_111, %dma_wait3A_112] : memref<4x16x1024xf32, #tpu.memory_space<vmem>> -> memref<1x16x1024xf32, #tpu.memory_space<vmem>>
    %dma_wait3A_114 = tpu.memref_squeeze %dma_wait3A_113 : memref<1x16x1024xf32, #tpu.memory_space<vmem>> -> memref<16x1024xf32, #tpu.memory_space<vmem>>
    %dma_wait3A_115 = arith.constant 0 : i32
    %dma_wait3A_116 = tpu.memref_slice %arg5[%select_n3A, %add3A_109, %dma_wait3A_115] : memref<4x2048x1024xf32, #tpu.memory_space<hbm>> -> memref<1x16x1024xf32, #tpu.memory_space<hbm>>
    %dma_wait3A_117 = tpu.memref_squeeze %dma_wait3A_116 : memref<1x16x1024xf32, #tpu.memory_space<hbm>> -> memref<16x1024xf32, #tpu.memory_space<hbm>>
    %dma_wait3A_118 = tpu.memref_slice %arg14[%dma_wait3A_110] : memref<4x!tpu.dma_semaphore, #tpu.memory_space<semaphore_mem>> -> memref<1x!tpu.dma_semaphore, #tpu.memory_space<semaphore_mem>>
    %dma_wait3A_119 = tpu.memref_squeeze %dma_wait3A_118 : memref<1x!tpu.dma_semaphore, #tpu.memory_space<semaphore_mem>> -> memref<!tpu.dma_semaphore, #tpu.memory_space<semaphore_mem>>
    %dma_wait3A_120 = arith.constant 0 : i32
    %dma_wait3A_121 = tpu.memref_slice %arg5[%select_n3A, %add3A_109, %dma_wait3A_120] : memref<4x2048x1024xf32, #tpu.memory_space<hbm>> -> memref<1x16x1024xf32, #tpu.memory_space<hbm>>
    %dma_wait3A_122 = tpu.memref_squeeze %dma_wait3A_121 : memref<1x16x1024xf32, #tpu.memory_space<hbm>> -> memref<16x1024xf32, #tpu.memory_space<hbm>>
    %dma_wait3A_123 = arith.constant 0 : i32
    %dma_wait3A_124 = arith.constant 0 : i32
    %dma_wait3A_125 = tpu.memref_slice %arg11[%dma_wait3A, %dma_wait3A_123, %dma_wait3A_124] : memref<4x16x1024xf32, #tpu.memory_space<vmem>> -> memref<1x16x1024xf32, #tpu.memory_space<vmem>>
    %dma_wait3A_126 = tpu.memref_squeeze %dma_wait3A_125 : memref<1x16x1024xf32, #tpu.memory_space<vmem>> -> memref<16x1024xf32, #tpu.memory_space<vmem>>
    tpu.wait_dma2 semaphore(%dma_wait3A_119 : memref<!tpu.dma_semaphore, #tpu.memory_space<semaphore_mem>>) src(%dma_wait3A_126 : memref<16x1024xf32, #tpu.memory_space<vmem>>) dst(%dma_wait3A_122 : memref<16x1024xf32, #tpu.memory_space<hbm>>)
    %add3A_127 = arith.constant 240 : i32
    %add3A_128 = arith.addi %mul3A_32, %add3A_127 : i32
    %dma_wait3A_129 = arith.constant 3 : i32
    %dma_wait3A_130 = arith.constant 3 : i32
    %dma_wait3A_131 = arith.constant 0 : i32
    %dma_wait3A_132 = arith.constant 0 : i32
    %dma_wait3A_133 = tpu.memref_slice %arg11[%dma_wait3A_129, %dma_wait3A_131, %dma_wait3A_132] : memref<4x16x1024xf32, #tpu.memory_space<vmem>> -> memref<1x16x1024xf32, #tpu.memory_space<vmem>>
    %dma_wait3A_134 = tpu.memref_squeeze %dma_wait3A_133 : memref<1x16x1024xf32, #tpu.memory_space<vmem>> -> memref<16x1024xf32, #tpu.memory_space<vmem>>
    %dma_wait3A_135 = arith.constant 0 : i32
    %dma_wait3A_136 = tpu.memref_slice %arg5[%select_n3A, %add3A_128, %dma_wait3A_135] : memref<4x2048x1024xf32, #tpu.memory_space<hbm>> -> memref<1x16x1024xf32, #tpu.memory_space<hbm>>
    %dma_wait3A_137 = tpu.memref_squeeze %dma_wait3A_136 : memref<1x16x1024xf32, #tpu.memory_space<hbm>> -> memref<16x1024xf32, #tpu.memory_space<hbm>>
    %dma_wait3A_138 = tpu.memref_slice %arg14[%dma_wait3A_130] : memref<4x!tpu.dma_semaphore, #tpu.memory_space<semaphore_mem>> -> memref<1x!tpu.dma_semaphore, #tpu.memory_space<semaphore_mem>>
    %dma_wait3A_139 = tpu.memref_squeeze %dma_wait3A_138 : memref<1x!tpu.dma_semaphore, #tpu.memory_space<semaphore_mem>> -> memref<!tpu.dma_semaphore, #tpu.memory_space<semaphore_mem>>
    %dma_wait3A_140 = arith.constant 0 : i32
    %dma_wait3A_141 = tpu.memref_slice %arg5[%select_n3A, %add3A_128, %dma_wait3A_140] : memref<4x2048x1024xf32, #tpu.memory_space<hbm>> -> memref<1x16x1024xf32, #tpu.memory_space<hbm>>
    %dma_wait3A_142 = tpu.memref_squeeze %dma_wait3A_141 : memref<1x16x1024xf32, #tpu.memory_space<hbm>> -> memref<16x1024xf32, #tpu.memory_space<hbm>>
    %dma_wait3A_143 = arith.constant 0 : i32
    %dma_wait3A_144 = arith.constant 0 : i32
    %dma_wait3A_145 = tpu.memref_slice %arg11[%dma_wait3A_129, %dma_wait3A_143, %dma_wait3A_144] : memref<4x16x1024xf32, #tpu.memory_space<vmem>> -> memref<1x16x1024xf32, #tpu.memory_space<vmem>>
    %dma_wait3A_146 = tpu.memref_squeeze %dma_wait3A_145 : memref<1x16x1024xf32, #tpu.memory_space<vmem>> -> memref<16x1024xf32, #tpu.memory_space<vmem>>
    tpu.wait_dma2 semaphore(%dma_wait3A_139 : memref<!tpu.dma_semaphore, #tpu.memory_space<semaphore_mem>>) src(%dma_wait3A_146 : memref<16x1024xf32, #tpu.memory_space<vmem>>) dst(%dma_wait3A_142 : memref<16x1024xf32, #tpu.memory_space<hbm>>)
    return
  }
}

</mosaic_0001>

<sc_bundles>
// kernel: kernel.3.cloned.1.call-start
scs
__scs_entry_jumppad:
0x0: {  	(pc) =	sbr.rel $0x88, $3  }
0x1: {  	(tag) =	ssettag $0x0;
	lr =	simm.s32 $0x1  }
0x2: {  	[smem:$0x3F9E] =	sst lr;
	_ =	strace $0xD0000000  }
0x3: {  	_ = 	snop  }
0x4: {  	_ = 	snop  }
0x5: {  	_ = 	snop  }
0x6: {  	_ = 	snop  }
0x7: {  	_ = 	snop  }
__scs_overlays_trampoline_lowered:
0x8: {  	[smem:$0x3FAD] =	sst s0  }
0x9: {  	[smem:$0x3FAE] =	sst s1  }
0xa: {  	[smem:$0x3FAF] =	sst s2  }
0xb: {  	[smem:$0x3FB0] =	sst s3  }
0xc: {  	[smem:$0x3FB1] =	sst s4  }
0xd: {  	[smem:$0x3FB2] =	sst s5  }
0xe: {  	[smem:$0x3FB3] =	sst s6  }
0xf: {  	[smem:$0x3FB4] =	sst s7  }
0x10: {  	[smem:$0x3FB5] =	sst s8  }
0x11: {  	[smem:$0x3FB6] =	sst s9;
	s0 =	simm.s32 @!p0 $0x0  }
0x12: {  	s1 =	sld [smem:$0x3F9C];
	s0 =	simm.s32 @p0 $0x1  }
0x13: {  	[smem:$0x3FB7] =	sst s0;
	s0 =	simm.s32 @!p1 $0x0  }
0x14: {  	s2 =	sld [smem:$0x3F9B];
	s0 =	simm.s32 @p1 $0x1  }
0x15: {  	[smem:$0x3FB8] =	sst s0;
	s0 =	simm.s32 @!p2 $0x0  }
0x16: {  	s3 =	sld [smem:$0x3FDB];
	s0 =	simm.s32 @p2 $0x1  }
0x17: {  	s4 =	simm.s32 $0x1BF5;
	[smem:$0x3FBA] =	sst s0  }
0x18: {  	s0 =	sld [smem:$0x3F9D];
	_ =	swait.ge [sflag:s4], $0x0  }
0x19: {  	s7 =	sld [smem:$0x3F9E]  }
0x1a: {  	s8 =	sadd.s32 $0xFFFFE003, lr  }
0x1b: {  	s9 =	sadd.s32 $0xFFFFFEF7, lr;
	s5 =	simm.s32 $0xFFFFFFFF;
	p2 =	slt.u32 s8, $0xFFFFF086  }
0x1c: {  	p1 =	slt.u32 s9, $0xF7A;
	s5 =	simm.s32 @!p2 $0x0  }
0x1d: {  	s5 =	simm.s32 @p1 $0x1;
	p0 =	seq.s32 s7, s2  }
0x1e: {  	s7 =	smul.u32 @!p0 $0xF7A, s2;
	p2 =	seq.s32 @!p0 s5, $0x0  }
0x1f: {  	s9 =	smul.u32 $0xF7A, s1;
	s8 =	simm.s32 @!p0 $0x1BF5;
	p2 =	por !p2, p0  }
0x20: {  	[sflag:s8] =	ssyncset.s32 @!p0 $0xFFFFF086;
	s6 =	sadd.s32 @!p0 s3, s7;
	s7 =	simm.s32 @!p0 $0x108  }
0x21: {  	s3 =	sadd.s32 s3, s9;
	s6 =	sadd.s32 @!p0 $0x88, s6;
	s7 =	simm.s32 @p2 $0x1082  }
0x22: {  	[simem:s7], [sflag:s8] =	dma.local @!p0 [hbm:s6], $0xF7A  }
0x23: {  	s9 =	sor.u32 $0xD0000000, s2;
	s6 =	simm.s32 $0x108;
	_ =	swait.ge @!p0 [sflag:s8], $0x0  }
0x24: {  	s3 =	sadd.s32 $0x88, s3;
	s6 =	simm.s32 @!p1 $0x1082;
	[sflag:s4] =	ssyncset.s32 $0xFFFFF086  }
0x25: {  	[simem:s6], [sflag:s4] =	dma.local [hbm:s3], $0xF7A  }
0x26: {  	[smem:$0x3F9E] =	sst s1;
	(tag) =	ssettag s2;
	_ =	strace s9  }
0x27: {  	s1 =	sld [smem:$0x3FAE]  }
0x28: {  	s2 =	sld [smem:$0x3FAF]  }
0x29: {  	s4 =	sld [smem:$0x3FB1]  }
0x2a: {  	p0 =	seq.s32 s5, $0x0;
	s5 =	sld [smem:$0x3FB2]  }
0x2b: {  	s6 =	sld [smem:$0x3FB3]  }
0x2c: {  	s7 =	sld [smem:$0x3FB4]  }
0x2d: {  	s3 =	simm.s32 $0x108;
	s8 =	sld [smem:$0x3FB5]  }
0x2e: {  	s3 =	simm.s32 @!p0 $0x1082;
	s9 =	sld [smem:$0x3FB6]  }
0x2f: {  	lr =	sadd.s32 s0, s3;
	s0 =	sld [smem:$0x3FAD]  }
0x30: {  	s3 =	sld [smem:$0x3FB0]  }
0x31: {  	[smem:$0x3FB9] =	sst s10  }
0x32: {  	s10 =	sld [smem:$0x3FB7];
	_ =	sdelay $0x3  }
0x33: {  	p0 =	seq.s32 s10, $0x1;
	s10 =	sld [smem:$0x3FB9];
	_ =	sdelay $0x3  }
0x34: {  	[smem:$0x3FB9] =	sst s10  }
0x35: {  	s10 =	sld [smem:$0x3FB8];
	_ =	sdelay $0x3  }
0x36: {  	p1 =	seq.s32 s10, $0x1;
	s10 =	sld [smem:$0x3FB9];
	_ =	sdelay $0x3  }
0x37: {  	[smem:$0x3FB9] =	sst s10  }
0x38: {  	s10 =	sld [smem:$0x3FBA]  }
0x39: {  	_ = 	snop;
	(pc) =	sbr.ind lr, $3  }
0x3a: {  	_ = 	snop  }
0x3b: {  	_ = 	snop  }
0x3c: {  	p2 =	seq.s32 s10, $0x1;
	s10 =	sld [smem:$0x3FB9]  }
0x3d: {  	_ =	shalt  }
0x3e: {  	_ =	shalt  }
0x3f: {  	_ =	shalt  }
0x40: {  	_ =	shalt  }
0x41: {  	_ =	shalt  }
0x42: {  	_ =	shalt  }
0x43: {  	_ =	shalt  }
0x44: {  	_ =	shalt  }
0x45: {  	_ =	shalt  }
0x46: {  	_ =	shalt  }
0x47: {  	_ =	shalt  }
0x48: {  	_ =	shalt  }
0x49: {  	_ =	shalt  }
0x4a: {  	_ =	shalt  }
0x4b: {  	_ =	shalt  }
0x4c: {  	_ =	shalt  }
0x4d: {  	_ =	shalt  }
0x4e: {  	_ =	shalt  }
0x4f: {  	_ =	shalt  }
0x50: {  	_ =	shalt  }
0x51: {  	_ =	shalt  }
0x52: {  	_ =	shalt  }
0x53: {  	_ =	shalt  }
0x54: {  	_ =	shalt  }
0x55: {  	_ =	shalt  }
0x56: {  	_ =	shalt  }
0x57: {  	_ =	shalt  }
0x58: {  	_ =	shalt  }
0x59: {  	_ =	shalt  }
0x5a: {  	_ =	shalt  }
0x5b: {  	_ =	shalt  }
0x5c: {  	_ =	shalt  }
0x5d: {  	_ =	shalt  }
0x5e: {  	_ =	shalt  }
0x5f: {  	_ =	shalt  }
0x60: {  	_ =	shalt  }
0x61: {  	_ =	shalt  }
0x62: {  	_ =	shalt  }
0x63: {  	_ =	shalt  }
0x64: {  	_ =	shalt  }
0x65: {  	_ =	shalt  }
0x66: {  	_ =	shalt  }
0x67: {  	_ =	shalt  }
0x68: {  	_ =	shalt  }
0x69: {  	_ =	shalt  }
0x6a: {  	_ =	shalt  }
0x6b: {  	_ =	shalt  }
0x6c: {  	_ =	shalt  }
0x6d: {  	_ =	shalt  }
0x6e: {  	_ =	shalt  }
0x6f: {  	_ =	shalt  }
0x70: {  	_ =	shalt  }
0x71: {  	_ =	shalt  }
0x72: {  	_ =	shalt  }
0x73: {  	_ =	shalt  }
0x74: {  	_ =	shalt  }
0x75: {  	_ =	shalt  }
0x76: {  	_ =	shalt  }
0x77: {  	_ =	shalt  }
0x78: {  	_ =	shalt  }
0x79: {  	_ =	shalt  }
0x7a: {  	_ =	shalt  }
0x7b: {  	_ =	shalt  }
0x7c: {  	_ =	shalt  }
0x7d: {  	_ =	shalt  }
0x7e: {  	_ =	shalt  }
0x7f: {  	_ =	shalt  }
0x80: {  	_ =	shalt  }
0x81: {  	_ =	shalt  }
0x82: {  	_ =	shalt  }
0x83: {  	_ =	shalt  }
0x84: {  	_ =	shalt  }
0x85: {  	_ =	shalt  }
0x86: {  	_ =	shalt  }
0x87: {  	_ =	shalt  }
.Lfunc_end0:
.L_simem_size_0:
called_computation_lowered:
.L_overlay_start_0:
0x88: {  	s2 =	sld [smem:$0x3FD9]  }
0x89: {  	s3 =	sld [smem:$0x3FFE];
	_ =	sdelay $0x1  }
0x8a: {  	s1 =	srdreg.scid  }
0x8b: {  	s0 =	sand.u32 $0x1, s1  }
0x8c: {  	s15 =	sshll.u32 s0, $0xA;
	s2 =	sadd.s32 s3, s2  }
0x8d: {  	s2 =	sadd.s32 s2, s15  }
0x8e: {  	[smem:$0x3FC5] =	sst s2  }
0x8f: {  	_ = 	snop  }
0x90: {  	s2 =	sld [smem:$0x3FD0]  }
0x91: {  	s16 =	sld [smem:$0x3FC9]  }
0x92: {  	s4 =	sld [smem:$0x3FC8]  }
0x93: {  	s6 =	simm.s32 $0xA;
	s7 =	simm.s32 $0x10;
	s5 =	sld [smem:$0x3FC7]  }
0x94: {  	[smem:s7], [sflag:s6] =	dma.local [hbm:s2], $0x1  }
0x95: {  	_ =	swait.eq [sflag:s6], $0x1  }
0x96: {  	[sflag:s6] =	ssyncset.done $0x0  }
0x97: {  	s17 =	sld [smem:$0x10];
	[sflag:s6] =	ssyncadd.s32 $0xFFFFFFFF  }
0x98: {  	s18 =	sld [smem:$0x11];
	(tm) =	ssettm $0x1  }
0x99: {  	s19 =	sld [smem:$0x3FFB];
	_ =	sdelay $0x3  }
0x9a: {  	_ =	strace s19  }
0x9b: {  	s7 =	sld [smem:$0x3FFC];
	_ =	sdelay $0x3  }
0x9c: {  	_ =	strace s7  }
0x9d: {  	s7 =	sld [smem:$0x3FFD];
	_ =	sdelay $0x3  }
0x9e: {  	_ =	strace s7  }
0x9f: {  	_ =	strace $0x8FFFFFFF  }
0xa0: {  	s20 =	sld [smem:$0x3FDB];
	_ =	sdelay $0x1  }
0xa1: {  	s8 =	simm.s32 $_scs_section_size  }
0xa2: {  	s9 =	simm.s32 $_size__tile_overlayer_lowered;
	s10 =	simm.s32 $_tile_overlayer_lowered  }
0xa3: {  	s23 =	simm.s32 $0x1BFF;
	s22 =	sshll.u32 s10, $0x1;
	s7 =	sadd.s32 s8, s20  }
0xa4: {  	s11 =	simm.s32 $0x0;
	s21 =	sshll.u32 s9, $0x1;
	s9 =	sadd.s32 s22, s7  }
0xa5: {  	[timem:s11], [sflag:s23] =	dma.local [hbm:s9], s21  }
0xa6: {  	_ =	swait.ge [sflag:s23], s21  }
0xa7: {  	s8 =	ssub.s32 $0x0, s21;
	[sflag:s23] =	ssyncset.done $0x0  }
0xa8: {  	[sflag:s23] =	ssyncadd.s32 s8;
	_ =	sdelay $0x1  }
0xa9: {  	s24 =	simm.s32 $0x1B8B  }
0xaa: {  	_ =	swait.ge [sflag:s24], $0x1  }
0xab: {  	[sflag:s24] =	ssyncset.done $0x0  }
0xac: {  	s25 =	simm.s32 $0x1B8E;
	[sflag:s24] =	ssyncadd.s32 $0xFFFFFFFF  }
0xad: {  	s26 =	simm.s32 $execute0_lowered;
	[smem:$0x3FD2] =	sst s25  }
0xae: {  	s8 =	sshll.u32 s26, $0x1;
	_ =	strace $0x80000046;
	[dreg:$0x1] =	wrdreg $0xFFFFFFFF  }
0xaf: {  	s28 =	simm.s32 $_size_execute0_lowered;
	s7 =	sadd.s32 s7, s8;
	[dreg:$0x0] =	wrdreg $0x0  }
0xb0: {  	s8 =	sshll.u32 s28, $0x1;
	[dreg:$0x2] =	wrdreg s7  }
0xb1: {  	[dreg:$0x3] =	wrdreg s8  }
0xb2: {  	[dreg:$0x4] =	wrdreg $0xC0  }
0xb3: {  	_ =	task [dreg:s11], $0x5FFFF  }
0xb4: {  	[dreg:$0x1] =	wrdreg $0xFFFFFFFF  }
0xb5: {  	[dreg:$0x0] =	wrdreg $0x60  }
0xb6: {  	[dreg:$0x2] =	wrdreg s16  }
0xb7: {  	[dreg:$0x3] =	wrdreg s4  }
0xb8: {  	[dreg:$0x4] =	wrdreg s5  }
0xb9: {  	[dreg:$0x5] =	wrdreg s17  }
0xba: {  	[dreg:$0x6] =	wrdreg s18  }
0xbb: {  	[dreg:$0x7] =	wrdreg $0x9  }
0xbc: {  	_ =	task.clear_ibuf [dreg:s11], $0x8FFFF;
	_ =	strace $0x90000046  }
0xbd: {  	s29 =	simm.s32 $0x9;
	_ =	strace $0x80000048  }
0xbe: {  	_ =	swait.ge [sflag:s29], $0x1  }
0xbf: {  	[sflag:s29] =	ssyncadd.s32 $0xFFFFFFFF  }
0xc0: {  	_ =	strace $0x90000048  }
0xc1: {  	_ =	sfence  }
0xc2: {  	s30 =	sld [smem:$0x0];
	_ =	sdelay $0x2  }
0xc3: {  	s31 =	sshll.u32 s1, $0xD;
	s1 =	sshrl.u32 s1, $0x2  }
0xc4: {  	s3 =	sand.u32 $0x4000, s31;
	s1 =	sadd.s32 s1, s30  }
0xc5: {  	s0 =	sor.u32 s3, s0;
	s1 =	sshll.u32 s1, $0x11  }
0xc6: {  	s0 =	sor.u32 s1, s0  }
0xc7: {  	s0 =	sadd.s32 $0x8F2B, s0  }
0xc8: {  	[sflag:s0] =	ssyncadd.remote.s32 $0x1  }
0xc9: {  	_ =	sfence.sel $0xFFFF  }
0xca: {  	[dreg:$0x0] =	wrdreg $0xFFFFFFFF;
	(pc) =	sbr.abs _section_cstart, $3  }
0xcb: {  	[dreg:$0x1] =	wrdreg $0xFFFFFFFF  }
0xcc: {  	_ =	task.clear_ibuf [dreg:s11], $0x2FFFF;
	_ =	strace $0x9FFFFFFF  }
0xcd: {  	(tm) =	ssettm $0x7FFFFFFF  }
tec
execute0_lowered:
.L_overlay_start_1:
0x0: {  	(tag) =	ssettag $0x1  }
0x1: {  	s0 =	rddreg [dreg:$0x0]  }
0x2: {  	s1 =	rddreg [dreg:$0x1]  }
0x3: {  	s2 =	rddreg [dreg:$0x2]  }
0x4: {  	s3 =	rddreg [dreg:$0x3]  }
0x5: {  	s4 =	rddreg [dreg:$0x4]  }
0x6: {  	s5 =	simm.s32 $0x0;
	s6 =	srdreg.scid;
	s10 =	stileid.u32  }
0x7: {  	s17 =	simm.s32 $0x80;
	s19 =	simm.s32 $0x200;
	s21 =	simm.s32 $0xB  }
0x8: {  	s28 =	simm.s32 $0x10A00;
	s22 =	simm.s32 $0x1;
	s29 =	simm.s32 $0x2  }
0x9: {  	s20 =	simm.s32 $0x6;
	[smem:$0x7FF] =	sst s5;
	s6 =	sand.u32 $0x1, s6  }
0xa: {  	s8 =	sshll.u32 s10, $0x1;
	s14 =	sshrl.u32 s10, $0x2;
	s10 =	sadd.s32 $0x300, s1  }
0xb: {  	s11 =	sadd.s32 $0x100, s2;
	s12 =	sadd.s32 $0x200, s2;
	s13 =	sadd.s32 $0x300, s2  }
0xc: {  	_ =	strace $0x80000047;
	s7 =	ssub.s32 $0x2, s6;
	s8 =	sand.u32 $0x6, s8  }
0xd: {  	s16 =	sshll.u32 s14, $0x4;
	s14 =	sshll.u32 s14, $0x15;
	s9 =	sshrl.u32 s7, $0x1  }
0xe: {  	s15 =	sor.u32 s6, s8;
	s0 =	sadd.s32 s0, s16;
	s4 =	sadd.s32 s4, s16  }
.Ltmp0:
0xf: {  	s6 =	sshll.u32 s15, $0x8;
	s26 =	sshll.u32 s15, $0x7;
	(pc) =	sbr.rel .LBB2_1-.Ltmp0, $4  }
0x10: {  	[dreg:$0x6] =	wrdreg s0;
	s15 =	sshll.u32 s15, $0x12;
	s0 =	sadd.s32 s26, s4  }
0x11: {  	v2 =	vlaneseq.u32;
	vm0 =	vmmov $0xffff;
	vm1 =	vmxor vm1, vm1;
	s7 =	ssub.s32 s7, s9;
	s30 =	sor.u32 s14, s15;
	[dreg:$0x7] =	wrdreg s0  }
0x12: {  	v3 =	vimm.s32 $0x0;
	v0 =	vand.u32 $0x7, v2;
	v1 =	vshrl.u32 v2, $0x3;
	s8 =	sadd.s32 $0x100, s1;
	s31 =	smax.u32 s7, $0x1;
	[dreg:$0x8] =	wrdreg s30  }
0x13: {  	v2 =	vor.u32 $0x8, v2;
	v1 =	vmul.u32 $0x8, v1;
	s9 =	sadd.s32 $0x200, s1;
	v4 =	vmov s6;
	s7 =	simm.s32 $0x0;
	[dreg:$0x9] =	wrdreg s31  }
.LBB2_16:
0x14: {  	s0 =	simm.s32 $0x9  }
0x15: {  	_ =	swait.ge [sflag:s0], $0x4000  }
0x16: {  	[sflag:s0] =	ssyncset.done $0x0  }
0x17: {  	s4 =	simm.s32 $0xA;
	[sflag:s0] =	ssyncadd.s32 $0xFFFFC000  }
0x18: {  	_ =	swait.ge [sflag:s4], $0x4000  }
0x19: {  	s7 =	rddreg [dreg:$0xa]  }
0x1a: {  	s31 =	rddreg [dreg:$0x9];
	s7 =	sadd.s32 $0x1, s7  }
0x1b: {  	p0 =	sne.s32 s7, s31  }
.Ltmp1:
0x1c: {  	_ = 	snop;
	(pc) =	sbr.rel @!p0 .LBB2_17-.Ltmp1, $3  }
0x1d: {  	_ =	sdelay $0x1  }
0x1e: {  	s17 =	simm.s32 $0x80;
	[sflag:s4] =	ssyncset.done $0x0  }
0x1f: {  	s19 =	simm.s32 $0x200;
	s21 =	simm.s32 $0xB;
	[sflag:s4] =	ssyncadd.s32 $0xFFFFC000  }
.LBB2_1:
0x20: {  	[dreg:$0xa] =	wrdreg s7  }
0x21: {  	s0 =	rddreg [dreg:$0x6]  }
0x22: {  	[tilespmem:s5], [sflag:$0xB] =	stream.strided.gather [hbm4b:s0+s17], $0x800, s19, s17, $0x38;
	[tilespmem:$0x18A00] =	vst v63  }
0x23: {  	_ =	swait.ge [sflag:s21], $0x800  }
0x24: {  	[sflag:s21] =	ssyncset.done $0x0  }
0x25: {  	[sflag:s21] =	ssyncadd.s32 $0xFFFFF800  }
0x26: {  	v5 =	vld [tilespmem:s6+$0x0];
	_ =	sdelay $0x4  }
0x27: {  	v6 =	vshll.u32 v5, $0x3  }
0x28: {  	v5 =	vand.u32 $0x7, v5;
	v6 =	vand.u32 $0xFFFFFFC0, v6  }
0x29: {  	v5 =	vor.u32 v5, v6  }
0x2a: {  	v6 =	vperm.xlane v5, v0;
	_ =	sdelay $0x1  }
0x2b: {  	v6 =	vadd.s32 v1, v6;
	_ =	sdelay $0x3  }
0x2c: {  	s24 =	simm.s32 $0xA00  }
0x2d: {  	[tilespmem:s24], [sflag:$0x1] =	stream.indirect_vreg.gather [hbm4b:s1+s5], $0x80, v6, vm0, $0xb8;
	[tilespmem:$0x18A00] =	vst v63  }
0x2e: {  	s25 =	simm.s32 $0x1200;
	v5 =	vperm.xlane v5, v2  }
0x2f: {  	[tilespmem:s25], [sflag:$0x1] =	stream.indirect_vreg.gather [hbm4b:s8+s5], $0x80, v6, vm0, $0xb8;
	[tilespmem:$0x18A00] =	vst v63  }
0x30: {  	s26 =	simm.s32 $0x1A00;
	v5 =	vadd.s32 v1, v5  }
0x31: {  	[tilespmem:s26], [sflag:$0x1] =	stream.indirect_vreg.gather [hbm4b:s9+s5], $0x80, v6, vm0, $0xb8;
	[tilespmem:$0x18A00] =	vst v63  }
0x32: {  	s30 =	simm.s32 $0x2200  }
0x33: {  	[tilespmem:s30], [sflag:$0x1] =	stream.indirect_vreg.gather [hbm4b:s10+s5], $0x80, v6, vm0, $0xb8;
	[tilespmem:$0x18A00] =	vst v63  }
0x34: {  	s31 =	simm.s32 $0x2A00  }
0x35: {  	[tilespmem:s31], [sflag:$0x1] =	stream.indirect_vreg.gather [hbm4b:s1+s5], $0x80, v5, vm0, $0xb8;
	[tilespmem:$0x18A00] =	vst v63  }
0x36: {  	s4 =	simm.s32 $0x3200  }
0x37: {  	[tilespmem:s4], [sflag:$0x1] =	stream.indirect_vreg.gather [hbm4b:s8+s5], $0x80, v5, vm0, $0xb8;
	[tilespmem:$0x18A00] =	vst v63  }
0x38: {  	s7 =	simm.s32 $0x3A00  }
0x39: {  	[tilespmem:s7], [sflag:$0x1] =	stream.indirect_vreg.gather [hbm4b:s9+s5], $0x80, v5, vm0, $0xb8;
	[tilespmem:$0x18A00] =	vst v63  }
0x3a: {  	s15 =	simm.s32 $0x4200  }
0x3b: {  	[tilespmem:s15], [sflag:$0x1] =	stream.indirect_vreg.gather [hbm4b:s10+s5], $0x80, v5, vm0, $0xb8;
	[tilespmem:$0x18A00] =	vst v63  }
0x3c: {  	v5 =	vld [tilespmem:s6+$0x10];
	_ =	sdelay $0x4  }
0x3d: {  	v6 =	vshll.u32 v5, $0x3  }
0x3e: {  	v5 =	vand.u32 $0x7, v5;
	v6 =	vand.u32 $0xFFFFFFC0, v6  }
0x3f: {  	v5 =	vor.u32 v5, v6  }
0x40: {  	v6 =	vperm.xlane v5, v0;
	_ =	sdelay $0x1  }
0x41: {  	v6 =	vadd.s32 v1, v6;
	_ =	sdelay $0x3  }
0x42: {  	s16 =	simm.s32 $0x4A00  }
0x43: {  	[tilespmem:s16], [sflag:$0x2] =	stream.indirect_vreg.gather [hbm4b:s1+s5], $0x80, v6, vm0, $0xb8;
	[tilespmem:$0x18A00] =	vst v63  }
0x44: {  	s18 =	simm.s32 $0x5200;
	v5 =	vperm.xlane v5, v2  }
0x45: {  	[tilespmem:s18], [sflag:$0x2] =	stream.indirect_vreg.gather [hbm4b:s8+s5], $0x80, v6, vm0, $0xb8;
	[tilespmem:$0x18A00] =	vst v63  }
0x46: {  	s23 =	simm.s32 $0x5A00;
	v5 =	vadd.s32 v1, v5  }
0x47: {  	[tilespmem:s23], [sflag:$0x2] =	stream.indirect_vreg.gather [hbm4b:s9+s5], $0x80, v6, vm0, $0xb8;
	[tilespmem:$0x18A00] =	vst v63  }
0x48: {  	s24 =	simm.s32 $0x6200  }
0x49: {  	[tilespmem:s24], [sflag:$0x2] =	stream.indirect_vreg.gather [hbm4b:s10+s5], $0x80, v6, vm0, $0xb8;
	[tilespmem:$0x18A00] =	vst v63  }
0x4a: {  	s25 =	simm.s32 $0x6A00  }
0x4b: {  	[tilespmem:s25], [sflag:$0x2] =	stream.indirect_vreg.gather [hbm4b:s1+s5], $0x80, v5, vm0, $0xb8;
	[tilespmem:$0x18A00] =	vst v63  }
0x4c: {  	s26 =	simm.s32 $0x7200  }
0x4d: {  	[tilespmem:s26], [sflag:$0x2] =	stream.indirect_vreg.gather [hbm4b:s8+s5], $0x80, v5, vm0, $0xb8;
	[tilespmem:$0x18A00] =	vst v63  }
0x4e: {  	s30 =	simm.s32 $0x7A00  }
0x4f: {  	[tilespmem:s30], [sflag:$0x2] =	stream.indirect_vreg.gather [hbm4b:s9+s5], $0x80, v5, vm0, $0xb8;
	[tilespmem:$0x18A00] =	vst v63  }
0x50: {  	s31 =	simm.s32 $0x8200  }
0x51: {  	[tilespmem:s31], [sflag:$0x2] =	stream.indirect_vreg.gather [hbm4b:s10+s5], $0x80, v5, vm0, $0xb8;
	[tilespmem:$0x18A00] =	vst v63  }
0x52: {  	v5 =	vld [tilespmem:s5+$0x0];
	_ =	sdelay $0x3  }
0x53: {  	p0 =	sgt.u32 s6, $0x0;
	vm2 =	vmmov vm1  }
0x54: {  	s0 =	simm.s32 $0x10;
	vm2 =	vmneg @p0 vm2;
	s4 =	simm.s32 $0x10;
	vm3 =	vne.s32 v5, $0x1;
	v5 =	vimm.s32 $0x0  }
.LBB2_2:
0x55: {  	v6 =	vld [tilespmem:s4+$0x0];
	p0 =	sne.s32 s0, $0x7F0;
	vm2 =	vmand vm2, vm3;
	s7 =	smov.u32 s0;
	s0 =	sadd.s32 $0x10, s0  }
.Ltmp2:
0x56: {  	v7 =	vsel vm2, $0x1, v3;
	(pc) =	sbr.rel @p0 .LBB2_2-.Ltmp2, $3  }
0x57: {  	v5 =	vadd.s32 v7, v5;
	_ =	sdelay $0x1  }
0x58: {  	p1 =	slt.u32 s7, s6;
	vm2 =	vmmov vm1  }
0x59: {  	s4 =	sadd.s32 $0x10, s4;
	vm2 =	vmneg @p1 vm2;
	vm3 =	vne.s32 v6, $0x1  }
0x5a: {  	vm2 =	vmand vm2, vm3  }
0x5b: {  	v6 =	vsel vm2, $0x1, v3  }
0x5c: {  	v5 =	vadd.s32 v6, v5  }
0x5d: {  	(xrf0) =	vadd.scan.msk.s32 $0xffff, v5;
	_ =	sdelay $0x5  }
0x5e: {  	v5, _, _ =	vpop (xrf0)  }
0x5f: {  	(v2sf) =	vpush v5, $0xF  }
0x60: {  	s0 =	simm.s32 $0x0  }
0x61: {  	s4 =	sand.u32 $0x80, s0  }
0x62: {  	s0 =	sand.u32 $0x70, s0;
	s4 =	sadd.s32 s4, s6  }
0x63: {  	s0 =	sadd.s32 s0, s4  }
0x64: {  	v5 =	vld [tilespmem:s0+$0x0];
	_ =	sdelay $0x4  }
0x65: {  	vm2 =	vne.s32 v5, $0x1  }
0x66: {  	v5 =	vsel vm2, $0x1, v3  }
0x67: {  	(xrf0) =	vadd.scan.msk.s32 $0xffff, v5;
	_ =	sdelay $0x2  }
0x68: {  	s4 =	spop (v2sf)  }
0x69: {  	v6 =	vmov s4  }
0x6a: {  	v6 =	vadd.s32 $0xFFFFFFFF, v6  }
0x6b: {  	v7, _, _ =	vpop (xrf0);
	v6 =	vbroadcast v6, $0x0  }
0x6c: {  	(v2sf) =	vpush v7, $0xF  }
0x6d: {  	v6 =	vadd.s32 v7, v6  }
0x6e: {  	s15 =	simm.s32 $0x10;
	s7 =	simm.s32 $0x900;
	vm2 =	vgt.s32 v6, $0x0  }
0x6f: {  	s16 =	simm.s32 $0x20;
	s18 =	sand.u32 $0x80, s15;
	s0 =	simm.s32 $0x800;
	v6 =	vnsel vm2, $0x0, v6  }
.LBB2_4:
0x70: {  	p0 =	sne.s32 s16, $0xF0;
	s15 =	sand.u32 $0x70, s15;
	s18 =	sadd.s32 s18, s6;
	[tilespmem:s0+$0x0] =	vst v6  }
0x71: {  	s18 =	sadd.s32 s15, s18;
	[tilespmem:s7+$0x0] =	vst v5;
	s15 =	smov.u32 s16  }
0x72: {  	v5 =	vld [tilespmem:s18+$0x0];
	_ =	sdelay $0x4  }
0x73: {  	vm2 =	vne.s32 v5, $0x1  }
0x74: {  	v5 =	vsel vm2, $0x1, v3  }
0x75: {  	(xrf0) =	vadd.scan.msk.s32 $0xffff, v5;
	_ =	sdelay $0x1  }
0x76: {  	s18 =	spop (v2sf)  }
0x77: {  	s4 =	sadd.s32 s4, s18  }
0x78: {  	v6 =	vmov s4  }
0x79: {  	v6 =	vadd.s32 $0xFFFFFFFF, v6  }
.Ltmp3:
0x7a: {  	v6 =	vbroadcast v6, $0x0;
	v7, _, _ =	vpop (xrf0);
	(pc) =	sbr.rel @p0 .LBB2_4-.Ltmp3, $4  }
0x7b: {  	(v2sf) =	vpush v7, $0xF  }
0x7c: {  	v6 =	vadd.s32 v7, v6  }
0x7d: {  	s0 =	sadd.s32 $0x10, s0;
	vm2 =	vgt.s32 v6, $0x0  }
0x7e: {  	s16 =	sadd.s32 $0x10, s16;
	s7 =	sadd.s32 $0x10, s7;
	s18 =	sand.u32 $0x80, s15;
	v6 =	vnsel vm2, $0x0, v6  }
0x7f: {  	_ = 	snop  }
0x80: {  	s15 =	sand.u32 $0x70, s15;
	s16 =	sadd.s32 s18, s6;
	[tilespmem:s0+$0x0] =	vst v6  }
0x81: {  	s15 =	sadd.s32 s15, s16;
	[tilespmem:s7+$0x0] =	vst v5  }
0x82: {  	v5 =	vld [tilespmem:s15+$0x0];
	_ =	sdelay $0x4  }
0x83: {  	vm2 =	vne.s32 v5, $0x1  }
0x84: {  	v5 =	vsel vm2, $0x1, v3  }
0x85: {  	(xrf0) =	vadd.scan.msk.s32 $0xffff, v5  }
0x86: {  	s25 =	spop (v2sf)  }
0x87: {  	s4 =	sadd.s32 s4, s25  }
0x88: {  	v6 =	vmov s4  }
0x89: {  	v6 =	vadd.s32 $0xFFFFFFFF, v6  }
0x8a: {  	v6 =	vbroadcast v6, $0x0  }
0x8b: {  	v7, _, _ =	vpop (xrf0)  }
0x8c: {  	v6 =	vadd.s32 v7, v6  }
0x8d: {  	vm2 =	vgt.s32 v6, $0x0  }
0x8e: {  	s26 =	sadd.s32 $0x10, s0;
	v6 =	vnsel vm2, $0x0, v6  }
0x8f: {  	s31 =	sadd.s32 $0x10, s7;
	[tilespmem:s26+$0x0] =	vst v6  }
0x90: {  	[tilespmem:s31+$0x0] =	vst v5  }
0x91: {  	v5 =	vld [tilespmem:$0x800];
	_ =	sdelay $0x4  }
0x92: {  	v6 =	vshll.u32 v5, $0x3  }
0x93: {  	v5 =	vand.u32 $0x7, v5;
	v6 =	vand.u32 $0xFFFFFFC0, v6  }
0x94: {  	v5 =	vor.u32 v5, v6  }
0x95: {  	v6 =	vperm.xlane v5, v0;
	_ =	sdelay $0x1  }
0x96: {  	v6 =	vadd.s32 v1, v6;
	_ =	sdelay $0x3  }
0x97: {  	s16 =	simm.s32 $0x0;
	s4 =	simm.s32 $0x8A00  }
0x98: {  	[tilespmem:s4], [sflag:$0x3] =	stream.indirect_vreg.gather [hbm4b:s2+s16], $0x80, v6, vm0, $0xb8;
	[tilespmem:$0x18A00] =	vst v63  }
0x99: {  	s7 =	simm.s32 $0x9200;
	v5 =	vperm.xlane v5, v2  }
0x9a: {  	[tilespmem:s7], [sflag:$0x3] =	stream.indirect_vreg.gather [hbm4b:s11+s16], $0x80, v6, vm0, $0xb8;
	[tilespmem:$0x18A00] =	vst v63  }
0x9b: {  	s15 =	simm.s32 $0x9A00;
	v5 =	vadd.s32 v1, v5  }
0x9c: {  	[tilespmem:s15], [sflag:$0x3] =	stream.indirect_vreg.gather [hbm4b:s12+s16], $0x80, v6, vm0, $0xb8;
	[tilespmem:$0x18A00] =	vst v63  }
0x9d: {  	s18 =	simm.s32 $0xA200  }
0x9e: {  	[tilespmem:s18], [sflag:$0x3] =	stream.indirect_vreg.gather [hbm4b:s13+s16], $0x80, v6, vm0, $0xb8;
	[tilespmem:$0x18A00] =	vst v63  }
0x9f: {  	s23 =	simm.s32 $0xAA00  }
0xa0: {  	[tilespmem:s23], [sflag:$0x3] =	stream.indirect_vreg.gather [hbm4b:s2+s16], $0x80, v5, vm0, $0xb8;
	[tilespmem:$0x18A00] =	vst v63  }
0xa1: {  	s24 =	simm.s32 $0xB200  }
0xa2: {  	[tilespmem:s24], [sflag:$0x3] =	stream.indirect_vreg.gather [hbm4b:s11+s16], $0x80, v5, vm0, $0xb8;
	[tilespmem:$0x18A00] =	vst v63  }
0xa3: {  	s25 =	simm.s32 $0xBA00  }
0xa4: {  	[tilespmem:s25], [sflag:$0x3] =	stream.indirect_vreg.gather [hbm4b:s12+s16], $0x80, v5, vm0, $0xb8;
	[tilespmem:$0x18A00] =	vst v63  }
0xa5: {  	s26 =	simm.s32 $0xC200  }
0xa6: {  	[tilespmem:s26], [sflag:$0x3] =	stream.indirect_vreg.gather [hbm4b:s13+s16], $0x80, v5, vm0, $0xb8;
	[tilespmem:$0x18A00] =	vst v63  }
0xa7: {  	v5 =	vld [tilespmem:$0x810];
	_ =	sdelay $0x4  }
0xa8: {  	v6 =	vshll.u32 v5, $0x3  }
0xa9: {  	v5 =	vand.u32 $0x7, v5;
	v6 =	vand.u32 $0xFFFFFFC0, v6  }
0xaa: {  	v5 =	vor.u32 v5, v6  }
0xab: {  	v6 =	vperm.xlane v5, v0;
	_ =	sdelay $0x1  }
0xac: {  	v6 =	vadd.s32 v1, v6;
	_ =	sdelay $0x3  }
0xad: {  	s31 =	simm.s32 $0xCA00  }
0xae: {  	(v2sf) =	vpush v7, $0xF;
	[tilespmem:s31], [sflag:$0x4] =	stream.indirect_vreg.gather [hbm4b:s2+s16], $0x80, v6, vm0, $0xb8;
	[tilespmem:$0x18A00] =	vst v63  }
0xaf: {  	s4 =	simm.s32 $0xD200;
	v5 =	vperm.xlane v5, v2  }
0xb0: {  	[tilespmem:s4], [sflag:$0x4] =	stream.indirect_vreg.gather [hbm4b:s11+s16], $0x80, v6, vm0, $0xb8;
	[tilespmem:$0x18A00] =	vst v63  }
0xb1: {  	s7 =	simm.s32 $0xDA00;
	v5 =	vadd.s32 v1, v5  }
0xb2: {  	[tilespmem:s7], [sflag:$0x4] =	stream.indirect_vreg.gather [hbm4b:s12+s16], $0x80, v6, vm0, $0xb8;
	[tilespmem:$0x18A00] =	vst v63  }
0xb3: {  	s15 =	simm.s32 $0xE200  }
0xb4: {  	[tilespmem:s15], [sflag:$0x4] =	stream.indirect_vreg.gather [hbm4b:s13+s16], $0x80, v6, vm0, $0xb8;
	[tilespmem:$0x18A00] =	vst v63  }
0xb5: {  	s18 =	simm.s32 $0xEA00  }
0xb6: {  	[tilespmem:s18], [sflag:$0x4] =	stream.indirect_vreg.gather [hbm4b:s2+s16], $0x80, v5, vm0, $0xb8;
	[tilespmem:$0x18A00] =	vst v63  }
0xb7: {  	s23 =	simm.s32 $0xF200  }
0xb8: {  	[tilespmem:s23], [sflag:$0x4] =	stream.indirect_vreg.gather [hbm4b:s11+s16], $0x80, v5, vm0, $0xb8;
	[tilespmem:$0x18A00] =	vst v63  }
0xb9: {  	s24 =	simm.s32 $0xFA00  }
0xba: {  	[tilespmem:s24], [sflag:$0x4] =	stream.indirect_vreg.gather [hbm4b:s12+s16], $0x80, v5, vm0, $0xb8;
	[tilespmem:$0x18A00] =	vst v63  }
0xbb: {  	s25 =	simm.s32 $0x10200  }
0xbc: {  	[tilespmem:s25], [sflag:$0x4] =	stream.indirect_vreg.gather [hbm4b:s13+s16], $0x80, v5, vm0, $0xb8;
	[tilespmem:$0x18A00] =	vst v63  }
0xbd: {  	s0 =	rddreg [dreg:$0x7];
	s26 =	spop (v2sf);
	s31 =	simm.s32 $0x900  }
0xbe: {  	[hbm4b:s0+s17] =	stream.strided.scatter [tilespmem:s31], [sflag:$0xB], $0x100, s19, s17, $0x38;
	[tilespmem:$0x18A00] =	vst v63  }
0xbf: {  	_ =	swait.ge [sflag:s21], $0x100  }
0xc0: {  	[sflag:s21] =	ssyncset.done $0x0  }
0xc1: {  	s30 =	simm.s32 $0x0;
	[sflag:s21] =	ssyncadd.s32 $0xFFFFFF00  }
.LBB2_6:
0xc2: {  	p0 =	seq.s32 s30, $0x0  }
0xc3: {  	s0 =	simm.s32 @!p0 $0x9  }
0xc4: {  	_ =	swait.ge @!p0 [sflag:s0], $0x4000  }
0xc5: {  	[sflag:s0] =	ssyncset.done @!p0 $0x0  }
0xc6: {  	[sflag:s0] =	ssyncadd.s32 @!p0 $0xFFFFC000;
	s0 =	sshll.u32 s30, $0x6  }
0xc7: {  	v5 =	vld [tilespmem:s0+$0x820];
	_ =	sdelay $0x4  }
0xc8: {  	v6 =	vshll.u32 v5, $0x3  }
0xc9: {  	v5 =	vand.u32 $0x7, v5;
	v6 =	vand.u32 $0xFFFFFFC0, v6  }
0xca: {  	v5 =	vor.u32 v5, v6  }
0xcb: {  	v6 =	vperm.xlane v5, v0;
	_ =	sdelay $0x1  }
0xcc: {  	v6 =	vadd.s32 v1, v6;
	_ =	sdelay $0x4  }
0xcd: {  	[tilespmem:s28], [sflag:$0x5] =	stream.indirect_vreg.gather [hbm4b:s2+s16], $0x80, v6, vm0, $0xb8;
	[tilespmem:$0x18A00] =	vst v63  }
0xce: {  	s4 =	simm.s32 $0x11200;
	v5 =	vperm.xlane v5, v2  }
0xcf: {  	[tilespmem:s4], [sflag:$0x5] =	stream.indirect_vreg.gather [hbm4b:s11+s16], $0x80, v6, vm0, $0xb8;
	[tilespmem:$0x18A00] =	vst v63  }
0xd0: {  	s17 =	simm.s32 $0x11A00;
	v5 =	vadd.s32 v1, v5  }
0xd1: {  	[tilespmem:s17], [sflag:$0x5] =	stream.indirect_vreg.gather [hbm4b:s12+s16], $0x80, v6, vm0, $0xb8;
	[tilespmem:$0x18A00] =	vst v63  }
0xd2: {  	s18 =	simm.s32 $0x12200  }
0xd3: {  	[tilespmem:s18], [sflag:$0x5] =	stream.indirect_vreg.gather [hbm4b:s13+s16], $0x80, v6, vm0, $0xb8;
	[tilespmem:$0x18A00] =	vst v63  }
0xd4: {  	s19 =	simm.s32 $0x12A00  }
0xd5: {  	[tilespmem:s19], [sflag:$0x5] =	stream.indirect_vreg.gather [hbm4b:s2+s16], $0x80, v5, vm0, $0xb8;
	[tilespmem:$0x18A00] =	vst v63  }
0xd6: {  	s21 =	simm.s32 $0x13200  }
0xd7: {  	[tilespmem:s21], [sflag:$0x5] =	stream.indirect_vreg.gather [hbm4b:s11+s16], $0x80, v5, vm0, $0xb8;
	[tilespmem:$0x18A00] =	vst v63  }
0xd8: {  	s23 =	simm.s32 $0x13A00  }
0xd9: {  	[tilespmem:s23], [sflag:$0x5] =	stream.indirect_vreg.gather [hbm4b:s12+s16], $0x80, v5, vm0, $0xb8;
	[tilespmem:$0x18A00] =	vst v63  }
0xda: {  	s24 =	simm.s32 $0x14200  }
0xdb: {  	[tilespmem:s24], [sflag:$0x5] =	stream.indirect_vreg.gather [hbm4b:s13+s16], $0x80, v5, vm0, $0xb8;
	[tilespmem:$0x18A00] =	vst v63  }
0xdc: {  	_ =	swait.ge [sflag:s22], $0x4000  }
0xdd: {  	[sflag:s22] =	ssyncset.done $0x0  }
0xde: {  	s15 =	simm.s32 $0x3;
	[sflag:s22] =	ssyncadd.s32 $0xFFFFC000  }
0xdf: {  	_ =	swait.ge [sflag:s15], $0x4000  }
0xe0: {  	s25 =	sand.u32 $0x70, s16;
	s7 =	sand.u32 $0x1C00, s16;
	[sflag:s15] =	ssyncset.done $0x0  }
0xe1: {  	s7 =	sor.u32 s25, s7;
	[sflag:s15] =	ssyncadd.s32 $0xFFFFC000  }
0xe2: {  	v5 =	vld [tilespmem:s7+$0xC00]  }
0xe3: {  	v6 =	vld [tilespmem:s7+$0xA80]  }
0xe4: {  	v7 =	vld [tilespmem:s7+$0xC80]  }
0xe5: {  	v8 =	vld [tilespmem:s7+$0xD00]  }
0xe6: {  	v9 =	vld [tilespmem:s7+$0xB00]  }
0xe7: {  	[tilespmem:s7+$0x8C00] =	vst.add.f32.msk $0xffff, v5  }
0xe8: {  	v5 =	vld [tilespmem:s7+$0xB80]  }
0xe9: {  	[tilespmem:s7+$0x8C80] =	vst.add.f32.msk $0xffff, v7  }
0xea: {  	v7 =	vld [tilespmem:s7+$0xA00]  }
0xeb: {  	s18 =	simm.s32 $0x10;
	s19 =	simm.s32 $0x80;
	[tilespmem:s7+$0x8D00] =	vst.add.f32.msk $0xffff, v8  }
0xec: {  	s28 =	sand.u32 $0x70, s18;
	s21 =	sand.u32 $0x1C00, s19;
	[tilespmem:s7+$0x8B00] =	vst.add.f32.msk $0xffff, v9  }
0xed: {  	s4 =	sor.u32 s28, s21;
	[tilespmem:s7+$0x8A80] =	vst.add.f32.msk $0xffff, v6  }
0xee: {  	v9 =	vld [tilespmem:s4+$0xC00]  }
0xef: {  	s26 =	sor.u32 s16, s16;
	[tilespmem:s7+$0x8B80] =	vst.add.f32.msk $0xffff, v5  }
0xf0: {  	s23 =	sor.u32 $0x380, s26;
	[tilespmem:s7+$0x8A00] =	vst.add.f32.msk $0xffff, v7  }
0xf1: {  	v8 =	vld [tilespmem:s23+$0xA00]  }
0xf2: {  	v6 =	vld [tilespmem:s4+$0xD00]  }
0xf3: {  	v5 =	vld [tilespmem:s4+$0xA80]  }
0xf4: {  	v7 =	vld [tilespmem:s4+$0xC80]  }
0xf5: {  	[tilespmem:s4+$0x8C00] =	vst.add.f32.msk $0xffff, v9  }
0xf6: {  	[tilespmem:s23+$0x8A00] =	vst.add.f32.msk $0xffff, v8  }
0xf7: {  	v8 =	vld [tilespmem:s7+$0x2D00]  }
0xf8: {  	v10 =	vld [tilespmem:s7+$0x2C00]  }
0xf9: {  	v11 =	vld [tilespmem:s7+$0x2B80]  }
0xfa: {  	v12 =	vld [tilespmem:s7+$0x2C80]  }
0xfb: {  	v13 =	vld [tilespmem:s7+$0x2A00]  }
0xfc: {  	v9 =	vld [tilespmem:s7+$0x2B00]  }
0xfd: {  	[tilespmem:s7+$0xAD00] =	vst.add.f32.msk $0xffff, v8  }
0xfe: {  	v8 =	vld [tilespmem:s7+$0x2A80]  }
0xff: {  	[tilespmem:s7+$0xAC00] =	vst.add.f32.msk $0xffff, v10  }
0x100: {  	[tilespmem:s7+$0xAC80] =	vst.add.f32.msk $0xffff, v12  }
0x101: {  	[tilespmem:s7+$0xAB80] =	vst.add.f32.msk $0xffff, v11  }
0x102: {  	[tilespmem:s7+$0xAA00] =	vst.add.f32.msk $0xffff, v13  }
0x103: {  	[tilespmem:s7+$0xAB00] =	vst.add.f32.msk $0xffff, v9  }
0x104: {  	v9 =	vld [tilespmem:s4+$0xB80]  }
0x105: {  	s31 =	sshll.u32 s30, $0x2;
	s23 =	sor.u32 $0x2380, s26;
	[tilespmem:s7+$0xAA80] =	vst.add.f32.msk $0xffff, v8  }
0x106: {  	s25 =	simm.s32 $0x20;
	s15 =	simm.s32 $0x100;
	s7 =	sor.u32 $0x20, s0;
	v8 =	vld [tilespmem:s23+$0xA00]  }
.LBB2_7:
0x107: {  	s24 =	sand.u32 $0x70, s25  }
0x108: {  	s26 =	sand.u32 $0x1C00, s15;
	[tilespmem:s4+$0x8C80] =	vst.add.f32.msk $0xffff, v7;
	s28 =	smov.u32 s25;
	s21 =	sadd.s32 $0x10, s25  }
0x109: {  	p1 =	sne.s32 s25, $0x3F0;
	s24 =	sor.u32 s24, s26;
	v7 =	vld [tilespmem:s4+$0xB00]  }
0x10a: {  	v10 =	vld [tilespmem:s4+$0xA00]  }
0x10b: {  	[tilespmem:s23+$0x8A00] =	vst.add.f32.msk $0xffff, v8  }
0x10c: {  	[tilespmem:s4+$0x8D00] =	vst.add.f32.msk $0xffff, v6  }
0x10d: {  	[tilespmem:s4+$0x8B80] =	vst.add.f32.msk $0xffff, v9  }
0x10e: {  	[tilespmem:s4+$0x8B00] =	vst.add.f32.msk $0xffff, v7  }
0x10f: {  	s23 =	sor.u32 s18, s19;
	s18 =	smov.u32 s28;
	s19 =	smov.u32 s15;
	[tilespmem:s4+$0x8A80] =	vst.add.f32.msk $0xffff, v5  }
0x110: {  	s25 =	sor.u32 $0x380, s23;
	[tilespmem:s4+$0x8A00] =	vst.add.f32.msk $0xffff, v10  }
0x111: {  	v8 =	vld [tilespmem:s25+$0xA00]  }
0x112: {  	v5 =	vld [tilespmem:s24+$0xA80]  }
0x113: {  	v7 =	vld [tilespmem:s24+$0xC80]  }
0x114: {  	v6 =	vld [tilespmem:s24+$0xD00]  }
0x115: {  	v9 =	vld [tilespmem:s24+$0xC00]  }
0x116: {  	[tilespmem:s25+$0x8A00] =	vst.add.f32.msk $0xffff, v8  }
0x117: {  	v8 =	vld [tilespmem:s4+$0x2D00]  }
0x118: {  	v10 =	vld [tilespmem:s4+$0x2C00]  }
0x119: {  	v11 =	vld [tilespmem:s4+$0x2B80]  }
0x11a: {  	v12 =	vld [tilespmem:s4+$0x2C80]  }
0x11b: {  	v13 =	vld [tilespmem:s4+$0x2A00]  }
0x11c: {  	[tilespmem:s24+$0x8C00] =	vst.add.f32.msk $0xffff, v9  }
0x11d: {  	v9 =	vld [tilespmem:s4+$0x2B00]  }
0x11e: {  	[tilespmem:s4+$0xAD00] =	vst.add.f32.msk $0xffff, v8  }
0x11f: {  	v8 =	vld [tilespmem:s4+$0x2A80]  }
0x120: {  	[tilespmem:s4+$0xAC00] =	vst.add.f32.msk $0xffff, v10  }
0x121: {  	[tilespmem:s4+$0xAC80] =	vst.add.f32.msk $0xffff, v12  }
0x122: {  	[tilespmem:s4+$0xAB80] =	vst.add.f32.msk $0xffff, v11  }
.Ltmp4:
0x123: {  	[tilespmem:s4+$0xAA00] =	vst.add.f32.msk $0xffff, v13;
	(pc) =	sbr.rel @p1 .LBB2_7-.Ltmp4, $4  }
0x124: {  	s23 =	sor.u32 $0x2380, s23;
	[tilespmem:s4+$0xAA80] =	vst.add.f32.msk $0xffff, v8  }
0x125: {  	[tilespmem:s4+$0xAB00] =	vst.add.f32.msk $0xffff, v9;
	s4 =	smov.u32 s24  }
0x126: {  	v8 =	vld [tilespmem:s23+$0xA00]  }
0x127: {  	s15 =	sadd.s32 $0x80, s15;
	s25 =	smov.u32 s21;
	v9 =	vld [tilespmem:s4+$0xB80]  }
0x128: {  	[tilespmem:s4+$0x8C80] =	vst.add.f32.msk $0xffff, v7  }
0x129: {  	v7 =	vld [tilespmem:s4+$0xB00]  }
0x12a: {  	v10 =	vld [tilespmem:s4+$0xA00]  }
0x12b: {  	[tilespmem:s4+$0x8D00] =	vst.add.f32.msk $0xffff, v6  }
0x12c: {  	[tilespmem:s4+$0x8A80] =	vst.add.f32.msk $0xffff, v5  }
0x12d: {  	[tilespmem:s4+$0x8B80] =	vst.add.f32.msk $0xffff, v9  }
0x12e: {  	s15 =	sor.u32 s18, s19;
	[tilespmem:s4+$0x8B00] =	vst.add.f32.msk $0xffff, v7  }
0x12f: {  	s18 =	sor.u32 $0x380, s15;
	[tilespmem:s4+$0x8A00] =	vst.add.f32.msk $0xffff, v10  }
0x130: {  	v5 =	vld [tilespmem:s18+$0xA00];
	_ =	sdelay $0x4  }
0x131: {  	[tilespmem:s18+$0x8A00] =	vst.add.f32.msk $0xffff, v5  }
0x132: {  	v5 =	vld [tilespmem:s4+$0x2D00]  }
0x133: {  	v6 =	vld [tilespmem:s4+$0x2C00]  }
0x134: {  	v7 =	vld [tilespmem:s4+$0x2B80]  }
0x135: {  	v9 =	vld [tilespmem:s4+$0x2C80]  }
0x136: {  	v10 =	vld [tilespmem:s4+$0x2A00]  }
0x137: {  	v11 =	vld [tilespmem:s4+$0x2B00]  }
0x138: {  	[tilespmem:s4+$0xAD00] =	vst.add.f32.msk $0xffff, v5  }
0x139: {  	v5 =	vld [tilespmem:s4+$0x2A80]  }
0x13a: {  	[tilespmem:s4+$0xAC00] =	vst.add.f32.msk $0xffff, v6  }
0x13b: {  	[tilespmem:s4+$0xAC80] =	vst.add.f32.msk $0xffff, v9  }
0x13c: {  	[tilespmem:s4+$0xAB80] =	vst.add.f32.msk $0xffff, v7  }
0x13d: {  	[tilespmem:s4+$0xAA00] =	vst.add.f32.msk $0xffff, v10  }
0x13e: {  	[tilespmem:s4+$0xAB00] =	vst.add.f32.msk $0xffff, v11  }
0x13f: {  	s15 =	sor.u32 $0x2380, s15;
	[tilespmem:s4+$0xAA80] =	vst.add.f32.msk $0xffff, v5  }
0x140: {  	v5 =	vld [tilespmem:s15+$0xA00];
	_ =	sdelay $0x1  }
0x141: {  	s24 =	sshll.u32 s30, $0x10;
	s17 =	rddreg [dreg:$0x8]  }
0x142: {  	s4 =	sadd.s32 s17, s24  }
0x143: {  	[tilespmem:s23+$0x8A00] =	vst.add.f32.msk $0xffff, v8;
	s4 =	sshrl.u32 s4, $0x3  }
0x144: {  	s25 =	simm.s32 $0x8A00;
	s4 =	sadd.s32 s3, s4;
	[tilespmem:s15+$0x8A00] =	vst.add.f32.msk $0xffff, v5  }
0x145: {  	[hbm4b:s4+s5] =	stream.linear.scatter [tilespmem:s25], [sflag:$0x7], $0x4000, $0x38;
	[tilespmem:$0x18A00] =	vst v63  }
0x146: {  	s4 =	sor.u32 s6, s7  }
0x147: {  	v5 =	vld [tilespmem:s4+$0x0];
	_ =	sdelay $0x4  }
0x148: {  	v6 =	vshll.u32 v5, $0x3  }
0x149: {  	v5 =	vand.u32 $0x7, v5;
	v6 =	vand.u32 $0xFFFFFFC0, v6  }
0x14a: {  	v5 =	vor.u32 v5, v6  }
0x14b: {  	v6 =	vperm.xlane v5, v0;
	_ =	sdelay $0x1  }
0x14c: {  	v6 =	vadd.s32 v1, v6;
	_ =	sdelay $0x3  }
0x14d: {  	s26 =	simm.s32 $0xA00  }
0x14e: {  	[tilespmem:s26], [sflag:$0x1] =	stream.indirect_vreg.gather [hbm4b:s1+s5], $0x80, v6, vm0, $0xb8;
	[tilespmem:$0x18A00] =	vst v63  }
0x14f: {  	s28 =	simm.s32 $0x1200;
	v5 =	vperm.xlane v5, v2  }
0x150: {  	[tilespmem:s28], [sflag:$0x1] =	stream.indirect_vreg.gather [hbm4b:s8+s5], $0x80, v6, vm0, $0xb8;
	[tilespmem:$0x18A00] =	vst v63  }
0x151: {  	s15 =	simm.s32 $0x1A00;
	v5 =	vadd.s32 v1, v5  }
0x152: {  	[tilespmem:s15], [sflag:$0x1] =	stream.indirect_vreg.gather [hbm4b:s9+s5], $0x80, v6, vm0, $0xb8;
	[tilespmem:$0x18A00] =	vst v63  }
0x153: {  	s17 =	simm.s32 $0x2200  }
0x154: {  	[tilespmem:s17], [sflag:$0x1] =	stream.indirect_vreg.gather [hbm4b:s10+s5], $0x80, v6, vm0, $0xb8;
	[tilespmem:$0x18A00] =	vst v63  }
0x155: {  	s18 =	simm.s32 $0x2A00  }
0x156: {  	[tilespmem:s18], [sflag:$0x1] =	stream.indirect_vreg.gather [hbm4b:s1+s5], $0x80, v5, vm0, $0xb8;
	[tilespmem:$0x18A00] =	vst v63  }
0x157: {  	s19 =	simm.s32 $0x3200  }
0x158: {  	[tilespmem:s19], [sflag:$0x1] =	stream.indirect_vreg.gather [hbm4b:s8+s5], $0x80, v5, vm0, $0xb8;
	[tilespmem:$0x18A00] =	vst v63  }
0x159: {  	s21 =	simm.s32 $0x3A00  }
0x15a: {  	[tilespmem:s21], [sflag:$0x1] =	stream.indirect_vreg.gather [hbm4b:s9+s5], $0x80, v5, vm0, $0xb8;
	[tilespmem:$0x18A00] =	vst v63  }
0x15b: {  	s23 =	simm.s32 $0x4200;
	s7 =	simm.s32 @!p0 $0xA  }
0x15c: {  	[tilespmem:s23], [sflag:$0x1] =	stream.indirect_vreg.gather [hbm4b:s10+s5], $0x80, v5, vm0, $0xb8;
	[tilespmem:$0x18A00] =	vst v63  }
0x15d: {  	_ =	swait.ge @!p0 [sflag:s7], $0x4000  }
0x15e: {  	[sflag:s7] =	ssyncset.done @!p0 $0x0  }
0x15f: {  	[sflag:s7] =	ssyncadd.s32 @!p0 $0xFFFFC000  }
0x160: {  	v5 =	vld [tilespmem:s0+$0x830];
	_ =	sdelay $0x4  }
0x161: {  	v6 =	vshll.u32 v5, $0x3  }
0x162: {  	v5 =	vand.u32 $0x7, v5;
	v6 =	vand.u32 $0xFFFFFFC0, v6  }
0x163: {  	v5 =	vor.u32 v5, v6  }
0x164: {  	v6 =	vperm.xlane v5, v0;
	_ =	sdelay $0x1  }
0x165: {  	v6 =	vadd.s32 v1, v6;
	_ =	sdelay $0x3  }
0x166: {  	s24 =	simm.s32 $0x14A00;
	s7 =	simm.s32 $0x0  }
0x167: {  	[tilespmem:s24], [sflag:$0x6] =	stream.indirect_vreg.gather [hbm4b:s2+s7], $0x80, v6, vm0, $0xb8;
	[tilespmem:$0x18A00] =	vst v63  }
0x168: {  	s25 =	simm.s32 $0x15200;
	v5 =	vperm.xlane v5, v2  }
0x169: {  	[tilespmem:s25], [sflag:$0x6] =	stream.indirect_vreg.gather [hbm4b:s11+s7], $0x80, v6, vm0, $0xb8;
	[tilespmem:$0x18A00] =	vst v63  }
0x16a: {  	s26 =	simm.s32 $0x15A00;
	v5 =	vadd.s32 v1, v5  }
0x16b: {  	[tilespmem:s26], [sflag:$0x6] =	stream.indirect_vreg.gather [hbm4b:s12+s7], $0x80, v6, vm0, $0xb8;
	[tilespmem:$0x18A00] =	vst v63  }
0x16c: {  	s28 =	simm.s32 $0x16200  }
0x16d: {  	[tilespmem:s28], [sflag:$0x6] =	stream.indirect_vreg.gather [hbm4b:s13+s7], $0x80, v6, vm0, $0xb8;
	[tilespmem:$0x18A00] =	vst v63  }
0x16e: {  	s17 =	simm.s32 $0x16A00  }
0x16f: {  	[tilespmem:s17], [sflag:$0x6] =	stream.indirect_vreg.gather [hbm4b:s2+s7], $0x80, v5, vm0, $0xb8;
	[tilespmem:$0x18A00] =	vst v63  }
0x170: {  	s18 =	simm.s32 $0x17200  }
0x171: {  	[tilespmem:s18], [sflag:$0x6] =	stream.indirect_vreg.gather [hbm4b:s11+s7], $0x80, v5, vm0, $0xb8;
	[tilespmem:$0x18A00] =	vst v63  }
0x172: {  	s19 =	simm.s32 $0x17A00  }
0x173: {  	[tilespmem:s19], [sflag:$0x6] =	stream.indirect_vreg.gather [hbm4b:s12+s7], $0x80, v5, vm0, $0xb8;
	[tilespmem:$0x18A00] =	vst v63  }
0x174: {  	s21 =	simm.s32 $0x18200  }
0x175: {  	[tilespmem:s21], [sflag:$0x6] =	stream.indirect_vreg.gather [hbm4b:s13+s7], $0x80, v5, vm0, $0xb8;
	[tilespmem:$0x18A00] =	vst v63  }
0x176: {  	_ =	swait.ge [sflag:s29], $0x4000  }
0x177: {  	[sflag:s29] =	ssyncset.done $0x0  }
0x178: {  	s23 =	simm.s32 $0x4;
	[sflag:s29] =	ssyncadd.s32 $0xFFFFC000  }
0x179: {  	_ =	swait.ge [sflag:s23], $0x4000  }
0x17a: {  	s24 =	sand.u32 $0x70, s7;
	s25 =	sand.u32 $0x1C00, s7;
	[sflag:s23] =	ssyncset.done $0x0  }
0x17b: {  	s21 =	sor.u32 s24, s25;
	[sflag:s23] =	ssyncadd.s32 $0xFFFFC000  }
0x17c: {  	v5 =	vld [tilespmem:s21+$0x4C00]  }
0x17d: {  	v6 =	vld [tilespmem:s21+$0x4A80]  }
0x17e: {  	v7 =	vld [tilespmem:s21+$0x4C80]  }
0x17f: {  	v8 =	vld [tilespmem:s21+$0x4D00]  }
0x180: {  	v9 =	vld [tilespmem:s21+$0x4B00]  }
0x181: {  	[tilespmem:s21+$0xCC00] =	vst.add.f32.msk $0xffff, v5  }
0x182: {  	v5 =	vld [tilespmem:s21+$0x4B80]  }
0x183: {  	[tilespmem:s21+$0xCC80] =	vst.add.f32.msk $0xffff, v7  }
0x184: {  	v7 =	vld [tilespmem:s21+$0x4A00]  }
0x185: {  	s15 =	simm.s32 $0x80;
	s19 =	simm.s32 $0x10;
	[tilespmem:s21+$0xCD00] =	vst.add.f32.msk $0xffff, v8  }
0x186: {  	s28 =	sand.u32 $0x1C00, s15;
	s26 =	sand.u32 $0x70, s19;
	[tilespmem:s21+$0xCB00] =	vst.add.f32.msk $0xffff, v9  }
0x187: {  	s18 =	sor.u32 s26, s28;
	[tilespmem:s21+$0xCA80] =	vst.add.f32.msk $0xffff, v6  }
0x188: {  	v9 =	vld [tilespmem:s18+$0x4C00]  }
0x189: {  	s7 =	sor.u32 s7, s7;
	[tilespmem:s21+$0xCB80] =	vst.add.f32.msk $0xffff, v5  }
0x18a: {  	s24 =	sor.u32 $0x380, s7;
	[tilespmem:s21+$0xCA00] =	vst.add.f32.msk $0xffff, v7  }
0x18b: {  	v8 =	vld [tilespmem:s24+$0x4A00]  }
0x18c: {  	v6 =	vld [tilespmem:s18+$0x4D00]  }
0x18d: {  	v5 =	vld [tilespmem:s18+$0x4A80]  }
0x18e: {  	v7 =	vld [tilespmem:s18+$0x4C80]  }
0x18f: {  	[tilespmem:s18+$0xCC00] =	vst.add.f32.msk $0xffff, v9  }
0x190: {  	[tilespmem:s24+$0xCA00] =	vst.add.f32.msk $0xffff, v8  }
0x191: {  	v8 =	vld [tilespmem:s21+$0x6D00]  }
0x192: {  	v10 =	vld [tilespmem:s21+$0x6C00]  }
0x193: {  	v11 =	vld [tilespmem:s21+$0x6B80]  }
0x194: {  	v12 =	vld [tilespmem:s21+$0x6C80]  }
0x195: {  	v13 =	vld [tilespmem:s21+$0x6A00]  }
0x196: {  	v9 =	vld [tilespmem:s21+$0x6B00]  }
0x197: {  	[tilespmem:s21+$0xED00] =	vst.add.f32.msk $0xffff, v8  }
0x198: {  	v8 =	vld [tilespmem:s21+$0x6A80]  }
0x199: {  	[tilespmem:s21+$0xEC00] =	vst.add.f32.msk $0xffff, v10  }
0x19a: {  	[tilespmem:s21+$0xEC80] =	vst.add.f32.msk $0xffff, v12  }
0x19b: {  	[tilespmem:s21+$0xEB80] =	vst.add.f32.msk $0xffff, v11  }
0x19c: {  	[tilespmem:s21+$0xEA00] =	vst.add.f32.msk $0xffff, v13  }
0x19d: {  	[tilespmem:s21+$0xEB00] =	vst.add.f32.msk $0xffff, v9  }
0x19e: {  	v9 =	vld [tilespmem:s18+$0x4B80]  }
0x19f: {  	s24 =	sor.u32 $0x2380, s7;
	[tilespmem:s21+$0xEA80] =	vst.add.f32.msk $0xffff, v8  }
0x1a0: {  	s23 =	simm.s32 $0x20;
	s7 =	sor.u32 $0x30, s0;
	s21 =	simm.s32 $0x100;
	v8 =	vld [tilespmem:s24+$0x4A00]  }
.LBB2_9:
0x1a1: {  	s25 =	sand.u32 $0x70, s23  }
0x1a2: {  	s28 =	sand.u32 $0x1C00, s21;
	[tilespmem:s18+$0xCC80] =	vst.add.f32.msk $0xffff, v7;
	s17 =	smov.u32 s23;
	s26 =	sadd.s32 $0x10, s23  }
0x1a3: {  	p0 =	sne.s32 s23, $0x3F0;
	s25 =	sor.u32 s25, s28;
	v7 =	vld [tilespmem:s18+$0x4B00]  }
0x1a4: {  	v10 =	vld [tilespmem:s18+$0x4A00]  }
0x1a5: {  	[tilespmem:s24+$0xCA00] =	vst.add.f32.msk $0xffff, v8  }
0x1a6: {  	[tilespmem:s18+$0xCD00] =	vst.add.f32.msk $0xffff, v6  }
0x1a7: {  	[tilespmem:s18+$0xCB80] =	vst.add.f32.msk $0xffff, v9  }
0x1a8: {  	[tilespmem:s18+$0xCB00] =	vst.add.f32.msk $0xffff, v7  }
0x1a9: {  	s23 =	sor.u32 s19, s15;
	s15 =	smov.u32 s21;
	s19 =	smov.u32 s17;
	[tilespmem:s18+$0xCA80] =	vst.add.f32.msk $0xffff, v5  }
0x1aa: {  	s17 =	sor.u32 $0x380, s23;
	[tilespmem:s18+$0xCA00] =	vst.add.f32.msk $0xffff, v10  }
0x1ab: {  	v8 =	vld [tilespmem:s17+$0x4A00]  }
0x1ac: {  	v5 =	vld [tilespmem:s25+$0x4A80]  }
0x1ad: {  	v7 =	vld [tilespmem:s25+$0x4C80]  }
0x1ae: {  	v6 =	vld [tilespmem:s25+$0x4D00]  }
0x1af: {  	v9 =	vld [tilespmem:s25+$0x4C00]  }
0x1b0: {  	[tilespmem:s17+$0xCA00] =	vst.add.f32.msk $0xffff, v8  }
0x1b1: {  	v8 =	vld [tilespmem:s18+$0x6D00]  }
0x1b2: {  	v10 =	vld [tilespmem:s18+$0x6C00]  }
0x1b3: {  	v11 =	vld [tilespmem:s18+$0x6B80]  }
0x1b4: {  	v12 =	vld [tilespmem:s18+$0x6C80]  }
0x1b5: {  	v13 =	vld [tilespmem:s18+$0x6A00]  }
0x1b6: {  	[tilespmem:s25+$0xCC00] =	vst.add.f32.msk $0xffff, v9  }
0x1b7: {  	v9 =	vld [tilespmem:s18+$0x6B00]  }
0x1b8: {  	[tilespmem:s18+$0xED00] =	vst.add.f32.msk $0xffff, v8  }
0x1b9: {  	v8 =	vld [tilespmem:s18+$0x6A80]  }
0x1ba: {  	[tilespmem:s18+$0xEC00] =	vst.add.f32.msk $0xffff, v10  }
0x1bb: {  	[tilespmem:s18+$0xEC80] =	vst.add.f32.msk $0xffff, v12  }
0x1bc: {  	[tilespmem:s18+$0xEB80] =	vst.add.f32.msk $0xffff, v11  }
.Ltmp5:
0x1bd: {  	[tilespmem:s18+$0xEA00] =	vst.add.f32.msk $0xffff, v13;
	(pc) =	sbr.rel @p0 .LBB2_9-.Ltmp5, $4  }
0x1be: {  	s24 =	sor.u32 $0x2380, s23;
	[tilespmem:s18+$0xEA80] =	vst.add.f32.msk $0xffff, v8  }
0x1bf: {  	[tilespmem:s18+$0xEB00] =	vst.add.f32.msk $0xffff, v9;
	s18 =	smov.u32 s25  }
0x1c0: {  	v8 =	vld [tilespmem:s24+$0x4A00]  }
0x1c1: {  	s21 =	sadd.s32 $0x80, s21;
	s23 =	smov.u32 s26;
	v9 =	vld [tilespmem:s18+$0x4B80]  }
0x1c2: {  	[tilespmem:s18+$0xCC80] =	vst.add.f32.msk $0xffff, v7  }
0x1c3: {  	v7 =	vld [tilespmem:s18+$0x4B00]  }
0x1c4: {  	v10 =	vld [tilespmem:s18+$0x4A00]  }
0x1c5: {  	[tilespmem:s18+$0xCD00] =	vst.add.f32.msk $0xffff, v6  }
0x1c6: {  	[tilespmem:s18+$0xCA80] =	vst.add.f32.msk $0xffff, v5  }
0x1c7: {  	[tilespmem:s18+$0xCB80] =	vst.add.f32.msk $0xffff, v9  }
0x1c8: {  	s15 =	sor.u32 s19, s15;
	[tilespmem:s18+$0xCB00] =	vst.add.f32.msk $0xffff, v7  }
0x1c9: {  	s17 =	sor.u32 $0x380, s15;
	[tilespmem:s18+$0xCA00] =	vst.add.f32.msk $0xffff, v10  }
0x1ca: {  	v5 =	vld [tilespmem:s17+$0x4A00];
	_ =	sdelay $0x4  }
0x1cb: {  	[tilespmem:s17+$0xCA00] =	vst.add.f32.msk $0xffff, v5  }
0x1cc: {  	v5 =	vld [tilespmem:s18+$0x6D00]  }
0x1cd: {  	v6 =	vld [tilespmem:s18+$0x6C00]  }
0x1ce: {  	v7 =	vld [tilespmem:s18+$0x6B80]  }
0x1cf: {  	v9 =	vld [tilespmem:s18+$0x6C80]  }
0x1d0: {  	v10 =	vld [tilespmem:s18+$0x6A00]  }
0x1d1: {  	v11 =	vld [tilespmem:s18+$0x6B00]  }
0x1d2: {  	[tilespmem:s18+$0xED00] =	vst.add.f32.msk $0xffff, v5  }
0x1d3: {  	v5 =	vld [tilespmem:s18+$0x6A80]  }
0x1d4: {  	[tilespmem:s18+$0xEC00] =	vst.add.f32.msk $0xffff, v6  }
0x1d5: {  	[tilespmem:s18+$0xEC80] =	vst.add.f32.msk $0xffff, v9  }
0x1d6: {  	[tilespmem:s18+$0xEB80] =	vst.add.f32.msk $0xffff, v7  }
0x1d7: {  	[tilespmem:s18+$0xEA00] =	vst.add.f32.msk $0xffff, v10  }
0x1d8: {  	[tilespmem:s18+$0xEB00] =	vst.add.f32.msk $0xffff, v11  }
0x1d9: {  	s15 =	sor.u32 $0x2380, s15;
	[tilespmem:s18+$0xEA80] =	vst.add.f32.msk $0xffff, v5  }
0x1da: {  	s0 =	sadd.s32 s0, s6;
	v5 =	vld [tilespmem:s15+$0x4A00]  }
0x1db: {  	s0 =	sshll.u32 s0, $0xA  }
0x1dc: {  	s0 =	sadd.s32 s14, s0  }
0x1dd: {  	s0 =	sadd.s32 $0x4000, s0  }
0x1de: {  	[tilespmem:s24+$0xCA00] =	vst.add.f32.msk $0xffff, v8;
	s0 =	sshrl.u32 s0, $0x3  }
0x1df: {  	s21 =	simm.s32 $0xCA00;
	s0 =	sadd.s32 s3, s0;
	[tilespmem:s15+$0xCA00] =	vst.add.f32.msk $0xffff, v5  }
0x1e0: {  	[hbm4b:s0+s5] =	stream.linear.scatter [tilespmem:s21], [sflag:$0x8], $0x4000, $0x38;
	[tilespmem:$0x18A00] =	vst v63  }
0x1e1: {  	s0 =	sor.u32 s6, s7  }
0x1e2: {  	v5 =	vld [tilespmem:s0+$0x0];
	_ =	sdelay $0x4  }
0x1e3: {  	v6 =	vshll.u32 v5, $0x3  }
0x1e4: {  	v5 =	vand.u32 $0x7, v5;
	v6 =	vand.u32 $0xFFFFFFC0, v6  }
0x1e5: {  	v5 =	vor.u32 v5, v6  }
0x1e6: {  	v6 =	vperm.xlane v5, v0;
	_ =	sdelay $0x1  }
0x1e7: {  	v6 =	vadd.s32 v1, v6;
	_ =	sdelay $0x3  }
0x1e8: {  	s23 =	simm.s32 $0x4A00  }
0x1e9: {  	[tilespmem:s23], [sflag:$0x2] =	stream.indirect_vreg.gather [hbm4b:s1+s5], $0x80, v6, vm0, $0xb8;
	[tilespmem:$0x18A00] =	vst v63  }
0x1ea: {  	s24 =	simm.s32 $0x5200;
	v5 =	vperm.xlane v5, v2  }
0x1eb: {  	[tilespmem:s24], [sflag:$0x2] =	stream.indirect_vreg.gather [hbm4b:s8+s5], $0x80, v6, vm0, $0xb8;
	[tilespmem:$0x18A00] =	vst v63  }
0x1ec: {  	s25 =	simm.s32 $0x5A00;
	v5 =	vadd.s32 v1, v5  }
0x1ed: {  	[tilespmem:s25], [sflag:$0x2] =	stream.indirect_vreg.gather [hbm4b:s9+s5], $0x80, v6, vm0, $0xb8;
	[tilespmem:$0x18A00] =	vst v63  }
0x1ee: {  	s26 =	simm.s32 $0x6200  }
0x1ef: {  	[tilespmem:s26], [sflag:$0x2] =	stream.indirect_vreg.gather [hbm4b:s10+s5], $0x80, v6, vm0, $0xb8;
	[tilespmem:$0x18A00] =	vst v63  }
0x1f0: {  	s28 =	simm.s32 $0x6A00  }
0x1f1: {  	[tilespmem:s28], [sflag:$0x2] =	stream.indirect_vreg.gather [hbm4b:s1+s5], $0x80, v5, vm0, $0xb8;
	[tilespmem:$0x18A00] =	vst v63  }
0x1f2: {  	s15 =	simm.s32 $0x7200  }
0x1f3: {  	[tilespmem:s15], [sflag:$0x2] =	stream.indirect_vreg.gather [hbm4b:s8+s5], $0x80, v5, vm0, $0xb8;
	[tilespmem:$0x18A00] =	vst v63  }
0x1f4: {  	s17 =	simm.s32 $0x7A00  }
0x1f5: {  	[tilespmem:s17], [sflag:$0x2] =	stream.indirect_vreg.gather [hbm4b:s9+s5], $0x80, v5, vm0, $0xb8;
	[tilespmem:$0x18A00] =	vst v63  }
0x1f6: {  	s19 =	simm.s32 $0x7;
	s18 =	simm.s32 $0x8200  }
0x1f7: {  	[tilespmem:s18], [sflag:$0x2] =	stream.indirect_vreg.gather [hbm4b:s10+s5], $0x80, v5, vm0, $0xb8;
	[tilespmem:$0x18A00] =	vst v63  }
0x1f8: {  	p0 =	seq.s32 s30, $0x3;
	s7 =	sadd.s32 $0x4, s31;
	_ =	swait.ge [sflag:s19], $0x4000  }
0x1f9: {  	s7 =	sshll.u32 @!p0 s7, $0x4;
	[sflag:s19] =	ssyncset.done $0x0  }
0x1fa: {  	s18 =	sand.u32 @!p0 $0x3FFFFFF0, s7;
	[sflag:s19] =	ssyncadd.s32 $0xFFFFC000  }
0x1fb: {  	v5 =	vld @!p0 [tilespmem:s18+$0x800];
	_ =	sdelay $0x4  }
0x1fc: {  	v6 =	vshll.u32 @!p0 v5, $0x3  }
0x1fd: {  	v7 =	vlaneseq.u32 @!p0;
	v5 =	vand.u32 @!p0 $0x7, v5;
	v6 =	vand.u32 @!p0 $0xFFFFFFC0, v6  }
0x1fe: {  	v8 =	vshrl.u32 @!p0 v7, $0x3;
	v5 =	vor.u32 @!p0 v5, v6;
	v6 =	vand.u32 @!p0 $0x7, v7  }
0x1ff: {  	v8 =	vmul.u32 @!p0 $0x8, v8;
	v6 =	vperm.xlane @!p0 v5, v6;
	_ =	sdelay $0x1  }
0x200: {  	v6 =	vadd.s32 @!p0 v8, v6;
	_ =	sdelay $0x3  }
0x201: {  	vm2 =	vmmov @!p0 $0xffff;
	s15 =	simm.s32 @!p0 $0x8A00;
	s7 =	simm.s32 @!p0 $0x0  }
0x202: {  	v7 =	vor.u32 @!p0 $0x8, v7;
	[tilespmem:s15], [sflag:$0x3] =	stream.indirect_vreg.gather @!p0 [hbm4b:s2+s7], $0x80, v6, vm2, $0xb8;
	[tilespmem:$0x18A00] =	vst v63  }
0x203: {  	v5 =	vperm.xlane @!p0 v5, v7;
	s15 =	simm.s32 @!p0 $0x9200  }
0x204: {  	[tilespmem:s15], [sflag:$0x3] =	stream.indirect_vreg.gather @!p0 [hbm4b:s11+s7], $0x80, v6, vm2, $0xb8;
	[tilespmem:$0x18A00] =	vst v63  }
0x205: {  	v5 =	vadd.s32 @!p0 v8, v5;
	s15 =	simm.s32 @!p0 $0x9A00  }
0x206: {  	[tilespmem:s15], [sflag:$0x3] =	stream.indirect_vreg.gather @!p0 [hbm4b:s12+s7], $0x80, v6, vm2, $0xb8;
	[tilespmem:$0x18A00] =	vst v63  }
0x207: {  	s15 =	simm.s32 @!p0 $0xA200  }
0x208: {  	[tilespmem:s15], [sflag:$0x3] =	stream.indirect_vreg.gather @!p0 [hbm4b:s13+s7], $0x80, v6, vm2, $0xb8;
	[tilespmem:$0x18A00] =	vst v63  }
0x209: {  	s15 =	simm.s32 @!p0 $0xAA00  }
0x20a: {  	[tilespmem:s15], [sflag:$0x3] =	stream.indirect_vreg.gather @!p0 [hbm4b:s2+s7], $0x80, v5, vm2, $0xb8;
	[tilespmem:$0x18A00] =	vst v63  }
0x20b: {  	s15 =	simm.s32 @!p0 $0xB200  }
0x20c: {  	[tilespmem:s15], [sflag:$0x3] =	stream.indirect_vreg.gather @!p0 [hbm4b:s11+s7], $0x80, v5, vm2, $0xb8;
	[tilespmem:$0x18A00] =	vst v63  }
0x20d: {  	s15 =	simm.s32 @!p0 $0xBA00  }
0x20e: {  	[tilespmem:s15], [sflag:$0x3] =	stream.indirect_vreg.gather @!p0 [hbm4b:s12+s7], $0x80, v5, vm2, $0xb8;
	[tilespmem:$0x18A00] =	vst v63  }
0x20f: {  	s15 =	simm.s32 @!p0 $0xC200  }
0x210: {  	[tilespmem:s15], [sflag:$0x3] =	stream.indirect_vreg.gather @!p0 [hbm4b:s13+s7], $0x80, v5, vm2, $0xb8;
	[tilespmem:$0x18A00] =	vst v63  }
0x211: {  	_ =	swait.ge [sflag:s22], $0x4000  }
0x212: {  	[sflag:s22] =	ssyncset.done $0x0  }
0x213: {  	s21 =	simm.s32 $0x5;
	[sflag:s22] =	ssyncadd.s32 $0xFFFFC000  }
0x214: {  	s23 =	simm.s32 $0x0;
	_ =	swait.ge [sflag:s21], $0x4000  }
0x215: {  	s24 =	sand.u32 $0x70, s23;
	s25 =	sand.u32 $0x1C00, s23;
	[sflag:s21] =	ssyncset.done $0x0  }
0x216: {  	[sflag:s21] =	ssyncadd.s32 $0xFFFFC000;
	s21 =	sor.u32 s24, s25  }
0x217: {  	v5 =	vld [tilespmem:s21+$0xC00]  }
0x218: {  	v6 =	vld [tilespmem:s21+$0xA80]  }
0x219: {  	v7 =	vld [tilespmem:s21+$0xC80]  }
0x21a: {  	v8 =	vld [tilespmem:s21+$0xD00]  }
0x21b: {  	v9 =	vld [tilespmem:s21+$0xB00]  }
0x21c: {  	[tilespmem:s21+$0x10C00] =	vst.add.f32.msk $0xffff, v5  }
0x21d: {  	v5 =	vld [tilespmem:s21+$0xB80]  }
0x21e: {  	[tilespmem:s21+$0x10C80] =	vst.add.f32.msk $0xffff, v7  }
0x21f: {  	v7 =	vld [tilespmem:s21+$0xA00]  }
0x220: {  	s7 =	simm.s32 $0x10;
	s15 =	simm.s32 $0x80;
	[tilespmem:s21+$0x10D00] =	vst.add.f32.msk $0xffff, v8  }
0x221: {  	s17 =	sor.u32 s23, s23;
	s26 =	sand.u32 $0x70, s7;
	s23 =	sand.u32 $0x1C00, s15;
	[tilespmem:s21+$0x10B00] =	vst.add.f32.msk $0xffff, v9  }
0x222: {  	s19 =	sor.u32 s26, s23;
	[tilespmem:s21+$0x10A80] =	vst.add.f32.msk $0xffff, v6  }
0x223: {  	v9 =	vld [tilespmem:s19+$0xC00]  }
0x224: {  	[tilespmem:s21+$0x10B80] =	vst.add.f32.msk $0xffff, v5  }
0x225: {  	s28 =	sor.u32 $0x380, s17;
	[tilespmem:s21+$0x10A00] =	vst.add.f32.msk $0xffff, v7  }
0x226: {  	v8 =	vld [tilespmem:s28+$0xA00]  }
0x227: {  	v6 =	vld [tilespmem:s19+$0xD00]  }
0x228: {  	v5 =	vld [tilespmem:s19+$0xA80]  }
0x229: {  	v7 =	vld [tilespmem:s19+$0xC80]  }
0x22a: {  	[tilespmem:s19+$0x10C00] =	vst.add.f32.msk $0xffff, v9  }
0x22b: {  	[tilespmem:s28+$0x10A00] =	vst.add.f32.msk $0xffff, v8  }
0x22c: {  	v8 =	vld [tilespmem:s21+$0x2D00]  }
0x22d: {  	v10 =	vld [tilespmem:s21+$0x2C00]  }
0x22e: {  	v11 =	vld [tilespmem:s21+$0x2B80]  }
0x22f: {  	v12 =	vld [tilespmem:s21+$0x2C80]  }
0x230: {  	v13 =	vld [tilespmem:s21+$0x2A00]  }
0x231: {  	v9 =	vld [tilespmem:s21+$0x2B00]  }
0x232: {  	[tilespmem:s21+$0x12D00] =	vst.add.f32.msk $0xffff, v8  }
0x233: {  	v8 =	vld [tilespmem:s21+$0x2A80]  }
0x234: {  	[tilespmem:s21+$0x12C00] =	vst.add.f32.msk $0xffff, v10  }
0x235: {  	[tilespmem:s21+$0x12C80] =	vst.add.f32.msk $0xffff, v12  }
0x236: {  	[tilespmem:s21+$0x12B80] =	vst.add.f32.msk $0xffff, v11  }
0x237: {  	[tilespmem:s21+$0x12A00] =	vst.add.f32.msk $0xffff, v13  }
0x238: {  	[tilespmem:s21+$0x12B00] =	vst.add.f32.msk $0xffff, v9  }
0x239: {  	v9 =	vld [tilespmem:s19+$0xB80]  }
0x23a: {  	s25 =	sor.u32 $0x2380, s17;
	[tilespmem:s21+$0x12A80] =	vst.add.f32.msk $0xffff, v8  }
0x23b: {  	s26 =	simm.s32 $0x20;
	s21 =	simm.s32 $0x100;
	v8 =	vld [tilespmem:s25+$0xA00]  }
.LBB2_11:
0x23c: {  	s17 =	sand.u32 $0x70, s26  }
0x23d: {  	s24 =	sand.u32 $0x1C00, s21;
	[tilespmem:s19+$0x10C80] =	vst.add.f32.msk $0xffff, v7;
	s28 =	smov.u32 s26;
	s23 =	sadd.s32 $0x10, s26  }
0x23e: {  	p1 =	sne.s32 s26, $0x3F0;
	s24 =	sor.u32 s17, s24;
	v7 =	vld [tilespmem:s19+$0xB00]  }
0x23f: {  	v10 =	vld [tilespmem:s19+$0xA00]  }
0x240: {  	[tilespmem:s25+$0x10A00] =	vst.add.f32.msk $0xffff, v8  }
0x241: {  	[tilespmem:s19+$0x10D00] =	vst.add.f32.msk $0xffff, v6  }
0x242: {  	[tilespmem:s19+$0x10B80] =	vst.add.f32.msk $0xffff, v9  }
0x243: {  	[tilespmem:s19+$0x10B00] =	vst.add.f32.msk $0xffff, v7  }
0x244: {  	s17 =	sor.u32 s7, s15;
	s7 =	smov.u32 s28;
	s15 =	smov.u32 s21;
	[tilespmem:s19+$0x10A80] =	vst.add.f32.msk $0xffff, v5  }
0x245: {  	s25 =	sor.u32 $0x380, s17;
	[tilespmem:s19+$0x10A00] =	vst.add.f32.msk $0xffff, v10  }
0x246: {  	v8 =	vld [tilespmem:s25+$0xA00]  }
0x247: {  	v5 =	vld [tilespmem:s24+$0xA80]  }
0x248: {  	v7 =	vld [tilespmem:s24+$0xC80]  }
0x249: {  	v6 =	vld [tilespmem:s24+$0xD00]  }
0x24a: {  	v9 =	vld [tilespmem:s24+$0xC00]  }
0x24b: {  	[tilespmem:s25+$0x10A00] =	vst.add.f32.msk $0xffff, v8  }
0x24c: {  	v8 =	vld [tilespmem:s19+$0x2D00]  }
0x24d: {  	v10 =	vld [tilespmem:s19+$0x2C00]  }
0x24e: {  	v11 =	vld [tilespmem:s19+$0x2B80]  }
0x24f: {  	v12 =	vld [tilespmem:s19+$0x2C80]  }
0x250: {  	v13 =	vld [tilespmem:s19+$0x2A00]  }
0x251: {  	[tilespmem:s24+$0x10C00] =	vst.add.f32.msk $0xffff, v9  }
0x252: {  	v9 =	vld [tilespmem:s19+$0x2B00]  }
0x253: {  	[tilespmem:s19+$0x12D00] =	vst.add.f32.msk $0xffff, v8  }
0x254: {  	v8 =	vld [tilespmem:s19+$0x2A80]  }
0x255: {  	[tilespmem:s19+$0x12C00] =	vst.add.f32.msk $0xffff, v10  }
0x256: {  	[tilespmem:s19+$0x12C80] =	vst.add.f32.msk $0xffff, v12  }
0x257: {  	[tilespmem:s19+$0x12B80] =	vst.add.f32.msk $0xffff, v11  }
.Ltmp6:
0x258: {  	[tilespmem:s19+$0x12A00] =	vst.add.f32.msk $0xffff, v13;
	(pc) =	sbr.rel @p1 .LBB2_11-.Ltmp6, $4  }
0x259: {  	s25 =	sor.u32 $0x2380, s17;
	[tilespmem:s19+$0x12A80] =	vst.add.f32.msk $0xffff, v8  }
0x25a: {  	[tilespmem:s19+$0x12B00] =	vst.add.f32.msk $0xffff, v9;
	s19 =	smov.u32 s24  }
0x25b: {  	v8 =	vld [tilespmem:s25+$0xA00]  }
0x25c: {  	s21 =	sadd.s32 $0x80, s21;
	s26 =	smov.u32 s23;
	v9 =	vld [tilespmem:s19+$0xB80]  }
0x25d: {  	[tilespmem:s19+$0x10C80] =	vst.add.f32.msk $0xffff, v7  }
0x25e: {  	v7 =	vld [tilespmem:s19+$0xB00]  }
0x25f: {  	v10 =	vld [tilespmem:s19+$0xA00]  }
0x260: {  	[tilespmem:s19+$0x10D00] =	vst.add.f32.msk $0xffff, v6  }
0x261: {  	[tilespmem:s19+$0x10A80] =	vst.add.f32.msk $0xffff, v5  }
0x262: {  	[tilespmem:s19+$0x10B80] =	vst.add.f32.msk $0xffff, v9  }
0x263: {  	s7 =	sor.u32 s7, s15;
	[tilespmem:s19+$0x10B00] =	vst.add.f32.msk $0xffff, v7  }
0x264: {  	s15 =	sor.u32 $0x380, s7;
	[tilespmem:s19+$0x10A00] =	vst.add.f32.msk $0xffff, v10  }
0x265: {  	v5 =	vld [tilespmem:s15+$0xA00];
	_ =	sdelay $0x4  }
0x266: {  	[tilespmem:s15+$0x10A00] =	vst.add.f32.msk $0xffff, v5  }
0x267: {  	v5 =	vld [tilespmem:s19+$0x2D00]  }
0x268: {  	v6 =	vld [tilespmem:s19+$0x2C00]  }
0x269: {  	v7 =	vld [tilespmem:s19+$0x2B80]  }
0x26a: {  	v9 =	vld [tilespmem:s19+$0x2C80]  }
0x26b: {  	v10 =	vld [tilespmem:s19+$0x2A00]  }
0x26c: {  	v11 =	vld [tilespmem:s19+$0x2B00]  }
0x26d: {  	[tilespmem:s19+$0x12D00] =	vst.add.f32.msk $0xffff, v5  }
0x26e: {  	v5 =	vld [tilespmem:s19+$0x2A80]  }
0x26f: {  	[tilespmem:s19+$0x12C00] =	vst.add.f32.msk $0xffff, v6  }
0x270: {  	[tilespmem:s19+$0x12C80] =	vst.add.f32.msk $0xffff, v9  }
0x271: {  	[tilespmem:s19+$0x12B80] =	vst.add.f32.msk $0xffff, v7  }
0x272: {  	[tilespmem:s19+$0x12A00] =	vst.add.f32.msk $0xffff, v10  }
0x273: {  	[tilespmem:s19+$0x12B00] =	vst.add.f32.msk $0xffff, v11  }
0x274: {  	s7 =	sor.u32 $0x2380, s7;
	[tilespmem:s19+$0x12A80] =	vst.add.f32.msk $0xffff, v5  }
0x275: {  	v5 =	vld [tilespmem:s7+$0xA00];
	_ =	sdelay $0x1  }
0x276: {  	s4 =	sshll.u32 s4, $0xA  }
0x277: {  	s4 =	sadd.s32 s14, s4  }
0x278: {  	s4 =	sshrl.u32 s4, $0x3;
	[tilespmem:s25+$0x10A00] =	vst.add.f32.msk $0xffff, v8  }
0x279: {  	s28 =	simm.s32 $0x10A00;
	s4 =	sadd.s32 s3, s4;
	[tilespmem:s7+$0x10A00] =	vst.add.f32.msk $0xffff, v5  }
0x27a: {  	[hbm4b:s4+s5] =	stream.linear.scatter [tilespmem:s28], [sflag:$0x9], $0x4000, $0x38;
	[tilespmem:$0x18A00] =	vst v63  }
0x27b: {  	v5 =	vld.idx.msk @!p0 [tilespmem:v4+s18+$0x0 ss:$0x1], $0xffff;
	_ =	sdelay $0x4  }
0x27c: {  	v6 =	vshll.u32 @!p0 v5, $0x3  }
0x27d: {  	v7 =	vlaneseq.u32 @!p0;
	v5 =	vand.u32 @!p0 $0x7, v5;
	v6 =	vand.u32 @!p0 $0xFFFFFFC0, v6  }
0x27e: {  	v8 =	vshrl.u32 @!p0 v7, $0x3;
	v5 =	vor.u32 @!p0 v5, v6;
	v6 =	vand.u32 @!p0 $0x7, v7  }
0x27f: {  	v8 =	vmul.u32 @!p0 $0x8, v8;
	v9 =	vperm.xlane @!p0 v5, v6;
	_ =	sdelay $0x1  }
0x280: {  	v9 =	vadd.s32 @!p0 v8, v9;
	_ =	sdelay $0x3  }
0x281: {  	s7 =	simm.s32 @!p0 $0x0;
	s4 =	simm.s32 @!p0 $0xA00  }
0x282: {  	v7 =	vor.u32 @!p0 $0x8, v7;
	[tilespmem:s4], [sflag:$0x1] =	stream.indirect_vreg.gather @!p0 [hbm4b:s1+s7], $0x80, v9, vm2, $0xb8;
	[tilespmem:$0x18A00] =	vst v63  }
0x283: {  	v5 =	vperm.xlane @!p0 v5, v7;
	s4 =	simm.s32 @!p0 $0x1200  }
0x284: {  	[tilespmem:s4], [sflag:$0x1] =	stream.indirect_vreg.gather @!p0 [hbm4b:s8+s7], $0x80, v9, vm2, $0xb8;
	[tilespmem:$0x18A00] =	vst v63  }
0x285: {  	v5 =	vadd.s32 @!p0 v8, v5;
	s4 =	simm.s32 @!p0 $0x1A00  }
0x286: {  	[tilespmem:s4], [sflag:$0x1] =	stream.indirect_vreg.gather @!p0 [hbm4b:s9+s7], $0x80, v9, vm2, $0xb8;
	[tilespmem:$0x18A00] =	vst v63  }
0x287: {  	s4 =	simm.s32 @!p0 $0x2200  }
0x288: {  	[tilespmem:s4], [sflag:$0x1] =	stream.indirect_vreg.gather @!p0 [hbm4b:s10+s7], $0x80, v9, vm2, $0xb8;
	[tilespmem:$0x18A00] =	vst v63  }
0x289: {  	s4 =	simm.s32 @!p0 $0x2A00  }
0x28a: {  	[tilespmem:s4], [sflag:$0x1] =	stream.indirect_vreg.gather @!p0 [hbm4b:s1+s7], $0x80, v5, vm2, $0xb8;
	[tilespmem:$0x18A00] =	vst v63  }
0x28b: {  	s4 =	simm.s32 @!p0 $0x3200  }
0x28c: {  	[tilespmem:s4], [sflag:$0x1] =	stream.indirect_vreg.gather @!p0 [hbm4b:s8+s7], $0x80, v5, vm2, $0xb8;
	[tilespmem:$0x18A00] =	vst v63  }
0x28d: {  	s4 =	simm.s32 @!p0 $0x3A00  }
0x28e: {  	[tilespmem:s4], [sflag:$0x1] =	stream.indirect_vreg.gather @!p0 [hbm4b:s9+s7], $0x80, v5, vm2, $0xb8;
	[tilespmem:$0x18A00] =	vst v63  }
0x28f: {  	s17 =	simm.s32 $0x8;
	s4 =	simm.s32 @!p0 $0x4200  }
0x290: {  	[tilespmem:s4], [sflag:$0x1] =	stream.indirect_vreg.gather @!p0 [hbm4b:s10+s7], $0x80, v5, vm2, $0xb8;
	[tilespmem:$0x18A00] =	vst v63  }
0x291: {  	s4 =	sadd.s32 $0x5, s31;
	_ =	swait.ge [sflag:s17], $0x4000  }
0x292: {  	s15 =	sshll.u32 @!p0 s4, $0x4;
	[sflag:s17] =	ssyncset.done $0x0  }
0x293: {  	s15 =	sand.u32 @!p0 $0x3FFFFFF0, s15;
	[sflag:s17] =	ssyncadd.s32 $0xFFFFC000  }
0x294: {  	v5 =	vld @!p0 [tilespmem:s15+$0x800];
	_ =	sdelay $0x4  }
0x295: {  	v9 =	vshll.u32 @!p0 v5, $0x3  }
0x296: {  	v5 =	vand.u32 @!p0 $0x7, v5;
	v9 =	vand.u32 @!p0 $0xFFFFFFC0, v9  }
0x297: {  	v5 =	vor.u32 @!p0 v5, v9  }
0x298: {  	v6 =	vperm.xlane @!p0 v5, v6;
	_ =	sdelay $0x1  }
0x299: {  	v6 =	vadd.s32 @!p0 v8, v6;
	_ =	sdelay $0x3  }
0x29a: {  	s15 =	simm.s32 @!p0 $0xCA00  }
0x29b: {  	[tilespmem:s15], [sflag:$0x4] =	stream.indirect_vreg.gather @!p0 [hbm4b:s2+s7], $0x80, v6, vm2, $0xb8;
	[tilespmem:$0x18A00] =	vst v63  }
0x29c: {  	v5 =	vperm.xlane @!p0 v5, v7;
	s15 =	simm.s32 @!p0 $0xD200  }
0x29d: {  	[tilespmem:s15], [sflag:$0x4] =	stream.indirect_vreg.gather @!p0 [hbm4b:s11+s7], $0x80, v6, vm2, $0xb8;
	[tilespmem:$0x18A00] =	vst v63  }
0x29e: {  	v5 =	vadd.s32 @!p0 v8, v5;
	s15 =	simm.s32 @!p0 $0xDA00  }
0x29f: {  	[tilespmem:s15], [sflag:$0x4] =	stream.indirect_vreg.gather @!p0 [hbm4b:s12+s7], $0x80, v6, vm2, $0xb8;
	[tilespmem:$0x18A00] =	vst v63  }
0x2a0: {  	s15 =	simm.s32 @!p0 $0xE200  }
0x2a1: {  	[tilespmem:s15], [sflag:$0x4] =	stream.indirect_vreg.gather @!p0 [hbm4b:s13+s7], $0x80, v6, vm2, $0xb8;
	[tilespmem:$0x18A00] =	vst v63  }
0x2a2: {  	s15 =	simm.s32 @!p0 $0xEA00  }
0x2a3: {  	[tilespmem:s15], [sflag:$0x4] =	stream.indirect_vreg.gather @!p0 [hbm4b:s2+s7], $0x80, v5, vm2, $0xb8;
	[tilespmem:$0x18A00] =	vst v63  }
0x2a4: {  	s15 =	simm.s32 @!p0 $0xF200  }
0x2a5: {  	[tilespmem:s15], [sflag:$0x4] =	stream.indirect_vreg.gather @!p0 [hbm4b:s11+s7], $0x80, v5, vm2, $0xb8;
	[tilespmem:$0x18A00] =	vst v63  }
0x2a6: {  	s15 =	simm.s32 @!p0 $0xFA00  }
0x2a7: {  	[tilespmem:s15], [sflag:$0x4] =	stream.indirect_vreg.gather @!p0 [hbm4b:s12+s7], $0x80, v5, vm2, $0xb8;
	[tilespmem:$0x18A00] =	vst v63  }
0x2a8: {  	s15 =	simm.s32 @!p0 $0x10200  }
0x2a9: {  	[tilespmem:s15], [sflag:$0x4] =	stream.indirect_vreg.gather @!p0 [hbm4b:s13+s7], $0x80, v5, vm2, $0xb8;
	[tilespmem:$0x18A00] =	vst v63  }
0x2aa: {  	_ =	swait.ge [sflag:s29], $0x4000  }
0x2ab: {  	[sflag:s29] =	ssyncset.done $0x0  }
0x2ac: {  	[sflag:s29] =	ssyncadd.s32 $0xFFFFC000  }
0x2ad: {  	s23 =	simm.s32 $0x0;
	_ =	swait.ge [sflag:s20], $0x4000  }
0x2ae: {  	s24 =	sand.u32 $0x70, s23;
	s25 =	sand.u32 $0x1C00, s23;
	[sflag:s20] =	ssyncset.done $0x0  }
0x2af: {  	s26 =	sor.u32 s24, s25;
	[sflag:s20] =	ssyncadd.s32 $0xFFFFC000  }
0x2b0: {  	v5 =	vld [tilespmem:s26+$0x4C00]  }
0x2b1: {  	v6 =	vld [tilespmem:s26+$0x4A80]  }
0x2b2: {  	v7 =	vld [tilespmem:s26+$0x4C80]  }
0x2b3: {  	v8 =	vld [tilespmem:s26+$0x4D00]  }
0x2b4: {  	v9 =	vld [tilespmem:s26+$0x4B00]  }
0x2b5: {  	[tilespmem:s26+$0x14C00] =	vst.add.f32.msk $0xffff, v5  }
0x2b6: {  	v5 =	vld [tilespmem:s26+$0x4B80]  }
0x2b7: {  	[tilespmem:s26+$0x14C80] =	vst.add.f32.msk $0xffff, v7  }
0x2b8: {  	v7 =	vld [tilespmem:s26+$0x4A00]  }
0x2b9: {  	s7 =	simm.s32 $0x10;
	s15 =	simm.s32 $0x80;
	[tilespmem:s26+$0x14D00] =	vst.add.f32.msk $0xffff, v8  }
0x2ba: {  	s31 =	sand.u32 $0x70, s7;
	s21 =	sand.u32 $0x1C00, s15;
	[tilespmem:s26+$0x14B00] =	vst.add.f32.msk $0xffff, v9  }
0x2bb: {  	s18 =	sor.u32 s31, s21;
	[tilespmem:s26+$0x14A80] =	vst.add.f32.msk $0xffff, v6  }
0x2bc: {  	v9 =	vld [tilespmem:s18+$0x4C00]  }
0x2bd: {  	s17 =	sor.u32 s23, s23;
	[tilespmem:s26+$0x14B80] =	vst.add.f32.msk $0xffff, v5  }
0x2be: {  	s23 =	sor.u32 $0x380, s17;
	[tilespmem:s26+$0x14A00] =	vst.add.f32.msk $0xffff, v7  }
0x2bf: {  	v8 =	vld [tilespmem:s23+$0x4A00]  }
0x2c0: {  	v6 =	vld [tilespmem:s18+$0x4D00]  }
0x2c1: {  	v5 =	vld [tilespmem:s18+$0x4A80]  }
0x2c2: {  	v7 =	vld [tilespmem:s18+$0x4C80]  }
0x2c3: {  	[tilespmem:s18+$0x14C00] =	vst.add.f32.msk $0xffff, v9  }
0x2c4: {  	[tilespmem:s23+$0x14A00] =	vst.add.f32.msk $0xffff, v8  }
0x2c5: {  	v8 =	vld [tilespmem:s26+$0x6D00]  }
0x2c6: {  	v10 =	vld [tilespmem:s26+$0x6C00]  }
0x2c7: {  	v11 =	vld [tilespmem:s26+$0x6B80]  }
0x2c8: {  	v12 =	vld [tilespmem:s26+$0x6C80]  }
0x2c9: {  	v13 =	vld [tilespmem:s26+$0x6A00]  }
0x2ca: {  	v9 =	vld [tilespmem:s26+$0x6B00]  }
0x2cb: {  	[tilespmem:s26+$0x16D00] =	vst.add.f32.msk $0xffff, v8  }
0x2cc: {  	v8 =	vld [tilespmem:s26+$0x6A80]  }
0x2cd: {  	[tilespmem:s26+$0x16C00] =	vst.add.f32.msk $0xffff, v10  }
0x2ce: {  	[tilespmem:s26+$0x16C80] =	vst.add.f32.msk $0xffff, v12  }
0x2cf: {  	[tilespmem:s26+$0x16B80] =	vst.add.f32.msk $0xffff, v11  }
0x2d0: {  	[tilespmem:s26+$0x16A00] =	vst.add.f32.msk $0xffff, v13  }
0x2d1: {  	[tilespmem:s26+$0x16B00] =	vst.add.f32.msk $0xffff, v9  }
0x2d2: {  	v9 =	vld [tilespmem:s18+$0x4B80]  }
0x2d3: {  	s24 =	sor.u32 $0x2380, s17;
	[tilespmem:s26+$0x16A80] =	vst.add.f32.msk $0xffff, v8  }
0x2d4: {  	s25 =	simm.s32 $0x20;
	s19 =	simm.s32 $0x100;
	v8 =	vld [tilespmem:s24+$0x4A00]  }
.LBB2_13:
0x2d5: {  	s17 =	sand.u32 $0x70, s25  }
0x2d6: {  	s23 =	sand.u32 $0x1C00, s19;
	[tilespmem:s18+$0x14C80] =	vst.add.f32.msk $0xffff, v7;
	s26 =	smov.u32 s25;
	s21 =	sadd.s32 $0x10, s25  }
0x2d7: {  	p1 =	sne.s32 s25, $0x3F0;
	s23 =	sor.u32 s17, s23;
	v7 =	vld [tilespmem:s18+$0x4B00]  }
0x2d8: {  	v10 =	vld [tilespmem:s18+$0x4A00]  }
0x2d9: {  	[tilespmem:s24+$0x14A00] =	vst.add.f32.msk $0xffff, v8  }
0x2da: {  	[tilespmem:s18+$0x14D00] =	vst.add.f32.msk $0xffff, v6  }
0x2db: {  	[tilespmem:s18+$0x14B80] =	vst.add.f32.msk $0xffff, v9  }
0x2dc: {  	[tilespmem:s18+$0x14B00] =	vst.add.f32.msk $0xffff, v7  }
0x2dd: {  	s17 =	sor.u32 s7, s15;
	s7 =	smov.u32 s26;
	s15 =	smov.u32 s19;
	[tilespmem:s18+$0x14A80] =	vst.add.f32.msk $0xffff, v5  }
0x2de: {  	s24 =	sor.u32 $0x380, s17;
	[tilespmem:s18+$0x14A00] =	vst.add.f32.msk $0xffff, v10  }
0x2df: {  	v8 =	vld [tilespmem:s24+$0x4A00]  }
0x2e0: {  	v5 =	vld [tilespmem:s23+$0x4A80]  }
0x2e1: {  	v7 =	vld [tilespmem:s23+$0x4C80]  }
0x2e2: {  	v6 =	vld [tilespmem:s23+$0x4D00]  }
0x2e3: {  	v9 =	vld [tilespmem:s23+$0x4C00]  }
0x2e4: {  	[tilespmem:s24+$0x14A00] =	vst.add.f32.msk $0xffff, v8  }
0x2e5: {  	v8 =	vld [tilespmem:s18+$0x6D00]  }
0x2e6: {  	v10 =	vld [tilespmem:s18+$0x6C00]  }
0x2e7: {  	v11 =	vld [tilespmem:s18+$0x6B80]  }
0x2e8: {  	v12 =	vld [tilespmem:s18+$0x6C80]  }
0x2e9: {  	v13 =	vld [tilespmem:s18+$0x6A00]  }
0x2ea: {  	[tilespmem:s23+$0x14C00] =	vst.add.f32.msk $0xffff, v9  }
0x2eb: {  	v9 =	vld [tilespmem:s18+$0x6B00]  }
0x2ec: {  	[tilespmem:s18+$0x16D00] =	vst.add.f32.msk $0xffff, v8  }
0x2ed: {  	v8 =	vld [tilespmem:s18+$0x6A80]  }
0x2ee: {  	[tilespmem:s18+$0x16C00] =	vst.add.f32.msk $0xffff, v10  }
0x2ef: {  	[tilespmem:s18+$0x16C80] =	vst.add.f32.msk $0xffff, v12  }
0x2f0: {  	[tilespmem:s18+$0x16B80] =	vst.add.f32.msk $0xffff, v11  }
.Ltmp7:
0x2f1: {  	[tilespmem:s18+$0x16A00] =	vst.add.f32.msk $0xffff, v13;
	(pc) =	sbr.rel @p1 .LBB2_13-.Ltmp7, $4  }
0x2f2: {  	s24 =	sor.u32 $0x2380, s17;
	[tilespmem:s18+$0x16A80] =	vst.add.f32.msk $0xffff, v8  }
0x2f3: {  	[tilespmem:s18+$0x16B00] =	vst.add.f32.msk $0xffff, v9;
	s18 =	smov.u32 s23  }
0x2f4: {  	v8 =	vld [tilespmem:s24+$0x4A00]  }
0x2f5: {  	s19 =	sadd.s32 $0x80, s19;
	s25 =	smov.u32 s21;
	v9 =	vld [tilespmem:s18+$0x4B80]  }
0x2f6: {  	[tilespmem:s18+$0x14C80] =	vst.add.f32.msk $0xffff, v7  }
0x2f7: {  	v7 =	vld [tilespmem:s18+$0x4B00]  }
0x2f8: {  	v10 =	vld [tilespmem:s18+$0x4A00]  }
0x2f9: {  	[tilespmem:s18+$0x14D00] =	vst.add.f32.msk $0xffff, v6  }
0x2fa: {  	[tilespmem:s18+$0x14A80] =	vst.add.f32.msk $0xffff, v5  }
0x2fb: {  	[tilespmem:s18+$0x14B80] =	vst.add.f32.msk $0xffff, v9  }
0x2fc: {  	s7 =	sor.u32 s7, s15;
	[tilespmem:s18+$0x14B00] =	vst.add.f32.msk $0xffff, v7  }
0x2fd: {  	s15 =	sor.u32 $0x380, s7;
	[tilespmem:s18+$0x14A00] =	vst.add.f32.msk $0xffff, v10  }
0x2fe: {  	v5 =	vld [tilespmem:s15+$0x4A00];
	_ =	sdelay $0x4  }
0x2ff: {  	[tilespmem:s15+$0x14A00] =	vst.add.f32.msk $0xffff, v5  }
0x300: {  	v5 =	vld [tilespmem:s18+$0x6D00]  }
0x301: {  	v6 =	vld [tilespmem:s18+$0x6C00]  }
0x302: {  	v7 =	vld [tilespmem:s18+$0x6B80]  }
0x303: {  	v62 =	vld [tilespmem:s18+$0x6C80]  }
0x304: {  	v63 =	vld [tilespmem:s18+$0x6A00]  }
0x305: {  	v11 =	vld [tilespmem:s18+$0x6B00]  }
0x306: {  	[tilespmem:s18+$0x16D00] =	vst.add.f32.msk $0xffff, v5  }
0x307: {  	v5 =	vld [tilespmem:s18+$0x6A80]  }
0x308: {  	[tilespmem:s18+$0x16C00] =	vst.add.f32.msk $0xffff, v6  }
0x309: {  	[tilespmem:s18+$0x16C80] =	vst.add.f32.msk $0xffff, v62  }
0x30a: {  	[tilespmem:s18+$0x16B80] =	vst.add.f32.msk $0xffff, v7  }
0x30b: {  	[tilespmem:s18+$0x16A00] =	vst.add.f32.msk $0xffff, v63  }
0x30c: {  	[tilespmem:s18+$0x16B00] =	vst.add.f32.msk $0xffff, v11  }
0x30d: {  	s7 =	sor.u32 $0x2380, s7;
	[tilespmem:s18+$0x16A80] =	vst.add.f32.msk $0xffff, v5  }
0x30e: {  	v5 =	vld [tilespmem:s7+$0x4A00];
	_ =	sdelay $0x1  }
.Ltmp8:
0x30f: {  	s0 =	sshll.u32 s0, $0xA;
	(pc) =	sbr.rel @p0 .LBB2_16-.Ltmp8, $4  }
0x310: {  	s0 =	sadd.s32 s14, s0  }
0x311: {  	s0 =	sshrl.u32 s0, $0x3;
	[tilespmem:s24+$0x14A00] =	vst.add.f32.msk $0xffff, v8  }
0x312: {  	s31 =	simm.s32 $0x14A00;
	s0 =	sadd.s32 s3, s0;
	[tilespmem:s7+$0x14A00] =	vst.add.f32.msk $0xffff, v5  }
0x313: {  	[hbm4b:s0+s5] =	stream.linear.scatter [tilespmem:s31], [sflag:$0xA], $0x4000, $0x38;
	[tilespmem:$0x18A00] =	vst v63  }
0x314: {  	_ =	sdelay $0x1  }
0x315: {  	s0 =	sshll.u32 s4, $0x4  }
0x316: {  	s0 =	sand.u32 $0x3FFFFFF0, s0  }
0x317: {  	v5 =	vld.idx.msk [tilespmem:v4+s0+$0x0 ss:$0x1], $0xffff;
	_ =	sdelay $0x4  }
0x318: {  	v6 =	vshll.u32 v5, $0x3  }
0x319: {  	v5 =	vand.u32 $0x7, v5;
	v6 =	vand.u32 $0xFFFFFFC0, v6  }
0x31a: {  	v5 =	vor.u32 v5, v6  }
0x31b: {  	v6 =	vperm.xlane v5, v0;
	_ =	sdelay $0x1  }
0x31c: {  	v6 =	vadd.s32 v1, v6;
	_ =	sdelay $0x3  }
0x31d: {  	s18 =	simm.s32 $0x4A00  }
0x31e: {  	[tilespmem:s18], [sflag:$0x2] =	stream.indirect_vreg.gather [hbm4b:s1+s5], $0x80, v6, vm0, $0xb8;
	[tilespmem:$0x18A00] =	vst v63  }
0x31f: {  	s19 =	simm.s32 $0x5200;
	v5 =	vperm.xlane v5, v2  }
0x320: {  	[tilespmem:s19], [sflag:$0x2] =	stream.indirect_vreg.gather [hbm4b:s8+s5], $0x80, v6, vm0, $0xb8;
	[tilespmem:$0x18A00] =	vst v63  }
0x321: {  	s21 =	simm.s32 $0x5A00;
	v5 =	vadd.s32 v1, v5  }
0x322: {  	[tilespmem:s21], [sflag:$0x2] =	stream.indirect_vreg.gather [hbm4b:s9+s5], $0x80, v6, vm0, $0xb8;
	[tilespmem:$0x18A00] =	vst v63  }
0x323: {  	s23 =	simm.s32 $0x6200  }
0x324: {  	[tilespmem:s23], [sflag:$0x2] =	stream.indirect_vreg.gather [hbm4b:s10+s5], $0x80, v6, vm0, $0xb8;
	[tilespmem:$0x18A00] =	vst v63  }
0x325: {  	s24 =	simm.s32 $0x6A00  }
0x326: {  	[tilespmem:s24], [sflag:$0x2] =	stream.indirect_vreg.gather [hbm4b:s1+s5], $0x80, v5, vm0, $0xb8;
	[tilespmem:$0x18A00] =	vst v63  }
0x327: {  	s25 =	simm.s32 $0x7200  }
0x328: {  	[tilespmem:s25], [sflag:$0x2] =	stream.indirect_vreg.gather [hbm4b:s8+s5], $0x80, v5, vm0, $0xb8;
	[tilespmem:$0x18A00] =	vst v63  }
.Ltmp9:
0x329: {  	_ = 	snop;
	(pc) =	sbr.rel .LBB2_6-.Ltmp9, $4  }
0x32a: {  	s26 =	simm.s32 $0x7A00  }
0x32b: {  	[tilespmem:s26], [sflag:$0x2] =	stream.indirect_vreg.gather [hbm4b:s9+s5], $0x80, v5, vm0, $0xb8;
	[tilespmem:$0x18A00] =	vst v63  }
0x32c: {  	s31 =	simm.s32 $0x8200;
	s30 =	sadd.s32 $0x1, s30  }
0x32d: {  	[tilespmem:s31], [sflag:$0x2] =	stream.indirect_vreg.gather [hbm4b:s10+s5], $0x80, v5, vm0, $0xb8;
	[tilespmem:$0x18A00] =	vst v63  }
.LBB2_17:
0x32e: {  	_ =	sfence.sel $0x180000  }
0x32f: {  	[bflag:$0x0] =	sbarrier.arrive $0xFFFF  }
0x330: {  	_ =	strace $0x90000047  }
0x331: {  	s0 =	stileid.u32;
	[bflag:$0x2] =	sbarrier.arrive $0xFFFF  }
0x332: {  	p0 =	sne.s32 s0, $0x0;
	s0 =	rddreg [dreg:$0x5]  }
0x333: {  	s0 =	sadd.s32 @!p0 $0x100000, s0  }
0x334: {  	[sflag:s0] =	ssyncadd.tile.s32 @!p0 $0x1;
	_ =	shalt  }
.Lfunc_end2:
_tile_overlayer_lowered:
.L_overlay_start_2:
0x335: {  	(tag) =	ssettag $0x2  }
0x336: {  	s0 =	rddreg [dreg:$0x0];
	s2 =	stileid.u32  }
0x337: {  	s1 =	rddreg [dreg:$0x1];
	p0 =	sne.s32 s2, $0x0  }
0x338: {  	s3 =	rddreg [dreg:$0x2];
	[bflag:$0x3] =	sbarrier.arrive $0xFFFF;
	s2 =	simm.s32 @!p0 $0x1C0B  }
0x339: {  	[timem:s3], [sflag:s2] =	dma.local @!p0 [hbm:s0], s1  }
0x33a: {  	s0 =	simm.s32 @!p0 $0xB  }
0x33b: {  	_ =	swait.ge @!p0 [sflag:s0], s1  }
0x33c: {  	s1 =	ssub.s32 @!p0 $0x0, s1;
	[sflag:s0] =	ssyncset.done @!p0 $0x0  }
0x33d: {  	[sflag:s0] =	ssyncadd.s32 @!p0 s1  }
0x33e: {  	[bflag:$0x3] =	sbarrier.arrive $0xFFFF  }
0x33f: {  	_ =	shalt  }

</sc_bundles>
